<compile_context>
chip_gen: v7x
topology: tpu7x:2x2x1
jax: 0.10.2.dev20260603
libtpu: 0.0.44.dev20260713+nightly
codegen_flags: <defaults>
</compile_context>

<pallas_src>
import functools

import jax
import jax.numpy as jnp
from jax import lax
from jax.experimental import pallas as pl
from jax.experimental.pallas import tpu as pltpu
from jax.experimental.pallas import tpu_sc as plsc


def _position_encoding(sentence_size, embed_size):
    i = jnp.arange(1, embed_size + 1, dtype=jnp.float32)
    j = jnp.arange(1, sentence_size + 1, dtype=jnp.float32)
    enc = (i[None, :] - (embed_size + 1) / 2.0) * (j[:, None] - (sentence_size + 1) / 2.0)
    return 1.0 + 4.0 * enc / (embed_size * sentence_size)


def _make_sc_gather(B, D, LP, CB=1, NQ=8, NBUF=16):
    info = plsc.get_sparse_core_info()
    NC, NS = info.num_cores, info.num_subcores
    NW = NC * NS
    bpw = B // NW
    nch = bpw // CB

    mesh = plsc.VectorSubcoreMesh(core_axis_name="c", subcore_axis_name="s")

    @functools.partial(
        pl.kernel,
        mesh=mesh,
        out_type=jax.ShapeDtypeStruct((B * LP, D), jnp.float32),
        scratch_types=[
            pltpu.VMEM((bpw * LP,), jnp.int32),
            pltpu.VMEM((NBUF * CB * LP, D), jnp.float32),
        ]
        + [pltpu.SemaphoreType.DMA] * (2 * NQ),
    )
    def sc_gather(a1_hbm, qp_hbm, out_hbm, idx_v, rows, *sems):
        gs, os = sems[:NQ], sems[NQ:]
        wid = lax.axis_index("s") * NC + lax.axis_index("c")
        base = wid * bpw
        pltpu.sync_copy(qp_hbm.at[pl.ds(base * LP, bpw * LP)], idx_v)

        def buf(ch):
            return rows.at[pl.ds((ch % NBUF) * CB * LP, CB * LP)]

        def gather_args(ch):
            return (
                a1_hbm.at[idx_v.at[pl.ds(ch * CB * LP, CB * LP)]],
                buf(ch),
                gs[ch % NQ],
            )

        def wb_args(ch):
            return (buf(ch), out_hbm.at[pl.ds((base + ch * CB) * LP, CB * LP)],
                    os[ch % NQ])

        for ch in range(min(NQ, nch)):
            pltpu.async_copy(*gather_args(ch))
        for ch in range(nch):
            pltpu.make_async_copy(*gather_args(ch)).wait()
            if ch >= NQ:
                pltpu.make_async_copy(*wb_args(ch - NQ)).wait()
            pltpu.async_copy(*wb_args(ch))
            if ch + NQ < nch:
                pltpu.async_copy(*gather_args(ch + NQ))
        for ch in range(max(0, nch - NQ), nch):
            pltpu.make_async_copy(*wb_args(ch)).wait()

    return sc_gather


def _pool_body(L, q_ref, enc_ref, emb_ref, o_ref):
    bs = q_ref.shape[0]
    D = emb_ref.shape[1]
    LP = enc_ref.shape[0]
    emb3 = emb_ref[...].reshape(bs, LP, D)
    qm = q_ref[...]
    w = enc_ref[...][None] * qm[:, :, None]
    z = jnp.sum(emb3 * w, axis=1)
    nsum = jnp.sum(qm, axis=1, keepdims=True)
    scale = jnp.where(nsum == 0.0, 0.0, 1.0 / nsum)
    o_ref[...] = (z * scale).astype(o_ref.dtype)


def _p1_body(out_cols, nt, q_ref, w_ref, b_ref, m_ref, lse_ref, sm_sc):
    j = pl.program_id(1)
    T = w_ref.shape[0]

    @pl.when(j == 0)
    def _():
        sm_sc[...] = jnp.zeros(sm_sc.shape, jnp.float32)

    z = lax.dot_general(q_ref[...], w_ref[...], (((1,), (1,)), ((), ())),
                        preferred_element_type=jnp.float32)
    z = z + b_ref[...]
    t = m_ref[...] * jnp.exp(z)

    def tail_sum():
        col = j * T + lax.broadcasted_iota(jnp.int32, (1, T), 1)
        return jnp.sum(jnp.where(col < out_cols, t, 0.0), axis=1, keepdims=True)

    def full_sum():
        return jnp.sum(t, axis=1, keepdims=True)

    st = lax.cond(j == nt - 1, tail_sum, full_sum)
    snew = sm_sc[:, 0:1] + st
    sm_sc[...] = jnp.broadcast_to(snew, sm_sc.shape)
    lse_ref[...] = jnp.broadcast_to(jnp.log(snew), lse_ref.shape)


def _p2_body(q_ref, w_ref, b_ref, m_ref, lse_ref, o_ref):
    z = lax.dot_general(q_ref[...], w_ref[...], (((1,), (1,)), ((), ())),
                        preferred_element_type=jnp.float32)
    z = z + b_ref[...]
    o_ref[...] = (z + jnp.log(m_ref[...] + 1e-45) - lse_ref[:, 0:1]).astype(o_ref.dtype)


def kernel(trainS, trainQ, trainVM, trainPM, trainSM, trainQM, inspect, A1, W, b):
    B, _, L = trainQ.shape
    V, D = A1.shape
    OUT = W.shape[0]
    LP = ((L + 7) // 8) * 8

    Q = trainQ.reshape(B, L)
    Qp = jnp.pad(Q, ((0, 0), (0, LP - L))).reshape(B * LP)
    QMp = jnp.pad(trainQM, ((0, 0), (0, LP - L)))
    encp = jnp.pad(_position_encoding(L, D), ((0, LP - L), (0, 0)))

    emb = _make_sc_gather(B, D, LP)(A1, Qp)

    BS = 256
    qb = pl.pallas_call(
        functools.partial(_pool_body, L),
        grid=(B // BS,),
        in_specs=[
            pl.BlockSpec((BS, LP), lambda i: (i, 0)),
            pl.BlockSpec((LP, D), lambda i: (0, 0)),
            pl.BlockSpec((BS * LP, D), lambda i: (i, 0)),
        ],
        out_specs=pl.BlockSpec((BS, D), lambda i: (i, 0)),
        out_shape=jax.ShapeDtypeStruct((B, D), jnp.bfloat16),
        compiler_params=pltpu.CompilerParams(dimension_semantics=("parallel",)),
    )(QMp, encp, emb)

    wb = W.astype(jnp.bfloat16)
    b2 = b.reshape(1, OUT)

    T = 2048
    NT = -(-OUT // T)
    NB = 1
    BB = B // NB

    lse = pl.pallas_call(
        functools.partial(_p1_body, OUT, NT),
        grid=(NB, NT),
        in_specs=[
            pl.BlockSpec((BB, D), lambda i, j: (i, 0)),
            pl.BlockSpec((T, D), lambda i, j: (j, 0)),
            pl.BlockSpec((1, T), lambda i, j: (0, j)),
            pl.BlockSpec((BB, T), lambda i, j: (i, j)),
        ],
        out_specs=pl.BlockSpec((BB, 128), lambda i, j: (i, 0)),
        out_shape=jax.ShapeDtypeStruct((B, 128), jnp.float32),
        scratch_shapes=[pltpu.VMEM((BB, 128), jnp.float32)],
        compiler_params=pltpu.CompilerParams(
            dimension_semantics=("parallel", "arbitrary")),
    )(qb, wb, b2, trainVM)

    out = pl.pallas_call(
        _p2_body,
        grid=(NB, NT),
        in_specs=[
            pl.BlockSpec((BB, D), lambda i, j: (i, 0)),
            pl.BlockSpec((T, D), lambda i, j: (j, 0)),
            pl.BlockSpec((1, T), lambda i, j: (0, j)),
            pl.BlockSpec((BB, T), lambda i, j: (i, j)),
            pl.BlockSpec((BB, 128), lambda i, j: (i, 0)),
        ],
        out_specs=pl.BlockSpec((BB, T), lambda i, j: (i, j)),
        out_shape=jax.ShapeDtypeStruct((B, OUT), jnp.bfloat16),
        compiler_params=pltpu.CompilerParams(
            dimension_semantics=("parallel", "parallel")),
    )(qb, wb, b2, trainVM, lse)
    return out.astype(jnp.float32)

# --- scband reference (transcript-rebuilt; emitter-appended) ---
"""Pipeline reference for scband-query-classifier-79139067396579 (READ-ONLY COPY).

The authoritative reference and input builder live on the scoring server;
editing this copy changes nothing except your own understanding.
"""

import jax, jax.numpy as jnp
import numpy as np

B = 1024
L = 50
D = 128
V = 100000
OUT = 100000


def get_position_encoding(batch_size, sentence_size, embed_size):
    # Faithful port of the standard KV-MemNN position encoding used by this model.
    i = jnp.arange(1, embed_size + 1, dtype=jnp.float32)  # embedding dim index
    j = jnp.arange(1, sentence_size + 1, dtype=jnp.float32)  # sentence pos index
    enc = (i[None, :] - (embed_size + 1) / 2.0) * (j[:, None] - (sentence_size + 1) / 2.0)  # [L, D]
    enc = 1.0 + 4.0 * enc / (embed_size * sentence_size)
    return jnp.broadcast_to(enc[None, :, :], (batch_size, sentence_size, embed_size))


def masked_log_softmax(vector, mask):
    if mask is not None:
        vector = vector + jnp.log(mask + 1e-45)
    return jax.nn.log_softmax(vector, axis=-1)


def setup_inputs(seed: int = 0) -> dict:
    key = jax.random.key(seed)
    ks = jax.random.split(key, 8)
    trainS = jnp.zeros((1,), dtype=jnp.float32)  # unused by forward
    trainQ = jax.random.randint(ks[0], (B, 1, L), 0, V)  # int32 indices (jax default)
    trainVM = jax.random.uniform(ks[1], (B, OUT), dtype=jnp.float32)
    trainPM = jnp.zeros((1,), dtype=jnp.float32)  # unused by forward
    trainSM = jnp.zeros((1,), dtype=jnp.float32)  # unused by forward
    trainQM = jax.random.uniform(ks[2], (B, L), dtype=jnp.float32)
    inspect = 0
    # learned parameters
    A1 = jax.random.normal(ks[3], (V, D), dtype=jnp.float32) * 0.1  # embedding table, N(0, 0.1)
    W = jax.random.normal(ks[4], (OUT, D), dtype=jnp.float32) * 0.02  # lin_final.weight
    b = jnp.zeros((OUT,), dtype=jnp.float32)  # lin_final.bias
    return {"trainS": trainS, "trainQ": trainQ, "trainVM": trainVM, "trainPM": trainPM,
            "trainSM": trainSM, "trainQM": trainQM, "inspect": inspect,
            "A1": A1, "W": W, "b": b}


def reference(trainS, trainQ, trainVM, trainPM, trainSM, trainQM, inspect, A1, W, b):
    Q = jnp.squeeze(trainQ, axis=1)  # [B, L]
    queries_emb = jnp.take(A1, Q, axis=0)  # embedding lookup -> [B, L, D]
    position_encoding = get_position_encoding(queries_emb.shape[0], queries_emb.shape[1], D)
    queries = queries_emb * position_encoding
    queries = queries * trainQM[:, :, None]
    queries_rep = jnp.sum(queries, axis=1)  # [B, D]
    # args.average_embs = True branch
    normalizer = jnp.sum(trainQM, axis=1)[:, None]  # [B, 1]
    normalizer = jnp.where(normalizer == 0.0, jnp.inf, normalizer)
    queries_rep = queries_rep / normalizer
    y_pred = queries_rep @ W.T + b  # [B, OUT]
    out = masked_log_softmax(y_pred, trainVM)
    return out

if __name__ == "__main__":
    import jax
    _d = setup_inputs()
    print(jax.jit(kernel)(*tuple(_d.values())))

</pallas_src>

<mosaic_0001>
#map = affine_map<(d0, d1) -> (0, 0)>
#map1 = affine_map<(d0, d1) -> (0)>
module attributes {stable_mosaic.version = 14 : i64} {
  func.func @sc_gather(%arg0: i32, %arg1: i32, %arg2: memref<100000x128xf32, #tpu.memory_space<hbm>>, %arg3: memref<57344xi32, #tpu.memory_space<hbm>>, %arg4: memref<57344x128xf32, #tpu.memory_space<hbm>>, %arg5: memref<1792xi32, #tpu.memory_space<vmem>>, %arg6: memref<896x128xf32, #tpu.memory_space<vmem>>, %arg7: memref<!tpu.dma_semaphore, #tpu.memory_space<semaphore_mem>>, %arg8: memref<!tpu.dma_semaphore, #tpu.memory_space<semaphore_mem>>, %arg9: memref<!tpu.dma_semaphore, #tpu.memory_space<semaphore_mem>>, %arg10: memref<!tpu.dma_semaphore, #tpu.memory_space<semaphore_mem>>, %arg11: memref<!tpu.dma_semaphore, #tpu.memory_space<semaphore_mem>>, %arg12: memref<!tpu.dma_semaphore, #tpu.memory_space<semaphore_mem>>, %arg13: memref<!tpu.dma_semaphore, #tpu.memory_space<semaphore_mem>>, %arg14: memref<!tpu.dma_semaphore, #tpu.memory_space<semaphore_mem>>, %arg15: memref<!tpu.dma_semaphore, #tpu.memory_space<semaphore_mem>>, %arg16: memref<!tpu.dma_semaphore, #tpu.memory_space<semaphore_mem>>, %arg17: memref<!tpu.dma_semaphore, #tpu.memory_space<semaphore_mem>>, %arg18: memref<!tpu.dma_semaphore, #tpu.memory_space<semaphore_mem>>, %arg19: memref<!tpu.dma_semaphore, #tpu.memory_space<semaphore_mem>>, %arg20: memref<!tpu.dma_semaphore, #tpu.memory_space<semaphore_mem>>, %arg21: memref<!tpu.dma_semaphore, #tpu.memory_space<semaphore_mem>>, %arg22: memref<!tpu.dma_semaphore, #tpu.memory_space<semaphore_mem>>) attributes {dimension_semantics = [#tpu.dimension_semantics<core_parallel>, #tpu.dimension_semantics<subcore_parallel>], iteration_bounds = array<i64: 2, 16>, scalar_prefetch = 0 : i64, scratch_operands = 18 : i64, tpu.core_type = #tpu.core_type<sc_vector_subcore>, window_params = [{transform_indices = #map}, {transform_indices = #map1}, {transform_indices = #map}]} {
    %mul3A = arith.constant 2 : i32
    %mul3A_0 = arith.muli %arg1, %mul3A : i32
    %add3A = arith.addi %mul3A_0, %arg0 : i32
    %mul3A_1 = arith.constant 32 : i32
    %mul3A_2 = arith.muli %add3A, %mul3A_1 : i32
    %mul3A_3 = arith.constant 56 : i32
    %mul3A_4 = arith.muli %mul3A_2, %mul3A_3 : i32
    "tpu.region"() ({
      %run_scoped3A = tpu.sem_alloc : memref<!tpu.dma_semaphore, #tpu.memory_space<semaphore_mem>>
      %dma_start3A_1411 = tpu.memref_slice %arg3[%mul3A_4] : memref<57344xi32, #tpu.memory_space<hbm>> -> memref<1792xi32, #tpu.memory_space<hbm>>
      %dma_start3A_1412 = tpu.memref_slice %arg3[%mul3A_4] : memref<57344xi32, #tpu.memory_space<hbm>> -> memref<1792xi32, #tpu.memory_space<hbm>>
      tpu.enqueue_dma source(%dma_start3A_1412 : memref<1792xi32, #tpu.memory_space<hbm>>) target(%arg5 : memref<1792xi32, #tpu.memory_space<vmem>>) target_semaphore(%run_scoped3A : memref<!tpu.dma_semaphore, #tpu.memory_space<semaphore_mem>>)
      %dma_wait3A_1413 = tpu.memref_slice %arg3[%mul3A_4] : memref<57344xi32, #tpu.memory_space<hbm>> -> memref<1792xi32, #tpu.memory_space<hbm>>
      %dma_wait3A_1414 = tpu.memref_slice %arg3[%mul3A_4] : memref<57344xi32, #tpu.memory_space<hbm>> -> memref<1792xi32, #tpu.memory_space<hbm>>
      tpu.wait_dma2 semaphore(%run_scoped3A : memref<!tpu.dma_semaphore, #tpu.memory_space<semaphore_mem>>) src(%dma_wait3A_1414 : memref<1792xi32, #tpu.memory_space<hbm>>) dst(%arg5 : memref<1792xi32, #tpu.memory_space<vmem>>)
      tpu.yield
    }) : () -> ()
    %dma_start3A = arith.constant 0 : i32
    %dma_start3A_5 = arith.constant 0 : i32
    %dma_start3A_6 = tpu.memref_slice %arg6[%dma_start3A, %dma_start3A_5] : memref<896x128xf32, #tpu.memory_space<vmem>> -> memref<56x128xf32, #tpu.memory_space<vmem>>
    %dma_start3A_7 = arith.constant 0 : i32
    %dma_start3A_8 = tpu.memref_slice %arg5[%dma_start3A_7] : memref<1792xi32, #tpu.memory_space<vmem>> -> memref<56xi32, #tpu.memory_space<vmem>>
    %dma_start3A_9 = arith.constant 0 : i32
    %dma_start3A_10 = arith.constant 0 : i32
    %dma_start3A_11 = tpu.memref_slice %arg2[%dma_start3A_9, %dma_start3A_10] : memref<100000x128xf32, #tpu.memory_space<hbm>> -> memref<100000x128xf32, #tpu.memory_space<hbm>>
    tpu.enqueue_indirect_dma source(%dma_start3A_11 : memref<100000x128xf32, #tpu.memory_space<hbm>>) target(%dma_start3A_6 : memref<56x128xf32, #tpu.memory_space<vmem>>) offsets(%dma_start3A_8 : memref<56xi32, #tpu.memory_space<vmem>>) semaphore(%arg7 : memref<!tpu.dma_semaphore, #tpu.memory_space<semaphore_mem>>)
    %dma_start3A_12 = arith.constant 56 : i32
    %dma_start3A_13 = arith.constant 0 : i32
    %dma_start3A_14 = tpu.memref_slice %arg6[%dma_start3A_12, %dma_start3A_13] : memref<896x128xf32, #tpu.memory_space<vmem>> -> memref<56x128xf32, #tpu.memory_space<vmem>>
    %dma_start3A_15 = arith.constant 56 : i32
    %dma_start3A_16 = tpu.memref_slice %arg5[%dma_start3A_15] : memref<1792xi32, #tpu.memory_space<vmem>> -> memref<56xi32, #tpu.memory_space<vmem>>
    %dma_start3A_17 = arith.constant 0 : i32
    %dma_start3A_18 = arith.constant 0 : i32
    %dma_start3A_19 = tpu.memref_slice %arg2[%dma_start3A_17, %dma_start3A_18] : memref<100000x128xf32, #tpu.memory_space<hbm>> -> memref<100000x128xf32, #tpu.memory_space<hbm>>
    tpu.enqueue_indirect_dma source(%dma_start3A_19 : memref<100000x128xf32, #tpu.memory_space<hbm>>) target(%dma_start3A_14 : memref<56x128xf32, #tpu.memory_space<vmem>>) offsets(%dma_start3A_16 : memref<56xi32, #tpu.memory_space<vmem>>) semaphore(%arg8 : memref<!tpu.dma_semaphore, #tpu.memory_space<semaphore_mem>>)
    %dma_start3A_20 = arith.constant 112 : i32
    %dma_start3A_21 = arith.constant 0 : i32
    %dma_start3A_22 = tpu.memref_slice %arg6[%dma_start3A_20, %dma_start3A_21] : memref<896x128xf32, #tpu.memory_space<vmem>> -> memref<56x128xf32, #tpu.memory_space<vmem>>
    %dma_start3A_23 = arith.constant 112 : i32
    %dma_start3A_24 = tpu.memref_slice %arg5[%dma_start3A_23] : memref<1792xi32, #tpu.memory_space<vmem>> -> memref<56xi32, #tpu.memory_space<vmem>>
    %dma_start3A_25 = arith.constant 0 : i32
    %dma_start3A_26 = arith.constant 0 : i32
    %dma_start3A_27 = tpu.memref_slice %arg2[%dma_start3A_25, %dma_start3A_26] : memref<100000x128xf32, #tpu.memory_space<hbm>> -> memref<100000x128xf32, #tpu.memory_space<hbm>>
    tpu.enqueue_indirect_dma source(%dma_start3A_27 : memref<100000x128xf32, #tpu.memory_space<hbm>>) target(%dma_start3A_22 : memref<56x128xf32, #tpu.memory_space<vmem>>) offsets(%dma_start3A_24 : memref<56xi32, #tpu.memory_space<vmem>>) semaphore(%arg9 : memref<!tpu.dma_semaphore, #tpu.memory_space<semaphore_mem>>)
    %dma_start3A_28 = arith.constant 168 : i32
    %dma_start3A_29 = arith.constant 0 : i32
    %dma_start3A_30 = tpu.memref_slice %arg6[%dma_start3A_28, %dma_start3A_29] : memref<896x128xf32, #tpu.memory_space<vmem>> -> memref<56x128xf32, #tpu.memory_space<vmem>>
    %dma_start3A_31 = arith.constant 168 : i32
    %dma_start3A_32 = tpu.memref_slice %arg5[%dma_start3A_31] : memref<1792xi32, #tpu.memory_space<vmem>> -> memref<56xi32, #tpu.memory_space<vmem>>
    %dma_start3A_33 = arith.constant 0 : i32
    %dma_start3A_34 = arith.constant 0 : i32
    %dma_start3A_35 = tpu.memref_slice %arg2[%dma_start3A_33, %dma_start3A_34] : memref<100000x128xf32, #tpu.memory_space<hbm>> -> memref<100000x128xf32, #tpu.memory_space<hbm>>
    tpu.enqueue_indirect_dma source(%dma_start3A_35 : memref<100000x128xf32, #tpu.memory_space<hbm>>) target(%dma_start3A_30 : memref<56x128xf32, #tpu.memory_space<vmem>>) offsets(%dma_start3A_32 : memref<56xi32, #tpu.memory_space<vmem>>) semaphore(%arg10 : memref<!tpu.dma_semaphore, #tpu.memory_space<semaphore_mem>>)
    %dma_start3A_36 = arith.constant 224 : i32
    %dma_start3A_37 = arith.constant 0 : i32
    %dma_start3A_38 = tpu.memref_slice %arg6[%dma_start3A_36, %dma_start3A_37] : memref<896x128xf32, #tpu.memory_space<vmem>> -> memref<56x128xf32, #tpu.memory_space<vmem>>
    %dma_start3A_39 = arith.constant 224 : i32
    %dma_start3A_40 = tpu.memref_slice %arg5[%dma_start3A_39] : memref<1792xi32, #tpu.memory_space<vmem>> -> memref<56xi32, #tpu.memory_space<vmem>>
    %dma_start3A_41 = arith.constant 0 : i32
    %dma_start3A_42 = arith.constant 0 : i32
    %dma_start3A_43 = tpu.memref_slice %arg2[%dma_start3A_41, %dma_start3A_42] : memref<100000x128xf32, #tpu.memory_space<hbm>> -> memref<100000x128xf32, #tpu.memory_space<hbm>>
    tpu.enqueue_indirect_dma source(%dma_start3A_43 : memref<100000x128xf32, #tpu.memory_space<hbm>>) target(%dma_start3A_38 : memref<56x128xf32, #tpu.memory_space<vmem>>) offsets(%dma_start3A_40 : memref<56xi32, #tpu.memory_space<vmem>>) semaphore(%arg11 : memref<!tpu.dma_semaphore, #tpu.memory_space<semaphore_mem>>)
    %dma_start3A_44 = arith.constant 280 : i32
    %dma_start3A_45 = arith.constant 0 : i32
    %dma_start3A_46 = tpu.memref_slice %arg6[%dma_start3A_44, %dma_start3A_45] : memref<896x128xf32, #tpu.memory_space<vmem>> -> memref<56x128xf32, #tpu.memory_space<vmem>>
    %dma_start3A_47 = arith.constant 280 : i32
    %dma_start3A_48 = tpu.memref_slice %arg5[%dma_start3A_47] : memref<1792xi32, #tpu.memory_space<vmem>> -> memref<56xi32, #tpu.memory_space<vmem>>
    %dma_start3A_49 = arith.constant 0 : i32
    %dma_start3A_50 = arith.constant 0 : i32
    %dma_start3A_51 = tpu.memref_slice %arg2[%dma_start3A_49, %dma_start3A_50] : memref<100000x128xf32, #tpu.memory_space<hbm>> -> memref<100000x128xf32, #tpu.memory_space<hbm>>
    tpu.enqueue_indirect_dma source(%dma_start3A_51 : memref<100000x128xf32, #tpu.memory_space<hbm>>) target(%dma_start3A_46 : memref<56x128xf32, #tpu.memory_space<vmem>>) offsets(%dma_start3A_48 : memref<56xi32, #tpu.memory_space<vmem>>) semaphore(%arg12 : memref<!tpu.dma_semaphore, #tpu.memory_space<semaphore_mem>>)
    %dma_start3A_52 = arith.constant 336 : i32
    %dma_start3A_53 = arith.constant 0 : i32
    %dma_start3A_54 = tpu.memref_slice %arg6[%dma_start3A_52, %dma_start3A_53] : memref<896x128xf32, #tpu.memory_space<vmem>> -> memref<56x128xf32, #tpu.memory_space<vmem>>
    %dma_start3A_55 = arith.constant 336 : i32
    %dma_start3A_56 = tpu.memref_slice %arg5[%dma_start3A_55] : memref<1792xi32, #tpu.memory_space<vmem>> -> memref<56xi32, #tpu.memory_space<vmem>>
    %dma_start3A_57 = arith.constant 0 : i32
    %dma_start3A_58 = arith.constant 0 : i32
    %dma_start3A_59 = tpu.memref_slice %arg2[%dma_start3A_57, %dma_start3A_58] : memref<100000x128xf32, #tpu.memory_space<hbm>> -> memref<100000x128xf32, #tpu.memory_space<hbm>>
    tpu.enqueue_indirect_dma source(%dma_start3A_59 : memref<100000x128xf32, #tpu.memory_space<hbm>>) target(%dma_start3A_54 : memref<56x128xf32, #tpu.memory_space<vmem>>) offsets(%dma_start3A_56 : memref<56xi32, #tpu.memory_space<vmem>>) semaphore(%arg13 : memref<!tpu.dma_semaphore, #tpu.memory_space<semaphore_mem>>)
    %dma_start3A_60 = arith.constant 392 : i32
    %dma_start3A_61 = arith.constant 0 : i32
    %dma_start3A_62 = tpu.memref_slice %arg6[%dma_start3A_60, %dma_start3A_61] : memref<896x128xf32, #tpu.memory_space<vmem>> -> memref<56x128xf32, #tpu.memory_space<vmem>>
    %dma_start3A_63 = arith.constant 392 : i32
    %dma_start3A_64 = tpu.memref_slice %arg5[%dma_start3A_63] : memref<1792xi32, #tpu.memory_space<vmem>> -> memref<56xi32, #tpu.memory_space<vmem>>
    %dma_start3A_65 = arith.constant 0 : i32
    %dma_start3A_66 = arith.constant 0 : i32
    %dma_start3A_67 = tpu.memref_slice %arg2[%dma_start3A_65, %dma_start3A_66] : memref<100000x128xf32, #tpu.memory_space<hbm>> -> memref<100000x128xf32, #tpu.memory_space<hbm>>
    tpu.enqueue_indirect_dma source(%dma_start3A_67 : memref<100000x128xf32, #tpu.memory_space<hbm>>) target(%dma_start3A_62 : memref<56x128xf32, #tpu.memory_space<vmem>>) offsets(%dma_start3A_64 : memref<56xi32, #tpu.memory_space<vmem>>) semaphore(%arg14 : memref<!tpu.dma_semaphore, #tpu.memory_space<semaphore_mem>>)
    %dma_wait3A = arith.constant 0 : i32
    %dma_wait3A_68 = arith.constant 0 : i32
    %dma_wait3A_69 = tpu.memref_slice %arg6[%dma_wait3A, %dma_wait3A_68] : memref<896x128xf32, #tpu.memory_space<vmem>> -> memref<56x128xf32, #tpu.memory_space<vmem>>
    %dma_wait3A_70 = arith.constant 0 : i32
    %dma_wait3A_71 = tpu.memref_slice %arg5[%dma_wait3A_70] : memref<1792xi32, #tpu.memory_space<vmem>> -> memref<56xi32, #tpu.memory_space<vmem>>
    %dma_wait3A_72 = arith.constant 0 : i32
    %dma_wait3A_73 = arith.constant 0 : i32
    %dma_wait3A_74 = tpu.memref_slice %arg2[%dma_wait3A_72, %dma_wait3A_73] : memref<100000x128xf32, #tpu.memory_space<hbm>> -> memref<100000x128xf32, #tpu.memory_space<hbm>>
    tpu.wait_indirect_dma semaphore(%arg7 : memref<!tpu.dma_semaphore, #tpu.memory_space<semaphore_mem>>) src(%dma_wait3A_74 : memref<100000x128xf32, #tpu.memory_space<hbm>>) dst(%dma_wait3A_69 : memref<56x128xf32, #tpu.memory_space<vmem>>)
    %add3A_75 = arith.constant 0 : i32
    %add3A_76 = arith.addi %mul3A_2, %add3A_75 : i32
    %mul3A_77 = arith.constant 56 : i32
    %mul3A_78 = arith.muli %add3A_76, %mul3A_77 : i32
    %dma_start3A_79 = arith.constant 0 : i32
    %dma_start3A_80 = arith.constant 0 : i32
    %dma_start3A_81 = tpu.memref_slice %arg6[%dma_start3A_79, %dma_start3A_80] : memref<896x128xf32, #tpu.memory_space<vmem>> -> memref<56x128xf32, #tpu.memory_space<vmem>>
    %dma_start3A_82 = arith.constant 0 : i32
    %dma_start3A_83 = tpu.memref_slice %arg4[%mul3A_78, %dma_start3A_82] : memref<57344x128xf32, #tpu.memory_space<hbm>> -> memref<56x128xf32, #tpu.memory_space<hbm>>
    %dma_start3A_84 = arith.constant 0 : i32
    %dma_start3A_85 = tpu.memref_slice %arg4[%mul3A_78, %dma_start3A_84] : memref<57344x128xf32, #tpu.memory_space<hbm>> -> memref<56x128xf32, #tpu.memory_space<hbm>>
    %dma_start3A_86 = arith.constant 0 : i32
    %dma_start3A_87 = arith.constant 0 : i32
    %dma_start3A_88 = tpu.memref_slice %arg6[%dma_start3A_86, %dma_start3A_87] : memref<896x128xf32, #tpu.memory_space<vmem>> -> memref<56x128xf32, #tpu.memory_space<vmem>>
    tpu.enqueue_dma source(%dma_start3A_88 : memref<56x128xf32, #tpu.memory_space<vmem>>) target(%dma_start3A_85 : memref<56x128xf32, #tpu.memory_space<hbm>>) target_semaphore(%arg15 : memref<!tpu.dma_semaphore, #tpu.memory_space<semaphore_mem>>)
    %dma_start3A_89 = arith.constant 448 : i32
    %dma_start3A_90 = arith.constant 0 : i32
    %dma_start3A_91 = tpu.memref_slice %arg6[%dma_start3A_89, %dma_start3A_90] : memref<896x128xf32, #tpu.memory_space<vmem>> -> memref<56x128xf32, #tpu.memory_space<vmem>>
    %dma_start3A_92 = arith.constant 448 : i32
    %dma_start3A_93 = tpu.memref_slice %arg5[%dma_start3A_92] : memref<1792xi32, #tpu.memory_space<vmem>> -> memref<56xi32, #tpu.memory_space<vmem>>
    %dma_start3A_94 = arith.constant 0 : i32
    %dma_start3A_95 = arith.constant 0 : i32
    %dma_start3A_96 = tpu.memref_slice %arg2[%dma_start3A_94, %dma_start3A_95] : memref<100000x128xf32, #tpu.memory_space<hbm>> -> memref<100000x128xf32, #tpu.memory_space<hbm>>
    tpu.enqueue_indirect_dma source(%dma_start3A_96 : memref<100000x128xf32, #tpu.memory_space<hbm>>) target(%dma_start3A_91 : memref<56x128xf32, #tpu.memory_space<vmem>>) offsets(%dma_start3A_93 : memref<56xi32, #tpu.memory_space<vmem>>) semaphore(%arg7 : memref<!tpu.dma_semaphore, #tpu.memory_space<semaphore_mem>>)
    %dma_wait3A_97 = arith.constant 56 : i32
    %dma_wait3A_98 = arith.constant 0 : i32
    %dma_wait3A_99 = tpu.memref_slice %arg6[%dma_wait3A_97, %dma_wait3A_98] : memref<896x128xf32, #tpu.memory_space<vmem>> -> memref<56x128xf32, #tpu.memory_space<vmem>>
    %dma_wait3A_100 = arith.constant 56 : i32
    %dma_wait3A_101 = tpu.memref_slice %arg5[%dma_wait3A_100] : memref<1792xi32, #tpu.memory_space<vmem>> -> memref<56xi32, #tpu.memory_space<vmem>>
    %dma_wait3A_102 = arith.constant 0 : i32
    %dma_wait3A_103 = arith.constant 0 : i32
    %dma_wait3A_104 = tpu.memref_slice %arg2[%dma_wait3A_102, %dma_wait3A_103] : memref<100000x128xf32, #tpu.memory_space<hbm>> -> memref<100000x128xf32, #tpu.memory_space<hbm>>
    tpu.wait_indirect_dma semaphore(%arg8 : memref<!tpu.dma_semaphore, #tpu.memory_space<semaphore_mem>>) src(%dma_wait3A_104 : memref<100000x128xf32, #tpu.memory_space<hbm>>) dst(%dma_wait3A_99 : memref<56x128xf32, #tpu.memory_space<vmem>>)
    %add3A_105 = arith.constant 1 : i32
    %add3A_106 = arith.addi %mul3A_2, %add3A_105 : i32
    %mul3A_107 = arith.constant 56 : i32
    %mul3A_108 = arith.muli %add3A_106, %mul3A_107 : i32
    %dma_start3A_109 = arith.constant 56 : i32
    %dma_start3A_110 = arith.constant 0 : i32
    %dma_start3A_111 = tpu.memref_slice %arg6[%dma_start3A_109, %dma_start3A_110] : memref<896x128xf32, #tpu.memory_space<vmem>> -> memref<56x128xf32, #tpu.memory_space<vmem>>
    %dma_start3A_112 = arith.constant 0 : i32
    %dma_start3A_113 = tpu.memref_slice %arg4[%mul3A_108, %dma_start3A_112] : memref<57344x128xf32, #tpu.memory_space<hbm>> -> memref<56x128xf32, #tpu.memory_space<hbm>>
    %dma_start3A_114 = arith.constant 0 : i32
    %dma_start3A_115 = tpu.memref_slice %arg4[%mul3A_108, %dma_start3A_114] : memref<57344x128xf32, #tpu.memory_space<hbm>> -> memref<56x128xf32, #tpu.memory_space<hbm>>
    %dma_start3A_116 = arith.constant 56 : i32
    %dma_start3A_117 = arith.constant 0 : i32
    %dma_start3A_118 = tpu.memref_slice %arg6[%dma_start3A_116, %dma_start3A_117] : memref<896x128xf32, #tpu.memory_space<vmem>> -> memref<56x128xf32, #tpu.memory_space<vmem>>
    tpu.enqueue_dma source(%dma_start3A_118 : memref<56x128xf32, #tpu.memory_space<vmem>>) target(%dma_start3A_115 : memref<56x128xf32, #tpu.memory_space<hbm>>) target_semaphore(%arg16 : memref<!tpu.dma_semaphore, #tpu.memory_space<semaphore_mem>>)
    %dma_start3A_119 = arith.constant 504 : i32
    %dma_start3A_120 = arith.constant 0 : i32
    %dma_start3A_121 = tpu.memref_slice %arg6[%dma_start3A_119, %dma_start3A_120] : memref<896x128xf32, #tpu.memory_space<vmem>> -> memref<56x128xf32, #tpu.memory_space<vmem>>
    %dma_start3A_122 = arith.constant 504 : i32
    %dma_start3A_123 = tpu.memref_slice %arg5[%dma_start3A_122] : memref<1792xi32, #tpu.memory_space<vmem>> -> memref<56xi32, #tpu.memory_space<vmem>>
    %dma_start3A_124 = arith.constant 0 : i32
    %dma_start3A_125 = arith.constant 0 : i32
    %dma_start3A_126 = tpu.memref_slice %arg2[%dma_start3A_124, %dma_start3A_125] : memref<100000x128xf32, #tpu.memory_space<hbm>> -> memref<100000x128xf32, #tpu.memory_space<hbm>>
    tpu.enqueue_indirect_dma source(%dma_start3A_126 : memref<100000x128xf32, #tpu.memory_space<hbm>>) target(%dma_start3A_121 : memref<56x128xf32, #tpu.memory_space<vmem>>) offsets(%dma_start3A_123 : memref<56xi32, #tpu.memory_space<vmem>>) semaphore(%arg8 : memref<!tpu.dma_semaphore, #tpu.memory_space<semaphore_mem>>)
    %dma_wait3A_127 = arith.constant 112 : i32
    %dma_wait3A_128 = arith.constant 0 : i32
    %dma_wait3A_129 = tpu.memref_slice %arg6[%dma_wait3A_127, %dma_wait3A_128] : memref<896x128xf32, #tpu.memory_space<vmem>> -> memref<56x128xf32, #tpu.memory_space<vmem>>
    %dma_wait3A_130 = arith.constant 112 : i32
    %dma_wait3A_131 = tpu.memref_slice %arg5[%dma_wait3A_130] : memref<1792xi32, #tpu.memory_space<vmem>> -> memref<56xi32, #tpu.memory_space<vmem>>
    %dma_wait3A_132 = arith.constant 0 : i32
    %dma_wait3A_133 = arith.constant 0 : i32
    %dma_wait3A_134 = tpu.memref_slice %arg2[%dma_wait3A_132, %dma_wait3A_133] : memref<100000x128xf32, #tpu.memory_space<hbm>> -> memref<100000x128xf32, #tpu.memory_space<hbm>>
    tpu.wait_indirect_dma semaphore(%arg9 : memref<!tpu.dma_semaphore, #tpu.memory_space<semaphore_mem>>) src(%dma_wait3A_134 : memref<100000x128xf32, #tpu.memory_space<hbm>>) dst(%dma_wait3A_129 : memref<56x128xf32, #tpu.memory_space<vmem>>)
    %add3A_135 = arith.constant 2 : i32
    %add3A_136 = arith.addi %mul3A_2, %add3A_135 : i32
    %mul3A_137 = arith.constant 56 : i32
    %mul3A_138 = arith.muli %add3A_136, %mul3A_137 : i32
    %dma_start3A_139 = arith.constant 112 : i32
    %dma_start3A_140 = arith.constant 0 : i32
    %dma_start3A_141 = tpu.memref_slice %arg6[%dma_start3A_139, %dma_start3A_140] : memref<896x128xf32, #tpu.memory_space<vmem>> -> memref<56x128xf32, #tpu.memory_space<vmem>>
    %dma_start3A_142 = arith.constant 0 : i32
    %dma_start3A_143 = tpu.memref_slice %arg4[%mul3A_138, %dma_start3A_142] : memref<57344x128xf32, #tpu.memory_space<hbm>> -> memref<56x128xf32, #tpu.memory_space<hbm>>
    %dma_start3A_144 = arith.constant 0 : i32
    %dma_start3A_145 = tpu.memref_slice %arg4[%mul3A_138, %dma_start3A_144] : memref<57344x128xf32, #tpu.memory_space<hbm>> -> memref<56x128xf32, #tpu.memory_space<hbm>>
    %dma_start3A_146 = arith.constant 112 : i32
    %dma_start3A_147 = arith.constant 0 : i32
    %dma_start3A_148 = tpu.memref_slice %arg6[%dma_start3A_146, %dma_start3A_147] : memref<896x128xf32, #tpu.memory_space<vmem>> -> memref<56x128xf32, #tpu.memory_space<vmem>>
    tpu.enqueue_dma source(%dma_start3A_148 : memref<56x128xf32, #tpu.memory_space<vmem>>) target(%dma_start3A_145 : memref<56x128xf32, #tpu.memory_space<hbm>>) target_semaphore(%arg17 : memref<!tpu.dma_semaphore, #tpu.memory_space<semaphore_mem>>)
    %dma_start3A_149 = arith.constant 560 : i32
    %dma_start3A_150 = arith.constant 0 : i32
    %dma_start3A_151 = tpu.memref_slice %arg6[%dma_start3A_149, %dma_start3A_150] : memref<896x128xf32, #tpu.memory_space<vmem>> -> memref<56x128xf32, #tpu.memory_space<vmem>>
    %dma_start3A_152 = arith.constant 560 : i32
    %dma_start3A_153 = tpu.memref_slice %arg5[%dma_start3A_152] : memref<1792xi32, #tpu.memory_space<vmem>> -> memref<56xi32, #tpu.memory_space<vmem>>
    %dma_start3A_154 = arith.constant 0 : i32
    %dma_start3A_155 = arith.constant 0 : i32
    %dma_start3A_156 = tpu.memref_slice %arg2[%dma_start3A_154, %dma_start3A_155] : memref<100000x128xf32, #tpu.memory_space<hbm>> -> memref<100000x128xf32, #tpu.memory_space<hbm>>
    tpu.enqueue_indirect_dma source(%dma_start3A_156 : memref<100000x128xf32, #tpu.memory_space<hbm>>) target(%dma_start3A_151 : memref<56x128xf32, #tpu.memory_space<vmem>>) offsets(%dma_start3A_153 : memref<56xi32, #tpu.memory_space<vmem>>) semaphore(%arg9 : memref<!tpu.dma_semaphore, #tpu.memory_space<semaphore_mem>>)
    %dma_wait3A_157 = arith.constant 168 : i32
    %dma_wait3A_158 = arith.constant 0 : i32
    %dma_wait3A_159 = tpu.memref_slice %arg6[%dma_wait3A_157, %dma_wait3A_158] : memref<896x128xf32, #tpu.memory_space<vmem>> -> memref<56x128xf32, #tpu.memory_space<vmem>>
    %dma_wait3A_160 = arith.constant 168 : i32
    %dma_wait3A_161 = tpu.memref_slice %arg5[%dma_wait3A_160] : memref<1792xi32, #tpu.memory_space<vmem>> -> memref<56xi32, #tpu.memory_space<vmem>>
    %dma_wait3A_162 = arith.constant 0 : i32
    %dma_wait3A_163 = arith.constant 0 : i32
    %dma_wait3A_164 = tpu.memref_slice %arg2[%dma_wait3A_162, %dma_wait3A_163] : memref<100000x128xf32, #tpu.memory_space<hbm>> -> memref<100000x128xf32, #tpu.memory_space<hbm>>
    tpu.wait_indirect_dma semaphore(%arg10 : memref<!tpu.dma_semaphore, #tpu.memory_space<semaphore_mem>>) src(%dma_wait3A_164 : memref<100000x128xf32, #tpu.memory_space<hbm>>) dst(%dma_wait3A_159 : memref<56x128xf32, #tpu.memory_space<vmem>>)
    %add3A_165 = arith.constant 3 : i32
    %add3A_166 = arith.addi %mul3A_2, %add3A_165 : i32
    %mul3A_167 = arith.constant 56 : i32
    %mul3A_168 = arith.muli %add3A_166, %mul3A_167 : i32
    %dma_start3A_169 = arith.constant 168 : i32
    %dma_start3A_170 = arith.constant 0 : i32
    %dma_start3A_171 = tpu.memref_slice %arg6[%dma_start3A_169, %dma_start3A_170] : memref<896x128xf32, #tpu.memory_space<vmem>> -> memref<56x128xf32, #tpu.memory_space<vmem>>
    %dma_start3A_172 = arith.constant 0 : i32
    %dma_start3A_173 = tpu.memref_slice %arg4[%mul3A_168, %dma_start3A_172] : memref<57344x128xf32, #tpu.memory_space<hbm>> -> memref<56x128xf32, #tpu.memory_space<hbm>>
    %dma_start3A_174 = arith.constant 0 : i32
    %dma_start3A_175 = tpu.memref_slice %arg4[%mul3A_168, %dma_start3A_174] : memref<57344x128xf32, #tpu.memory_space<hbm>> -> memref<56x128xf32, #tpu.memory_space<hbm>>
    %dma_start3A_176 = arith.constant 168 : i32
    %dma_start3A_177 = arith.constant 0 : i32
    %dma_start3A_178 = tpu.memref_slice %arg6[%dma_start3A_176, %dma_start3A_177] : memref<896x128xf32, #tpu.memory_space<vmem>> -> memref<56x128xf32, #tpu.memory_space<vmem>>
    tpu.enqueue_dma source(%dma_start3A_178 : memref<56x128xf32, #tpu.memory_space<vmem>>) target(%dma_start3A_175 : memref<56x128xf32, #tpu.memory_space<hbm>>) target_semaphore(%arg18 : memref<!tpu.dma_semaphore, #tpu.memory_space<semaphore_mem>>)
    %dma_start3A_179 = arith.constant 616 : i32
    %dma_start3A_180 = arith.constant 0 : i32
    %dma_start3A_181 = tpu.memref_slice %arg6[%dma_start3A_179, %dma_start3A_180] : memref<896x128xf32, #tpu.memory_space<vmem>> -> memref<56x128xf32, #tpu.memory_space<vmem>>
    %dma_start3A_182 = arith.constant 616 : i32
    %dma_start3A_183 = tpu.memref_slice %arg5[%dma_start3A_182] : memref<1792xi32, #tpu.memory_space<vmem>> -> memref<56xi32, #tpu.memory_space<vmem>>
    %dma_start3A_184 = arith.constant 0 : i32
    %dma_start3A_185 = arith.constant 0 : i32
    %dma_start3A_186 = tpu.memref_slice %arg2[%dma_start3A_184, %dma_start3A_185] : memref<100000x128xf32, #tpu.memory_space<hbm>> -> memref<100000x128xf32, #tpu.memory_space<hbm>>
    tpu.enqueue_indirect_dma source(%dma_start3A_186 : memref<100000x128xf32, #tpu.memory_space<hbm>>) target(%dma_start3A_181 : memref<56x128xf32, #tpu.memory_space<vmem>>) offsets(%dma_start3A_183 : memref<56xi32, #tpu.memory_space<vmem>>) semaphore(%arg10 : memref<!tpu.dma_semaphore, #tpu.memory_space<semaphore_mem>>)
    %dma_wait3A_187 = arith.constant 224 : i32
    %dma_wait3A_188 = arith.constant 0 : i32
    %dma_wait3A_189 = tpu.memref_slice %arg6[%dma_wait3A_187, %dma_wait3A_188] : memref<896x128xf32, #tpu.memory_space<vmem>> -> memref<56x128xf32, #tpu.memory_space<vmem>>
    %dma_wait3A_190 = arith.constant 224 : i32
    %dma_wait3A_191 = tpu.memref_slice %arg5[%dma_wait3A_190] : memref<1792xi32, #tpu.memory_space<vmem>> -> memref<56xi32, #tpu.memory_space<vmem>>
    %dma_wait3A_192 = arith.constant 0 : i32
    %dma_wait3A_193 = arith.constant 0 : i32
    %dma_wait3A_194 = tpu.memref_slice %arg2[%dma_wait3A_192, %dma_wait3A_193] : memref<100000x128xf32, #tpu.memory_space<hbm>> -> memref<100000x128xf32, #tpu.memory_space<hbm>>
    tpu.wait_indirect_dma semaphore(%arg11 : memref<!tpu.dma_semaphore, #tpu.memory_space<semaphore_mem>>) src(%dma_wait3A_194 : memref<100000x128xf32, #tpu.memory_space<hbm>>) dst(%dma_wait3A_189 : memref<56x128xf32, #tpu.memory_space<vmem>>)
    %add3A_195 = arith.constant 4 : i32
    %add3A_196 = arith.addi %mul3A_2, %add3A_195 : i32
    %mul3A_197 = arith.constant 56 : i32
    %mul3A_198 = arith.muli %add3A_196, %mul3A_197 : i32
    %dma_start3A_199 = arith.constant 224 : i32
    %dma_start3A_200 = arith.constant 0 : i32
    %dma_start3A_201 = tpu.memref_slice %arg6[%dma_start3A_199, %dma_start3A_200] : memref<896x128xf32, #tpu.memory_space<vmem>> -> memref<56x128xf32, #tpu.memory_space<vmem>>
    %dma_start3A_202 = arith.constant 0 : i32
    %dma_start3A_203 = tpu.memref_slice %arg4[%mul3A_198, %dma_start3A_202] : memref<57344x128xf32, #tpu.memory_space<hbm>> -> memref<56x128xf32, #tpu.memory_space<hbm>>
    %dma_start3A_204 = arith.constant 0 : i32
    %dma_start3A_205 = tpu.memref_slice %arg4[%mul3A_198, %dma_start3A_204] : memref<57344x128xf32, #tpu.memory_space<hbm>> -> memref<56x128xf32, #tpu.memory_space<hbm>>
    %dma_start3A_206 = arith.constant 224 : i32
    %dma_start3A_207 = arith.constant 0 : i32
    %dma_start3A_208 = tpu.memref_slice %arg6[%dma_start3A_206, %dma_start3A_207] : memref<896x128xf32, #tpu.memory_space<vmem>> -> memref<56x128xf32, #tpu.memory_space<vmem>>
    tpu.enqueue_dma source(%dma_start3A_208 : memref<56x128xf32, #tpu.memory_space<vmem>>) target(%dma_start3A_205 : memref<56x128xf32, #tpu.memory_space<hbm>>) target_semaphore(%arg19 : memref<!tpu.dma_semaphore, #tpu.memory_space<semaphore_mem>>)
    %dma_start3A_209 = arith.constant 672 : i32
    %dma_start3A_210 = arith.constant 0 : i32
    %dma_start3A_211 = tpu.memref_slice %arg6[%dma_start3A_209, %dma_start3A_210] : memref<896x128xf32, #tpu.memory_space<vmem>> -> memref<56x128xf32, #tpu.memory_space<vmem>>
    %dma_start3A_212 = arith.constant 672 : i32
    %dma_start3A_213 = tpu.memref_slice %arg5[%dma_start3A_212] : memref<1792xi32, #tpu.memory_space<vmem>> -> memref<56xi32, #tpu.memory_space<vmem>>
    %dma_start3A_214 = arith.constant 0 : i32
    %dma_start3A_215 = arith.constant 0 : i32
    %dma_start3A_216 = tpu.memref_slice %arg2[%dma_start3A_214, %dma_start3A_215] : memref<100000x128xf32, #tpu.memory_space<hbm>> -> memref<100000x128xf32, #tpu.memory_space<hbm>>
    tpu.enqueue_indirect_dma source(%dma_start3A_216 : memref<100000x128xf32, #tpu.memory_space<hbm>>) target(%dma_start3A_211 : memref<56x128xf32, #tpu.memory_space<vmem>>) offsets(%dma_start3A_213 : memref<56xi32, #tpu.memory_space<vmem>>) semaphore(%arg11 : memref<!tpu.dma_semaphore, #tpu.memory_space<semaphore_mem>>)
    %dma_wait3A_217 = arith.constant 280 : i32
    %dma_wait3A_218 = arith.constant 0 : i32
    %dma_wait3A_219 = tpu.memref_slice %arg6[%dma_wait3A_217, %dma_wait3A_218] : memref<896x128xf32, #tpu.memory_space<vmem>> -> memref<56x128xf32, #tpu.memory_space<vmem>>
    %dma_wait3A_220 = arith.constant 280 : i32
    %dma_wait3A_221 = tpu.memref_slice %arg5[%dma_wait3A_220] : memref<1792xi32, #tpu.memory_space<vmem>> -> memref<56xi32, #tpu.memory_space<vmem>>
    %dma_wait3A_222 = arith.constant 0 : i32
    %dma_wait3A_223 = arith.constant 0 : i32
    %dma_wait3A_224 = tpu.memref_slice %arg2[%dma_wait3A_222, %dma_wait3A_223] : memref<100000x128xf32, #tpu.memory_space<hbm>> -> memref<100000x128xf32, #tpu.memory_space<hbm>>
    tpu.wait_indirect_dma semaphore(%arg12 : memref<!tpu.dma_semaphore, #tpu.memory_space<semaphore_mem>>) src(%dma_wait3A_224 : memref<100000x128xf32, #tpu.memory_space<hbm>>) dst(%dma_wait3A_219 : memref<56x128xf32, #tpu.memory_space<vmem>>)
    %add3A_225 = arith.constant 5 : i32
    %add3A_226 = arith.addi %mul3A_2, %add3A_225 : i32
    %mul3A_227 = arith.constant 56 : i32
    %mul3A_228 = arith.muli %add3A_226, %mul3A_227 : i32
    %dma_start3A_229 = arith.constant 280 : i32
    %dma_start3A_230 = arith.constant 0 : i32
    %dma_start3A_231 = tpu.memref_slice %arg6[%dma_start3A_229, %dma_start3A_230] : memref<896x128xf32, #tpu.memory_space<vmem>> -> memref<56x128xf32, #tpu.memory_space<vmem>>
    %dma_start3A_232 = arith.constant 0 : i32
    %dma_start3A_233 = tpu.memref_slice %arg4[%mul3A_228, %dma_start3A_232] : memref<57344x128xf32, #tpu.memory_space<hbm>> -> memref<56x128xf32, #tpu.memory_space<hbm>>
    %dma_start3A_234 = arith.constant 0 : i32
    %dma_start3A_235 = tpu.memref_slice %arg4[%mul3A_228, %dma_start3A_234] : memref<57344x128xf32, #tpu.memory_space<hbm>> -> memref<56x128xf32, #tpu.memory_space<hbm>>
    %dma_start3A_236 = arith.constant 280 : i32
    %dma_start3A_237 = arith.constant 0 : i32
    %dma_start3A_238 = tpu.memref_slice %arg6[%dma_start3A_236, %dma_start3A_237] : memref<896x128xf32, #tpu.memory_space<vmem>> -> memref<56x128xf32, #tpu.memory_space<vmem>>
    tpu.enqueue_dma source(%dma_start3A_238 : memref<56x128xf32, #tpu.memory_space<vmem>>) target(%dma_start3A_235 : memref<56x128xf32, #tpu.memory_space<hbm>>) target_semaphore(%arg20 : memref<!tpu.dma_semaphore, #tpu.memory_space<semaphore_mem>>)
    %dma_start3A_239 = arith.constant 728 : i32
    %dma_start3A_240 = arith.constant 0 : i32
    %dma_start3A_241 = tpu.memref_slice %arg6[%dma_start3A_239, %dma_start3A_240] : memref<896x128xf32, #tpu.memory_space<vmem>> -> memref<56x128xf32, #tpu.memory_space<vmem>>
    %dma_start3A_242 = arith.constant 728 : i32
    %dma_start3A_243 = tpu.memref_slice %arg5[%dma_start3A_242] : memref<1792xi32, #tpu.memory_space<vmem>> -> memref<56xi32, #tpu.memory_space<vmem>>
    %dma_start3A_244 = arith.constant 0 : i32
    %dma_start3A_245 = arith.constant 0 : i32
    %dma_start3A_246 = tpu.memref_slice %arg2[%dma_start3A_244, %dma_start3A_245] : memref<100000x128xf32, #tpu.memory_space<hbm>> -> memref<100000x128xf32, #tpu.memory_space<hbm>>
    tpu.enqueue_indirect_dma source(%dma_start3A_246 : memref<100000x128xf32, #tpu.memory_space<hbm>>) target(%dma_start3A_241 : memref<56x128xf32, #tpu.memory_space<vmem>>) offsets(%dma_start3A_243 : memref<56xi32, #tpu.memory_space<vmem>>) semaphore(%arg12 : memref<!tpu.dma_semaphore, #tpu.memory_space<semaphore_mem>>)
    %dma_wait3A_247 = arith.constant 336 : i32
    %dma_wait3A_248 = arith.constant 0 : i32
    %dma_wait3A_249 = tpu.memref_slice %arg6[%dma_wait3A_247, %dma_wait3A_248] : memref<896x128xf32, #tpu.memory_space<vmem>> -> memref<56x128xf32, #tpu.memory_space<vmem>>
    %dma_wait3A_250 = arith.constant 336 : i32
    %dma_wait3A_251 = tpu.memref_slice %arg5[%dma_wait3A_250] : memref<1792xi32, #tpu.memory_space<vmem>> -> memref<56xi32, #tpu.memory_space<vmem>>
    %dma_wait3A_252 = arith.constant 0 : i32
    %dma_wait3A_253 = arith.constant 0 : i32
    %dma_wait3A_254 = tpu.memref_slice %arg2[%dma_wait3A_252, %dma_wait3A_253] : memref<100000x128xf32, #tpu.memory_space<hbm>> -> memref<100000x128xf32, #tpu.memory_space<hbm>>
    tpu.wait_indirect_dma semaphore(%arg13 : memref<!tpu.dma_semaphore, #tpu.memory_space<semaphore_mem>>) src(%dma_wait3A_254 : memref<100000x128xf32, #tpu.memory_space<hbm>>) dst(%dma_wait3A_249 : memref<56x128xf32, #tpu.memory_space<vmem>>)
    %add3A_255 = arith.constant 6 : i32
    %add3A_256 = arith.addi %mul3A_2, %add3A_255 : i32
    %mul3A_257 = arith.constant 56 : i32
    %mul3A_258 = arith.muli %add3A_256, %mul3A_257 : i32
    %dma_start3A_259 = arith.constant 336 : i32
    %dma_start3A_260 = arith.constant 0 : i32
    %dma_start3A_261 = tpu.memref_slice %arg6[%dma_start3A_259, %dma_start3A_260] : memref<896x128xf32, #tpu.memory_space<vmem>> -> memref<56x128xf32, #tpu.memory_space<vmem>>
    %dma_start3A_262 = arith.constant 0 : i32
    %dma_start3A_263 = tpu.memref_slice %arg4[%mul3A_258, %dma_start3A_262] : memref<57344x128xf32, #tpu.memory_space<hbm>> -> memref<56x128xf32, #tpu.memory_space<hbm>>
    %dma_start3A_264 = arith.constant 0 : i32
    %dma_start3A_265 = tpu.memref_slice %arg4[%mul3A_258, %dma_start3A_264] : memref<57344x128xf32, #tpu.memory_space<hbm>> -> memref<56x128xf32, #tpu.memory_space<hbm>>
    %dma_start3A_266 = arith.constant 336 : i32
    %dma_start3A_267 = arith.constant 0 : i32
    %dma_start3A_268 = tpu.memref_slice %arg6[%dma_start3A_266, %dma_start3A_267] : memref<896x128xf32, #tpu.memory_space<vmem>> -> memref<56x128xf32, #tpu.memory_space<vmem>>
    tpu.enqueue_dma source(%dma_start3A_268 : memref<56x128xf32, #tpu.memory_space<vmem>>) target(%dma_start3A_265 : memref<56x128xf32, #tpu.memory_space<hbm>>) target_semaphore(%arg21 : memref<!tpu.dma_semaphore, #tpu.memory_space<semaphore_mem>>)
    %dma_start3A_269 = arith.constant 784 : i32
    %dma_start3A_270 = arith.constant 0 : i32
    %dma_start3A_271 = tpu.memref_slice %arg6[%dma_start3A_269, %dma_start3A_270] : memref<896x128xf32, #tpu.memory_space<vmem>> -> memref<56x128xf32, #tpu.memory_space<vmem>>
    %dma_start3A_272 = arith.constant 784 : i32
    %dma_start3A_273 = tpu.memref_slice %arg5[%dma_start3A_272] : memref<1792xi32, #tpu.memory_space<vmem>> -> memref<56xi32, #tpu.memory_space<vmem>>
    %dma_start3A_274 = arith.constant 0 : i32
    %dma_start3A_275 = arith.constant 0 : i32
    %dma_start3A_276 = tpu.memref_slice %arg2[%dma_start3A_274, %dma_start3A_275] : memref<100000x128xf32, #tpu.memory_space<hbm>> -> memref<100000x128xf32, #tpu.memory_space<hbm>>
    tpu.enqueue_indirect_dma source(%dma_start3A_276 : memref<100000x128xf32, #tpu.memory_space<hbm>>) target(%dma_start3A_271 : memref<56x128xf32, #tpu.memory_space<vmem>>) offsets(%dma_start3A_273 : memref<56xi32, #tpu.memory_space<vmem>>) semaphore(%arg13 : memref<!tpu.dma_semaphore, #tpu.memory_space<semaphore_mem>>)
    %dma_wait3A_277 = arith.constant 392 : i32
    %dma_wait3A_278 = arith.constant 0 : i32
    %dma_wait3A_279 = tpu.memref_slice %arg6[%dma_wait3A_277, %dma_wait3A_278] : memref<896x128xf32, #tpu.memory_space<vmem>> -> memref<56x128xf32, #tpu.memory_space<vmem>>
    %dma_wait3A_280 = arith.constant 392 : i32
    %dma_wait3A_281 = tpu.memref_slice %arg5[%dma_wait3A_280] : memref<1792xi32, #tpu.memory_space<vmem>> -> memref<56xi32, #tpu.memory_space<vmem>>
    %dma_wait3A_282 = arith.constant 0 : i32
    %dma_wait3A_283 = arith.constant 0 : i32
    %dma_wait3A_284 = tpu.memref_slice %arg2[%dma_wait3A_282, %dma_wait3A_283] : memref<100000x128xf32, #tpu.memory_space<hbm>> -> memref<100000x128xf32, #tpu.memory_space<hbm>>
    tpu.wait_indirect_dma semaphore(%arg14 : memref<!tpu.dma_semaphore, #tpu.memory_space<semaphore_mem>>) src(%dma_wait3A_284 : memref<100000x128xf32, #tpu.memory_space<hbm>>) dst(%dma_wait3A_279 : memref<56x128xf32, #tpu.memory_space<vmem>>)
    %add3A_285 = arith.constant 7 : i32
    %add3A_286 = arith.addi %mul3A_2, %add3A_285 : i32
    %mul3A_287 = arith.constant 56 : i32
    %mul3A_288 = arith.muli %add3A_286, %mul3A_287 : i32
    %dma_start3A_289 = arith.constant 392 : i32
    %dma_start3A_290 = arith.constant 0 : i32
    %dma_start3A_291 = tpu.memref_slice %arg6[%dma_start3A_289, %dma_start3A_290] : memref<896x128xf32, #tpu.memory_space<vmem>> -> memref<56x128xf32, #tpu.memory_space<vmem>>
    %dma_start3A_292 = arith.constant 0 : i32
    %dma_start3A_293 = tpu.memref_slice %arg4[%mul3A_288, %dma_start3A_292] : memref<57344x128xf32, #tpu.memory_space<hbm>> -> memref<56x128xf32, #tpu.memory_space<hbm>>
    %dma_start3A_294 = arith.constant 0 : i32
    %dma_start3A_295 = tpu.memref_slice %arg4[%mul3A_288, %dma_start3A_294] : memref<57344x128xf32, #tpu.memory_space<hbm>> -> memref<56x128xf32, #tpu.memory_space<hbm>>
    %dma_start3A_296 = arith.constant 392 : i32
    %dma_start3A_297 = arith.constant 0 : i32
    %dma_start3A_298 = tpu.memref_slice %arg6[%dma_start3A_296, %dma_start3A_297] : memref<896x128xf32, #tpu.memory_space<vmem>> -> memref<56x128xf32, #tpu.memory_space<vmem>>
    tpu.enqueue_dma source(%dma_start3A_298 : memref<56x128xf32, #tpu.memory_space<vmem>>) target(%dma_start3A_295 : memref<56x128xf32, #tpu.memory_space<hbm>>) target_semaphore(%arg22 : memref<!tpu.dma_semaphore, #tpu.memory_space<semaphore_mem>>)
    %dma_start3A_299 = arith.constant 840 : i32
    %dma_start3A_300 = arith.constant 0 : i32
    %dma_start3A_301 = tpu.memref_slice %arg6[%dma_start3A_299, %dma_start3A_300] : memref<896x128xf32, #tpu.memory_space<vmem>> -> memref<56x128xf32, #tpu.memory_space<vmem>>
    %dma_start3A_302 = arith.constant 840 : i32
    %dma_start3A_303 = tpu.memref_slice %arg5[%dma_start3A_302] : memref<1792xi32, #tpu.memory_space<vmem>> -> memref<56xi32, #tpu.memory_space<vmem>>
    %dma_start3A_304 = arith.constant 0 : i32
    %dma_start3A_305 = arith.constant 0 : i32
    %dma_start3A_306 = tpu.memref_slice %arg2[%dma_start3A_304, %dma_start3A_305] : memref<100000x128xf32, #tpu.memory_space<hbm>> -> memref<100000x128xf32, #tpu.memory_space<hbm>>
    tpu.enqueue_indirect_dma source(%dma_start3A_306 : memref<100000x128xf32, #tpu.memory_space<hbm>>) target(%dma_start3A_301 : memref<56x128xf32, #tpu.memory_space<vmem>>) offsets(%dma_start3A_303 : memref<56xi32, #tpu.memory_space<vmem>>) semaphore(%arg14 : memref<!tpu.dma_semaphore, #tpu.memory_space<semaphore_mem>>)
    %dma_wait3A_307 = arith.constant 448 : i32
    %dma_wait3A_308 = arith.constant 0 : i32
    %dma_wait3A_309 = tpu.memref_slice %arg6[%dma_wait3A_307, %dma_wait3A_308] : memref<896x128xf32, #tpu.memory_space<vmem>> -> memref<56x128xf32, #tpu.memory_space<vmem>>
    %dma_wait3A_310 = arith.constant 448 : i32
    %dma_wait3A_311 = tpu.memref_slice %arg5[%dma_wait3A_310] : memref<1792xi32, #tpu.memory_space<vmem>> -> memref<56xi32, #tpu.memory_space<vmem>>
    %dma_wait3A_312 = arith.constant 0 : i32
    %dma_wait3A_313 = arith.constant 0 : i32
    %dma_wait3A_314 = tpu.memref_slice %arg2[%dma_wait3A_312, %dma_wait3A_313] : memref<100000x128xf32, #tpu.memory_space<hbm>> -> memref<100000x128xf32, #tpu.memory_space<hbm>>
    tpu.wait_indirect_dma semaphore(%arg7 : memref<!tpu.dma_semaphore, #tpu.memory_space<semaphore_mem>>) src(%dma_wait3A_314 : memref<100000x128xf32, #tpu.memory_space<hbm>>) dst(%dma_wait3A_309 : memref<56x128xf32, #tpu.memory_space<vmem>>)
    %add3A_315 = arith.constant 0 : i32
    %add3A_316 = arith.addi %mul3A_2, %add3A_315 : i32
    %mul3A_317 = arith.constant 56 : i32
    %mul3A_318 = arith.muli %add3A_316, %mul3A_317 : i32
    %dma_wait3A_319 = arith.constant 0 : i32
    %dma_wait3A_320 = arith.constant 0 : i32
    %dma_wait3A_321 = tpu.memref_slice %arg6[%dma_wait3A_319, %dma_wait3A_320] : memref<896x128xf32, #tpu.memory_space<vmem>> -> memref<56x128xf32, #tpu.memory_space<vmem>>
    %dma_wait3A_322 = arith.constant 0 : i32
    %dma_wait3A_323 = tpu.memref_slice %arg4[%mul3A_318, %dma_wait3A_322] : memref<57344x128xf32, #tpu.memory_space<hbm>> -> memref<56x128xf32, #tpu.memory_space<hbm>>
    %dma_wait3A_324 = arith.constant 0 : i32
    %dma_wait3A_325 = tpu.memref_slice %arg4[%mul3A_318, %dma_wait3A_324] : memref<57344x128xf32, #tpu.memory_space<hbm>> -> memref<56x128xf32, #tpu.memory_space<hbm>>
    %dma_wait3A_326 = arith.constant 0 : i32
    %dma_wait3A_327 = arith.constant 0 : i32
    %dma_wait3A_328 = tpu.memref_slice %arg6[%dma_wait3A_326, %dma_wait3A_327] : memref<896x128xf32, #tpu.memory_space<vmem>> -> memref<56x128xf32, #tpu.memory_space<vmem>>
    tpu.wait_dma2 semaphore(%arg15 : memref<!tpu.dma_semaphore, #tpu.memory_space<semaphore_mem>>) src(%dma_wait3A_328 : memref<56x128xf32, #tpu.memory_space<vmem>>) dst(%dma_wait3A_325 : memref<56x128xf32, #tpu.memory_space<hbm>>)
    %add3A_329 = arith.constant 8 : i32
    %add3A_330 = arith.addi %mul3A_2, %add3A_329 : i32
    %mul3A_331 = arith.constant 56 : i32
    %mul3A_332 = arith.muli %add3A_330, %mul3A_331 : i32
    %dma_start3A_333 = arith.constant 448 : i32
    %dma_start3A_334 = arith.constant 0 : i32
    %dma_start3A_335 = tpu.memref_slice %arg6[%dma_start3A_333, %dma_start3A_334] : memref<896x128xf32, #tpu.memory_space<vmem>> -> memref<56x128xf32, #tpu.memory_space<vmem>>
    %dma_start3A_336 = arith.constant 0 : i32
    %dma_start3A_337 = tpu.memref_slice %arg4[%mul3A_332, %dma_start3A_336] : memref<57344x128xf32, #tpu.memory_space<hbm>> -> memref<56x128xf32, #tpu.memory_space<hbm>>
    %dma_start3A_338 = arith.constant 0 : i32
    %dma_start3A_339 = tpu.memref_slice %arg4[%mul3A_332, %dma_start3A_338] : memref<57344x128xf32, #tpu.memory_space<hbm>> -> memref<56x128xf32, #tpu.memory_space<hbm>>
    %dma_start3A_340 = arith.constant 448 : i32
    %dma_start3A_341 = arith.constant 0 : i32
    %dma_start3A_342 = tpu.memref_slice %arg6[%dma_start3A_340, %dma_start3A_341] : memref<896x128xf32, #tpu.memory_space<vmem>> -> memref<56x128xf32, #tpu.memory_space<vmem>>
    tpu.enqueue_dma source(%dma_start3A_342 : memref<56x128xf32, #tpu.memory_space<vmem>>) target(%dma_start3A_339 : memref<56x128xf32, #tpu.memory_space<hbm>>) target_semaphore(%arg15 : memref<!tpu.dma_semaphore, #tpu.memory_space<semaphore_mem>>)
    %dma_start3A_343 = arith.constant 0 : i32
    %dma_start3A_344 = arith.constant 0 : i32
    %dma_start3A_345 = tpu.memref_slice %arg6[%dma_start3A_343, %dma_start3A_344] : memref<896x128xf32, #tpu.memory_space<vmem>> -> memref<56x128xf32, #tpu.memory_space<vmem>>
    %dma_start3A_346 = arith.constant 896 : i32
    %dma_start3A_347 = tpu.memref_slice %arg5[%dma_start3A_346] : memref<1792xi32, #tpu.memory_space<vmem>> -> memref<56xi32, #tpu.memory_space<vmem>>
    %dma_start3A_348 = arith.constant 0 : i32
    %dma_start3A_349 = arith.constant 0 : i32
    %dma_start3A_350 = tpu.memref_slice %arg2[%dma_start3A_348, %dma_start3A_349] : memref<100000x128xf32, #tpu.memory_space<hbm>> -> memref<100000x128xf32, #tpu.memory_space<hbm>>
    tpu.enqueue_indirect_dma source(%dma_start3A_350 : memref<100000x128xf32, #tpu.memory_space<hbm>>) target(%dma_start3A_345 : memref<56x128xf32, #tpu.memory_space<vmem>>) offsets(%dma_start3A_347 : memref<56xi32, #tpu.memory_space<vmem>>) semaphore(%arg7 : memref<!tpu.dma_semaphore, #tpu.memory_space<semaphore_mem>>)
    %dma_wait3A_351 = arith.constant 504 : i32
    %dma_wait3A_352 = arith.constant 0 : i32
    %dma_wait3A_353 = tpu.memref_slice %arg6[%dma_wait3A_351, %dma_wait3A_352] : memref<896x128xf32, #tpu.memory_space<vmem>> -> memref<56x128xf32, #tpu.memory_space<vmem>>
    %dma_wait3A_354 = arith.constant 504 : i32
    %dma_wait3A_355 = tpu.memref_slice %arg5[%dma_wait3A_354] : memref<1792xi32, #tpu.memory_space<vmem>> -> memref<56xi32, #tpu.memory_space<vmem>>
    %dma_wait3A_356 = arith.constant 0 : i32
    %dma_wait3A_357 = arith.constant 0 : i32
    %dma_wait3A_358 = tpu.memref_slice %arg2[%dma_wait3A_356, %dma_wait3A_357] : memref<100000x128xf32, #tpu.memory_space<hbm>> -> memref<100000x128xf32, #tpu.memory_space<hbm>>
    tpu.wait_indirect_dma semaphore(%arg8 : memref<!tpu.dma_semaphore, #tpu.memory_space<semaphore_mem>>) src(%dma_wait3A_358 : memref<100000x128xf32, #tpu.memory_space<hbm>>) dst(%dma_wait3A_353 : memref<56x128xf32, #tpu.memory_space<vmem>>)
    %add3A_359 = arith.constant 1 : i32
    %add3A_360 = arith.addi %mul3A_2, %add3A_359 : i32
    %mul3A_361 = arith.constant 56 : i32
    %mul3A_362 = arith.muli %add3A_360, %mul3A_361 : i32
    %dma_wait3A_363 = arith.constant 56 : i32
    %dma_wait3A_364 = arith.constant 0 : i32
    %dma_wait3A_365 = tpu.memref_slice %arg6[%dma_wait3A_363, %dma_wait3A_364] : memref<896x128xf32, #tpu.memory_space<vmem>> -> memref<56x128xf32, #tpu.memory_space<vmem>>
    %dma_wait3A_366 = arith.constant 0 : i32
    %dma_wait3A_367 = tpu.memref_slice %arg4[%mul3A_362, %dma_wait3A_366] : memref<57344x128xf32, #tpu.memory_space<hbm>> -> memref<56x128xf32, #tpu.memory_space<hbm>>
    %dma_wait3A_368 = arith.constant 0 : i32
    %dma_wait3A_369 = tpu.memref_slice %arg4[%mul3A_362, %dma_wait3A_368] : memref<57344x128xf32, #tpu.memory_space<hbm>> -> memref<56x128xf32, #tpu.memory_space<hbm>>
    %dma_wait3A_370 = arith.constant 56 : i32
    %dma_wait3A_371 = arith.constant 0 : i32
    %dma_wait3A_372 = tpu.memref_slice %arg6[%dma_wait3A_370, %dma_wait3A_371] : memref<896x128xf32, #tpu.memory_space<vmem>> -> memref<56x128xf32, #tpu.memory_space<vmem>>
    tpu.wait_dma2 semaphore(%arg16 : memref<!tpu.dma_semaphore, #tpu.memory_space<semaphore_mem>>) src(%dma_wait3A_372 : memref<56x128xf32, #tpu.memory_space<vmem>>) dst(%dma_wait3A_369 : memref<56x128xf32, #tpu.memory_space<hbm>>)
    %add3A_373 = arith.constant 9 : i32
    %add3A_374 = arith.addi %mul3A_2, %add3A_373 : i32
    %mul3A_375 = arith.constant 56 : i32
    %mul3A_376 = arith.muli %add3A_374, %mul3A_375 : i32
    %dma_start3A_377 = arith.constant 504 : i32
    %dma_start3A_378 = arith.constant 0 : i32
    %dma_start3A_379 = tpu.memref_slice %arg6[%dma_start3A_377, %dma_start3A_378] : memref<896x128xf32, #tpu.memory_space<vmem>> -> memref<56x128xf32, #tpu.memory_space<vmem>>
    %dma_start3A_380 = arith.constant 0 : i32
    %dma_start3A_381 = tpu.memref_slice %arg4[%mul3A_376, %dma_start3A_380] : memref<57344x128xf32, #tpu.memory_space<hbm>> -> memref<56x128xf32, #tpu.memory_space<hbm>>
    %dma_start3A_382 = arith.constant 0 : i32
    %dma_start3A_383 = tpu.memref_slice %arg4[%mul3A_376, %dma_start3A_382] : memref<57344x128xf32, #tpu.memory_space<hbm>> -> memref<56x128xf32, #tpu.memory_space<hbm>>
    %dma_start3A_384 = arith.constant 504 : i32
    %dma_start3A_385 = arith.constant 0 : i32
    %dma_start3A_386 = tpu.memref_slice %arg6[%dma_start3A_384, %dma_start3A_385] : memref<896x128xf32, #tpu.memory_space<vmem>> -> memref<56x128xf32, #tpu.memory_space<vmem>>
    tpu.enqueue_dma source(%dma_start3A_386 : memref<56x128xf32, #tpu.memory_space<vmem>>) target(%dma_start3A_383 : memref<56x128xf32, #tpu.memory_space<hbm>>) target_semaphore(%arg16 : memref<!tpu.dma_semaphore, #tpu.memory_space<semaphore_mem>>)
    %dma_start3A_387 = arith.constant 56 : i32
    %dma_start3A_388 = arith.constant 0 : i32
    %dma_start3A_389 = tpu.memref_slice %arg6[%dma_start3A_387, %dma_start3A_388] : memref<896x128xf32, #tpu.memory_space<vmem>> -> memref<56x128xf32, #tpu.memory_space<vmem>>
    %dma_start3A_390 = arith.constant 952 : i32
    %dma_start3A_391 = tpu.memref_slice %arg5[%dma_start3A_390] : memref<1792xi32, #tpu.memory_space<vmem>> -> memref<56xi32, #tpu.memory_space<vmem>>
    %dma_start3A_392 = arith.constant 0 : i32
    %dma_start3A_393 = arith.constant 0 : i32
    %dma_start3A_394 = tpu.memref_slice %arg2[%dma_start3A_392, %dma_start3A_393] : memref<100000x128xf32, #tpu.memory_space<hbm>> -> memref<100000x128xf32, #tpu.memory_space<hbm>>
    tpu.enqueue_indirect_dma source(%dma_start3A_394 : memref<100000x128xf32, #tpu.memory_space<hbm>>) target(%dma_start3A_389 : memref<56x128xf32, #tpu.memory_space<vmem>>) offsets(%dma_start3A_391 : memref<56xi32, #tpu.memory_space<vmem>>) semaphore(%arg8 : memref<!tpu.dma_semaphore, #tpu.memory_space<semaphore_mem>>)
    %dma_wait3A_395 = arith.constant 560 : i32
    %dma_wait3A_396 = arith.constant 0 : i32
    %dma_wait3A_397 = tpu.memref_slice %arg6[%dma_wait3A_395, %dma_wait3A_396] : memref<896x128xf32, #tpu.memory_space<vmem>> -> memref<56x128xf32, #tpu.memory_space<vmem>>
    %dma_wait3A_398 = arith.constant 560 : i32
    %dma_wait3A_399 = tpu.memref_slice %arg5[%dma_wait3A_398] : memref<1792xi32, #tpu.memory_space<vmem>> -> memref<56xi32, #tpu.memory_space<vmem>>
    %dma_wait3A_400 = arith.constant 0 : i32
    %dma_wait3A_401 = arith.constant 0 : i32
    %dma_wait3A_402 = tpu.memref_slice %arg2[%dma_wait3A_400, %dma_wait3A_401] : memref<100000x128xf32, #tpu.memory_space<hbm>> -> memref<100000x128xf32, #tpu.memory_space<hbm>>
    tpu.wait_indirect_dma semaphore(%arg9 : memref<!tpu.dma_semaphore, #tpu.memory_space<semaphore_mem>>) src(%dma_wait3A_402 : memref<100000x128xf32, #tpu.memory_space<hbm>>) dst(%dma_wait3A_397 : memref<56x128xf32, #tpu.memory_space<vmem>>)
    %add3A_403 = arith.constant 2 : i32
    %add3A_404 = arith.addi %mul3A_2, %add3A_403 : i32
    %mul3A_405 = arith.constant 56 : i32
    %mul3A_406 = arith.muli %add3A_404, %mul3A_405 : i32
    %dma_wait3A_407 = arith.constant 112 : i32
    %dma_wait3A_408 = arith.constant 0 : i32
    %dma_wait3A_409 = tpu.memref_slice %arg6[%dma_wait3A_407, %dma_wait3A_408] : memref<896x128xf32, #tpu.memory_space<vmem>> -> memref<56x128xf32, #tpu.memory_space<vmem>>
    %dma_wait3A_410 = arith.constant 0 : i32
    %dma_wait3A_411 = tpu.memref_slice %arg4[%mul3A_406, %dma_wait3A_410] : memref<57344x128xf32, #tpu.memory_space<hbm>> -> memref<56x128xf32, #tpu.memory_space<hbm>>
    %dma_wait3A_412 = arith.constant 0 : i32
    %dma_wait3A_413 = tpu.memref_slice %arg4[%mul3A_406, %dma_wait3A_412] : memref<57344x128xf32, #tpu.memory_space<hbm>> -> memref<56x128xf32, #tpu.memory_space<hbm>>
    %dma_wait3A_414 = arith.constant 112 : i32
    %dma_wait3A_415 = arith.constant 0 : i32
    %dma_wait3A_416 = tpu.memref_slice %arg6[%dma_wait3A_414, %dma_wait3A_415] : memref<896x128xf32, #tpu.memory_space<vmem>> -> memref<56x128xf32, #tpu.memory_space<vmem>>
    tpu.wait_dma2 semaphore(%arg17 : memref<!tpu.dma_semaphore, #tpu.memory_space<semaphore_mem>>) src(%dma_wait3A_416 : memref<56x128xf32, #tpu.memory_space<vmem>>) dst(%dma_wait3A_413 : memref<56x128xf32, #tpu.memory_space<hbm>>)
    %add3A_417 = arith.constant 10 : i32
    %add3A_418 = arith.addi %mul3A_2, %add3A_417 : i32
    %mul3A_419 = arith.constant 56 : i32
    %mul3A_420 = arith.muli %add3A_418, %mul3A_419 : i32
    %dma_start3A_421 = arith.constant 560 : i32
    %dma_start3A_422 = arith.constant 0 : i32
    %dma_start3A_423 = tpu.memref_slice %arg6[%dma_start3A_421, %dma_start3A_422] : memref<896x128xf32, #tpu.memory_space<vmem>> -> memref<56x128xf32, #tpu.memory_space<vmem>>
    %dma_start3A_424 = arith.constant 0 : i32
    %dma_start3A_425 = tpu.memref_slice %arg4[%mul3A_420, %dma_start3A_424] : memref<57344x128xf32, #tpu.memory_space<hbm>> -> memref<56x128xf32, #tpu.memory_space<hbm>>
    %dma_start3A_426 = arith.constant 0 : i32
    %dma_start3A_427 = tpu.memref_slice %arg4[%mul3A_420, %dma_start3A_426] : memref<57344x128xf32, #tpu.memory_space<hbm>> -> memref<56x128xf32, #tpu.memory_space<hbm>>
    %dma_start3A_428 = arith.constant 560 : i32
    %dma_start3A_429 = arith.constant 0 : i32
    %dma_start3A_430 = tpu.memref_slice %arg6[%dma_start3A_428, %dma_start3A_429] : memref<896x128xf32, #tpu.memory_space<vmem>> -> memref<56x128xf32, #tpu.memory_space<vmem>>
    tpu.enqueue_dma source(%dma_start3A_430 : memref<56x128xf32, #tpu.memory_space<vmem>>) target(%dma_start3A_427 : memref<56x128xf32, #tpu.memory_space<hbm>>) target_semaphore(%arg17 : memref<!tpu.dma_semaphore, #tpu.memory_space<semaphore_mem>>)
    %dma_start3A_431 = arith.constant 112 : i32
    %dma_start3A_432 = arith.constant 0 : i32
    %dma_start3A_433 = tpu.memref_slice %arg6[%dma_start3A_431, %dma_start3A_432] : memref<896x128xf32, #tpu.memory_space<vmem>> -> memref<56x128xf32, #tpu.memory_space<vmem>>
    %dma_start3A_434 = arith.constant 1008 : i32
    %dma_start3A_435 = tpu.memref_slice %arg5[%dma_start3A_434] : memref<1792xi32, #tpu.memory_space<vmem>> -> memref<56xi32, #tpu.memory_space<vmem>>
    %dma_start3A_436 = arith.constant 0 : i32
    %dma_start3A_437 = arith.constant 0 : i32
    %dma_start3A_438 = tpu.memref_slice %arg2[%dma_start3A_436, %dma_start3A_437] : memref<100000x128xf32, #tpu.memory_space<hbm>> -> memref<100000x128xf32, #tpu.memory_space<hbm>>
    tpu.enqueue_indirect_dma source(%dma_start3A_438 : memref<100000x128xf32, #tpu.memory_space<hbm>>) target(%dma_start3A_433 : memref<56x128xf32, #tpu.memory_space<vmem>>) offsets(%dma_start3A_435 : memref<56xi32, #tpu.memory_space<vmem>>) semaphore(%arg9 : memref<!tpu.dma_semaphore, #tpu.memory_space<semaphore_mem>>)
    %dma_wait3A_439 = arith.constant 616 : i32
    %dma_wait3A_440 = arith.constant 0 : i32
    %dma_wait3A_441 = tpu.memref_slice %arg6[%dma_wait3A_439, %dma_wait3A_440] : memref<896x128xf32, #tpu.memory_space<vmem>> -> memref<56x128xf32, #tpu.memory_space<vmem>>
    %dma_wait3A_442 = arith.constant 616 : i32
    %dma_wait3A_443 = tpu.memref_slice %arg5[%dma_wait3A_442] : memref<1792xi32, #tpu.memory_space<vmem>> -> memref<56xi32, #tpu.memory_space<vmem>>
    %dma_wait3A_444 = arith.constant 0 : i32
    %dma_wait3A_445 = arith.constant 0 : i32
    %dma_wait3A_446 = tpu.memref_slice %arg2[%dma_wait3A_444, %dma_wait3A_445] : memref<100000x128xf32, #tpu.memory_space<hbm>> -> memref<100000x128xf32, #tpu.memory_space<hbm>>
    tpu.wait_indirect_dma semaphore(%arg10 : memref<!tpu.dma_semaphore, #tpu.memory_space<semaphore_mem>>) src(%dma_wait3A_446 : memref<100000x128xf32, #tpu.memory_space<hbm>>) dst(%dma_wait3A_441 : memref<56x128xf32, #tpu.memory_space<vmem>>)
    %add3A_447 = arith.constant 3 : i32
    %add3A_448 = arith.addi %mul3A_2, %add3A_447 : i32
    %mul3A_449 = arith.constant 56 : i32
    %mul3A_450 = arith.muli %add3A_448, %mul3A_449 : i32
    %dma_wait3A_451 = arith.constant 168 : i32
    %dma_wait3A_452 = arith.constant 0 : i32
    %dma_wait3A_453 = tpu.memref_slice %arg6[%dma_wait3A_451, %dma_wait3A_452] : memref<896x128xf32, #tpu.memory_space<vmem>> -> memref<56x128xf32, #tpu.memory_space<vmem>>
    %dma_wait3A_454 = arith.constant 0 : i32
    %dma_wait3A_455 = tpu.memref_slice %arg4[%mul3A_450, %dma_wait3A_454] : memref<57344x128xf32, #tpu.memory_space<hbm>> -> memref<56x128xf32, #tpu.memory_space<hbm>>
    %dma_wait3A_456 = arith.constant 0 : i32
    %dma_wait3A_457 = tpu.memref_slice %arg4[%mul3A_450, %dma_wait3A_456] : memref<57344x128xf32, #tpu.memory_space<hbm>> -> memref<56x128xf32, #tpu.memory_space<hbm>>
    %dma_wait3A_458 = arith.constant 168 : i32
    %dma_wait3A_459 = arith.constant 0 : i32
    %dma_wait3A_460 = tpu.memref_slice %arg6[%dma_wait3A_458, %dma_wait3A_459] : memref<896x128xf32, #tpu.memory_space<vmem>> -> memref<56x128xf32, #tpu.memory_space<vmem>>
    tpu.wait_dma2 semaphore(%arg18 : memref<!tpu.dma_semaphore, #tpu.memory_space<semaphore_mem>>) src(%dma_wait3A_460 : memref<56x128xf32, #tpu.memory_space<vmem>>) dst(%dma_wait3A_457 : memref<56x128xf32, #tpu.memory_space<hbm>>)
    %add3A_461 = arith.constant 11 : i32
    %add3A_462 = arith.addi %mul3A_2, %add3A_461 : i32
    %mul3A_463 = arith.constant 56 : i32
    %mul3A_464 = arith.muli %add3A_462, %mul3A_463 : i32
    %dma_start3A_465 = arith.constant 616 : i32
    %dma_start3A_466 = arith.constant 0 : i32
    %dma_start3A_467 = tpu.memref_slice %arg6[%dma_start3A_465, %dma_start3A_466] : memref<896x128xf32, #tpu.memory_space<vmem>> -> memref<56x128xf32, #tpu.memory_space<vmem>>
    %dma_start3A_468 = arith.constant 0 : i32
    %dma_start3A_469 = tpu.memref_slice %arg4[%mul3A_464, %dma_start3A_468] : memref<57344x128xf32, #tpu.memory_space<hbm>> -> memref<56x128xf32, #tpu.memory_space<hbm>>
    %dma_start3A_470 = arith.constant 0 : i32
    %dma_start3A_471 = tpu.memref_slice %arg4[%mul3A_464, %dma_start3A_470] : memref<57344x128xf32, #tpu.memory_space<hbm>> -> memref<56x128xf32, #tpu.memory_space<hbm>>
    %dma_start3A_472 = arith.constant 616 : i32
    %dma_start3A_473 = arith.constant 0 : i32
    %dma_start3A_474 = tpu.memref_slice %arg6[%dma_start3A_472, %dma_start3A_473] : memref<896x128xf32, #tpu.memory_space<vmem>> -> memref<56x128xf32, #tpu.memory_space<vmem>>
    tpu.enqueue_dma source(%dma_start3A_474 : memref<56x128xf32, #tpu.memory_space<vmem>>) target(%dma_start3A_471 : memref<56x128xf32, #tpu.memory_space<hbm>>) target_semaphore(%arg18 : memref<!tpu.dma_semaphore, #tpu.memory_space<semaphore_mem>>)
    %dma_start3A_475 = arith.constant 168 : i32
    %dma_start3A_476 = arith.constant 0 : i32
    %dma_start3A_477 = tpu.memref_slice %arg6[%dma_start3A_475, %dma_start3A_476] : memref<896x128xf32, #tpu.memory_space<vmem>> -> memref<56x128xf32, #tpu.memory_space<vmem>>
    %dma_start3A_478 = arith.constant 1064 : i32
    %dma_start3A_479 = tpu.memref_slice %arg5[%dma_start3A_478] : memref<1792xi32, #tpu.memory_space<vmem>> -> memref<56xi32, #tpu.memory_space<vmem>>
    %dma_start3A_480 = arith.constant 0 : i32
    %dma_start3A_481 = arith.constant 0 : i32
    %dma_start3A_482 = tpu.memref_slice %arg2[%dma_start3A_480, %dma_start3A_481] : memref<100000x128xf32, #tpu.memory_space<hbm>> -> memref<100000x128xf32, #tpu.memory_space<hbm>>
    tpu.enqueue_indirect_dma source(%dma_start3A_482 : memref<100000x128xf32, #tpu.memory_space<hbm>>) target(%dma_start3A_477 : memref<56x128xf32, #tpu.memory_space<vmem>>) offsets(%dma_start3A_479 : memref<56xi32, #tpu.memory_space<vmem>>) semaphore(%arg10 : memref<!tpu.dma_semaphore, #tpu.memory_space<semaphore_mem>>)
    %dma_wait3A_483 = arith.constant 672 : i32
    %dma_wait3A_484 = arith.constant 0 : i32
    %dma_wait3A_485 = tpu.memref_slice %arg6[%dma_wait3A_483, %dma_wait3A_484] : memref<896x128xf32, #tpu.memory_space<vmem>> -> memref<56x128xf32, #tpu.memory_space<vmem>>
    %dma_wait3A_486 = arith.constant 672 : i32
    %dma_wait3A_487 = tpu.memref_slice %arg5[%dma_wait3A_486] : memref<1792xi32, #tpu.memory_space<vmem>> -> memref<56xi32, #tpu.memory_space<vmem>>
    %dma_wait3A_488 = arith.constant 0 : i32
    %dma_wait3A_489 = arith.constant 0 : i32
    %dma_wait3A_490 = tpu.memref_slice %arg2[%dma_wait3A_488, %dma_wait3A_489] : memref<100000x128xf32, #tpu.memory_space<hbm>> -> memref<100000x128xf32, #tpu.memory_space<hbm>>
    tpu.wait_indirect_dma semaphore(%arg11 : memref<!tpu.dma_semaphore, #tpu.memory_space<semaphore_mem>>) src(%dma_wait3A_490 : memref<100000x128xf32, #tpu.memory_space<hbm>>) dst(%dma_wait3A_485 : memref<56x128xf32, #tpu.memory_space<vmem>>)
    %add3A_491 = arith.constant 4 : i32
    %add3A_492 = arith.addi %mul3A_2, %add3A_491 : i32
    %mul3A_493 = arith.constant 56 : i32
    %mul3A_494 = arith.muli %add3A_492, %mul3A_493 : i32
    %dma_wait3A_495 = arith.constant 224 : i32
    %dma_wait3A_496 = arith.constant 0 : i32
    %dma_wait3A_497 = tpu.memref_slice %arg6[%dma_wait3A_495, %dma_wait3A_496] : memref<896x128xf32, #tpu.memory_space<vmem>> -> memref<56x128xf32, #tpu.memory_space<vmem>>
    %dma_wait3A_498 = arith.constant 0 : i32
    %dma_wait3A_499 = tpu.memref_slice %arg4[%mul3A_494, %dma_wait3A_498] : memref<57344x128xf32, #tpu.memory_space<hbm>> -> memref<56x128xf32, #tpu.memory_space<hbm>>
    %dma_wait3A_500 = arith.constant 0 : i32
    %dma_wait3A_501 = tpu.memref_slice %arg4[%mul3A_494, %dma_wait3A_500] : memref<57344x128xf32, #tpu.memory_space<hbm>> -> memref<56x128xf32, #tpu.memory_space<hbm>>
    %dma_wait3A_502 = arith.constant 224 : i32
    %dma_wait3A_503 = arith.constant 0 : i32
    %dma_wait3A_504 = tpu.memref_slice %arg6[%dma_wait3A_502, %dma_wait3A_503] : memref<896x128xf32, #tpu.memory_space<vmem>> -> memref<56x128xf32, #tpu.memory_space<vmem>>
    tpu.wait_dma2 semaphore(%arg19 : memref<!tpu.dma_semaphore, #tpu.memory_space<semaphore_mem>>) src(%dma_wait3A_504 : memref<56x128xf32, #tpu.memory_space<vmem>>) dst(%dma_wait3A_501 : memref<56x128xf32, #tpu.memory_space<hbm>>)
    %add3A_505 = arith.constant 12 : i32
    %add3A_506 = arith.addi %mul3A_2, %add3A_505 : i32
    %mul3A_507 = arith.constant 56 : i32
    %mul3A_508 = arith.muli %add3A_506, %mul3A_507 : i32
    %dma_start3A_509 = arith.constant 672 : i32
    %dma_start3A_510 = arith.constant 0 : i32
    %dma_start3A_511 = tpu.memref_slice %arg6[%dma_start3A_509, %dma_start3A_510] : memref<896x128xf32, #tpu.memory_space<vmem>> -> memref<56x128xf32, #tpu.memory_space<vmem>>
    %dma_start3A_512 = arith.constant 0 : i32
    %dma_start3A_513 = tpu.memref_slice %arg4[%mul3A_508, %dma_start3A_512] : memref<57344x128xf32, #tpu.memory_space<hbm>> -> memref<56x128xf32, #tpu.memory_space<hbm>>
    %dma_start3A_514 = arith.constant 0 : i32
    %dma_start3A_515 = tpu.memref_slice %arg4[%mul3A_508, %dma_start3A_514] : memref<57344x128xf32, #tpu.memory_space<hbm>> -> memref<56x128xf32, #tpu.memory_space<hbm>>
    %dma_start3A_516 = arith.constant 672 : i32
    %dma_start3A_517 = arith.constant 0 : i32
    %dma_start3A_518 = tpu.memref_slice %arg6[%dma_start3A_516, %dma_start3A_517] : memref<896x128xf32, #tpu.memory_space<vmem>> -> memref<56x128xf32, #tpu.memory_space<vmem>>
    tpu.enqueue_dma source(%dma_start3A_518 : memref<56x128xf32, #tpu.memory_space<vmem>>) target(%dma_start3A_515 : memref<56x128xf32, #tpu.memory_space<hbm>>) target_semaphore(%arg19 : memref<!tpu.dma_semaphore, #tpu.memory_space<semaphore_mem>>)
    %dma_start3A_519 = arith.constant 224 : i32
    %dma_start3A_520 = arith.constant 0 : i32
    %dma_start3A_521 = tpu.memref_slice %arg6[%dma_start3A_519, %dma_start3A_520] : memref<896x128xf32, #tpu.memory_space<vmem>> -> memref<56x128xf32, #tpu.memory_space<vmem>>
    %dma_start3A_522 = arith.constant 1120 : i32
    %dma_start3A_523 = tpu.memref_slice %arg5[%dma_start3A_522] : memref<1792xi32, #tpu.memory_space<vmem>> -> memref<56xi32, #tpu.memory_space<vmem>>
    %dma_start3A_524 = arith.constant 0 : i32
    %dma_start3A_525 = arith.constant 0 : i32
    %dma_start3A_526 = tpu.memref_slice %arg2[%dma_start3A_524, %dma_start3A_525] : memref<100000x128xf32, #tpu.memory_space<hbm>> -> memref<100000x128xf32, #tpu.memory_space<hbm>>
    tpu.enqueue_indirect_dma source(%dma_start3A_526 : memref<100000x128xf32, #tpu.memory_space<hbm>>) target(%dma_start3A_521 : memref<56x128xf32, #tpu.memory_space<vmem>>) offsets(%dma_start3A_523 : memref<56xi32, #tpu.memory_space<vmem>>) semaphore(%arg11 : memref<!tpu.dma_semaphore, #tpu.memory_space<semaphore_mem>>)
    %dma_wait3A_527 = arith.constant 728 : i32
    %dma_wait3A_528 = arith.constant 0 : i32
    %dma_wait3A_529 = tpu.memref_slice %arg6[%dma_wait3A_527, %dma_wait3A_528] : memref<896x128xf32, #tpu.memory_space<vmem>> -> memref<56x128xf32, #tpu.memory_space<vmem>>
    %dma_wait3A_530 = arith.constant 728 : i32
    %dma_wait3A_531 = tpu.memref_slice %arg5[%dma_wait3A_530] : memref<1792xi32, #tpu.memory_space<vmem>> -> memref<56xi32, #tpu.memory_space<vmem>>
    %dma_wait3A_532 = arith.constant 0 : i32
    %dma_wait3A_533 = arith.constant 0 : i32
    %dma_wait3A_534 = tpu.memref_slice %arg2[%dma_wait3A_532, %dma_wait3A_533] : memref<100000x128xf32, #tpu.memory_space<hbm>> -> memref<100000x128xf32, #tpu.memory_space<hbm>>
    tpu.wait_indirect_dma semaphore(%arg12 : memref<!tpu.dma_semaphore, #tpu.memory_space<semaphore_mem>>) src(%dma_wait3A_534 : memref<100000x128xf32, #tpu.memory_space<hbm>>) dst(%dma_wait3A_529 : memref<56x128xf32, #tpu.memory_space<vmem>>)
    %add3A_535 = arith.constant 5 : i32
    %add3A_536 = arith.addi %mul3A_2, %add3A_535 : i32
    %mul3A_537 = arith.constant 56 : i32
    %mul3A_538 = arith.muli %add3A_536, %mul3A_537 : i32
    %dma_wait3A_539 = arith.constant 280 : i32
    %dma_wait3A_540 = arith.constant 0 : i32
    %dma_wait3A_541 = tpu.memref_slice %arg6[%dma_wait3A_539, %dma_wait3A_540] : memref<896x128xf32, #tpu.memory_space<vmem>> -> memref<56x128xf32, #tpu.memory_space<vmem>>
    %dma_wait3A_542 = arith.constant 0 : i32
    %dma_wait3A_543 = tpu.memref_slice %arg4[%mul3A_538, %dma_wait3A_542] : memref<57344x128xf32, #tpu.memory_space<hbm>> -> memref<56x128xf32, #tpu.memory_space<hbm>>
    %dma_wait3A_544 = arith.constant 0 : i32
    %dma_wait3A_545 = tpu.memref_slice %arg4[%mul3A_538, %dma_wait3A_544] : memref<57344x128xf32, #tpu.memory_space<hbm>> -> memref<56x128xf32, #tpu.memory_space<hbm>>
    %dma_wait3A_546 = arith.constant 280 : i32
    %dma_wait3A_547 = arith.constant 0 : i32
    %dma_wait3A_548 = tpu.memref_slice %arg6[%dma_wait3A_546, %dma_wait3A_547] : memref<896x128xf32, #tpu.memory_space<vmem>> -> memref<56x128xf32, #tpu.memory_space<vmem>>
    tpu.wait_dma2 semaphore(%arg20 : memref<!tpu.dma_semaphore, #tpu.memory_space<semaphore_mem>>) src(%dma_wait3A_548 : memref<56x128xf32, #tpu.memory_space<vmem>>) dst(%dma_wait3A_545 : memref<56x128xf32, #tpu.memory_space<hbm>>)
    %add3A_549 = arith.constant 13 : i32
    %add3A_550 = arith.addi %mul3A_2, %add3A_549 : i32
    %mul3A_551 = arith.constant 56 : i32
    %mul3A_552 = arith.muli %add3A_550, %mul3A_551 : i32
    %dma_start3A_553 = arith.constant 728 : i32
    %dma_start3A_554 = arith.constant 0 : i32
    %dma_start3A_555 = tpu.memref_slice %arg6[%dma_start3A_553, %dma_start3A_554] : memref<896x128xf32, #tpu.memory_space<vmem>> -> memref<56x128xf32, #tpu.memory_space<vmem>>
    %dma_start3A_556 = arith.constant 0 : i32
    %dma_start3A_557 = tpu.memref_slice %arg4[%mul3A_552, %dma_start3A_556] : memref<57344x128xf32, #tpu.memory_space<hbm>> -> memref<56x128xf32, #tpu.memory_space<hbm>>
    %dma_start3A_558 = arith.constant 0 : i32
    %dma_start3A_559 = tpu.memref_slice %arg4[%mul3A_552, %dma_start3A_558] : memref<57344x128xf32, #tpu.memory_space<hbm>> -> memref<56x128xf32, #tpu.memory_space<hbm>>
    %dma_start3A_560 = arith.constant 728 : i32
    %dma_start3A_561 = arith.constant 0 : i32
    %dma_start3A_562 = tpu.memref_slice %arg6[%dma_start3A_560, %dma_start3A_561] : memref<896x128xf32, #tpu.memory_space<vmem>> -> memref<56x128xf32, #tpu.memory_space<vmem>>
    tpu.enqueue_dma source(%dma_start3A_562 : memref<56x128xf32, #tpu.memory_space<vmem>>) target(%dma_start3A_559 : memref<56x128xf32, #tpu.memory_space<hbm>>) target_semaphore(%arg20 : memref<!tpu.dma_semaphore, #tpu.memory_space<semaphore_mem>>)
    %dma_start3A_563 = arith.constant 280 : i32
    %dma_start3A_564 = arith.constant 0 : i32
    %dma_start3A_565 = tpu.memref_slice %arg6[%dma_start3A_563, %dma_start3A_564] : memref<896x128xf32, #tpu.memory_space<vmem>> -> memref<56x128xf32, #tpu.memory_space<vmem>>
    %dma_start3A_566 = arith.constant 1176 : i32
    %dma_start3A_567 = tpu.memref_slice %arg5[%dma_start3A_566] : memref<1792xi32, #tpu.memory_space<vmem>> -> memref<56xi32, #tpu.memory_space<vmem>>
    %dma_start3A_568 = arith.constant 0 : i32
    %dma_start3A_569 = arith.constant 0 : i32
    %dma_start3A_570 = tpu.memref_slice %arg2[%dma_start3A_568, %dma_start3A_569] : memref<100000x128xf32, #tpu.memory_space<hbm>> -> memref<100000x128xf32, #tpu.memory_space<hbm>>
    tpu.enqueue_indirect_dma source(%dma_start3A_570 : memref<100000x128xf32, #tpu.memory_space<hbm>>) target(%dma_start3A_565 : memref<56x128xf32, #tpu.memory_space<vmem>>) offsets(%dma_start3A_567 : memref<56xi32, #tpu.memory_space<vmem>>) semaphore(%arg12 : memref<!tpu.dma_semaphore, #tpu.memory_space<semaphore_mem>>)
    %dma_wait3A_571 = arith.constant 784 : i32
    %dma_wait3A_572 = arith.constant 0 : i32
    %dma_wait3A_573 = tpu.memref_slice %arg6[%dma_wait3A_571, %dma_wait3A_572] : memref<896x128xf32, #tpu.memory_space<vmem>> -> memref<56x128xf32, #tpu.memory_space<vmem>>
    %dma_wait3A_574 = arith.constant 784 : i32
    %dma_wait3A_575 = tpu.memref_slice %arg5[%dma_wait3A_574] : memref<1792xi32, #tpu.memory_space<vmem>> -> memref<56xi32, #tpu.memory_space<vmem>>
    %dma_wait3A_576 = arith.constant 0 : i32
    %dma_wait3A_577 = arith.constant 0 : i32
    %dma_wait3A_578 = tpu.memref_slice %arg2[%dma_wait3A_576, %dma_wait3A_577] : memref<100000x128xf32, #tpu.memory_space<hbm>> -> memref<100000x128xf32, #tpu.memory_space<hbm>>
    tpu.wait_indirect_dma semaphore(%arg13 : memref<!tpu.dma_semaphore, #tpu.memory_space<semaphore_mem>>) src(%dma_wait3A_578 : memref<100000x128xf32, #tpu.memory_space<hbm>>) dst(%dma_wait3A_573 : memref<56x128xf32, #tpu.memory_space<vmem>>)
    %add3A_579 = arith.constant 6 : i32
    %add3A_580 = arith.addi %mul3A_2, %add3A_579 : i32
    %mul3A_581 = arith.constant 56 : i32
    %mul3A_582 = arith.muli %add3A_580, %mul3A_581 : i32
    %dma_wait3A_583 = arith.constant 336 : i32
    %dma_wait3A_584 = arith.constant 0 : i32
    %dma_wait3A_585 = tpu.memref_slice %arg6[%dma_wait3A_583, %dma_wait3A_584] : memref<896x128xf32, #tpu.memory_space<vmem>> -> memref<56x128xf32, #tpu.memory_space<vmem>>
    %dma_wait3A_586 = arith.constant 0 : i32
    %dma_wait3A_587 = tpu.memref_slice %arg4[%mul3A_582, %dma_wait3A_586] : memref<57344x128xf32, #tpu.memory_space<hbm>> -> memref<56x128xf32, #tpu.memory_space<hbm>>
    %dma_wait3A_588 = arith.constant 0 : i32
    %dma_wait3A_589 = tpu.memref_slice %arg4[%mul3A_582, %dma_wait3A_588] : memref<57344x128xf32, #tpu.memory_space<hbm>> -> memref<56x128xf32, #tpu.memory_space<hbm>>
    %dma_wait3A_590 = arith.constant 336 : i32
    %dma_wait3A_591 = arith.constant 0 : i32
    %dma_wait3A_592 = tpu.memref_slice %arg6[%dma_wait3A_590, %dma_wait3A_591] : memref<896x128xf32, #tpu.memory_space<vmem>> -> memref<56x128xf32, #tpu.memory_space<vmem>>
    tpu.wait_dma2 semaphore(%arg21 : memref<!tpu.dma_semaphore, #tpu.memory_space<semaphore_mem>>) src(%dma_wait3A_592 : memref<56x128xf32, #tpu.memory_space<vmem>>) dst(%dma_wait3A_589 : memref<56x128xf32, #tpu.memory_space<hbm>>)
    %add3A_593 = arith.constant 14 : i32
    %add3A_594 = arith.addi %mul3A_2, %add3A_593 : i32
    %mul3A_595 = arith.constant 56 : i32
    %mul3A_596 = arith.muli %add3A_594, %mul3A_595 : i32
    %dma_start3A_597 = arith.constant 784 : i32
    %dma_start3A_598 = arith.constant 0 : i32
    %dma_start3A_599 = tpu.memref_slice %arg6[%dma_start3A_597, %dma_start3A_598] : memref<896x128xf32, #tpu.memory_space<vmem>> -> memref<56x128xf32, #tpu.memory_space<vmem>>
    %dma_start3A_600 = arith.constant 0 : i32
    %dma_start3A_601 = tpu.memref_slice %arg4[%mul3A_596, %dma_start3A_600] : memref<57344x128xf32, #tpu.memory_space<hbm>> -> memref<56x128xf32, #tpu.memory_space<hbm>>
    %dma_start3A_602 = arith.constant 0 : i32
    %dma_start3A_603 = tpu.memref_slice %arg4[%mul3A_596, %dma_start3A_602] : memref<57344x128xf32, #tpu.memory_space<hbm>> -> memref<56x128xf32, #tpu.memory_space<hbm>>
    %dma_start3A_604 = arith.constant 784 : i32
    %dma_start3A_605 = arith.constant 0 : i32
    %dma_start3A_606 = tpu.memref_slice %arg6[%dma_start3A_604, %dma_start3A_605] : memref<896x128xf32, #tpu.memory_space<vmem>> -> memref<56x128xf32, #tpu.memory_space<vmem>>
    tpu.enqueue_dma source(%dma_start3A_606 : memref<56x128xf32, #tpu.memory_space<vmem>>) target(%dma_start3A_603 : memref<56x128xf32, #tpu.memory_space<hbm>>) target_semaphore(%arg21 : memref<!tpu.dma_semaphore, #tpu.memory_space<semaphore_mem>>)
    %dma_start3A_607 = arith.constant 336 : i32
    %dma_start3A_608 = arith.constant 0 : i32
    %dma_start3A_609 = tpu.memref_slice %arg6[%dma_start3A_607, %dma_start3A_608] : memref<896x128xf32, #tpu.memory_space<vmem>> -> memref<56x128xf32, #tpu.memory_space<vmem>>
    %dma_start3A_610 = arith.constant 1232 : i32
    %dma_start3A_611 = tpu.memref_slice %arg5[%dma_start3A_610] : memref<1792xi32, #tpu.memory_space<vmem>> -> memref<56xi32, #tpu.memory_space<vmem>>
    %dma_start3A_612 = arith.constant 0 : i32
    %dma_start3A_613 = arith.constant 0 : i32
    %dma_start3A_614 = tpu.memref_slice %arg2[%dma_start3A_612, %dma_start3A_613] : memref<100000x128xf32, #tpu.memory_space<hbm>> -> memref<100000x128xf32, #tpu.memory_space<hbm>>
    tpu.enqueue_indirect_dma source(%dma_start3A_614 : memref<100000x128xf32, #tpu.memory_space<hbm>>) target(%dma_start3A_609 : memref<56x128xf32, #tpu.memory_space<vmem>>) offsets(%dma_start3A_611 : memref<56xi32, #tpu.memory_space<vmem>>) semaphore(%arg13 : memref<!tpu.dma_semaphore, #tpu.memory_space<semaphore_mem>>)
    %dma_wait3A_615 = arith.constant 840 : i32
    %dma_wait3A_616 = arith.constant 0 : i32
    %dma_wait3A_617 = tpu.memref_slice %arg6[%dma_wait3A_615, %dma_wait3A_616] : memref<896x128xf32, #tpu.memory_space<vmem>> -> memref<56x128xf32, #tpu.memory_space<vmem>>
    %dma_wait3A_618 = arith.constant 840 : i32
    %dma_wait3A_619 = tpu.memref_slice %arg5[%dma_wait3A_618] : memref<1792xi32, #tpu.memory_space<vmem>> -> memref<56xi32, #tpu.memory_space<vmem>>
    %dma_wait3A_620 = arith.constant 0 : i32
    %dma_wait3A_621 = arith.constant 0 : i32
    %dma_wait3A_622 = tpu.memref_slice %arg2[%dma_wait3A_620, %dma_wait3A_621] : memref<100000x128xf32, #tpu.memory_space<hbm>> -> memref<100000x128xf32, #tpu.memory_space<hbm>>
    tpu.wait_indirect_dma semaphore(%arg14 : memref<!tpu.dma_semaphore, #tpu.memory_space<semaphore_mem>>) src(%dma_wait3A_622 : memref<100000x128xf32, #tpu.memory_space<hbm>>) dst(%dma_wait3A_617 : memref<56x128xf32, #tpu.memory_space<vmem>>)
    %add3A_623 = arith.constant 7 : i32
    %add3A_624 = arith.addi %mul3A_2, %add3A_623 : i32
    %mul3A_625 = arith.constant 56 : i32
    %mul3A_626 = arith.muli %add3A_624, %mul3A_625 : i32
    %dma_wait3A_627 = arith.constant 392 : i32
    %dma_wait3A_628 = arith.constant 0 : i32
    %dma_wait3A_629 = tpu.memref_slice %arg6[%dma_wait3A_627, %dma_wait3A_628] : memref<896x128xf32, #tpu.memory_space<vmem>> -> memref<56x128xf32, #tpu.memory_space<vmem>>
    %dma_wait3A_630 = arith.constant 0 : i32
    %dma_wait3A_631 = tpu.memref_slice %arg4[%mul3A_626, %dma_wait3A_630] : memref<57344x128xf32, #tpu.memory_space<hbm>> -> memref<56x128xf32, #tpu.memory_space<hbm>>
    %dma_wait3A_632 = arith.constant 0 : i32
    %dma_wait3A_633 = tpu.memref_slice %arg4[%mul3A_626, %dma_wait3A_632] : memref<57344x128xf32, #tpu.memory_space<hbm>> -> memref<56x128xf32, #tpu.memory_space<hbm>>
    %dma_wait3A_634 = arith.constant 392 : i32
    %dma_wait3A_635 = arith.constant 0 : i32
    %dma_wait3A_636 = tpu.memref_slice %arg6[%dma_wait3A_634, %dma_wait3A_635] : memref<896x128xf32, #tpu.memory_space<vmem>> -> memref<56x128xf32, #tpu.memory_space<vmem>>
    tpu.wait_dma2 semaphore(%arg22 : memref<!tpu.dma_semaphore, #tpu.memory_space<semaphore_mem>>) src(%dma_wait3A_636 : memref<56x128xf32, #tpu.memory_space<vmem>>) dst(%dma_wait3A_633 : memref<56x128xf32, #tpu.memory_space<hbm>>)
    %add3A_637 = arith.constant 15 : i32
    %add3A_638 = arith.addi %mul3A_2, %add3A_637 : i32
    %mul3A_639 = arith.constant 56 : i32
    %mul3A_640 = arith.muli %add3A_638, %mul3A_639 : i32
    %dma_start3A_641 = arith.constant 840 : i32
    %dma_start3A_642 = arith.constant 0 : i32
    %dma_start3A_643 = tpu.memref_slice %arg6[%dma_start3A_641, %dma_start3A_642] : memref<896x128xf32, #tpu.memory_space<vmem>> -> memref<56x128xf32, #tpu.memory_space<vmem>>
    %dma_start3A_644 = arith.constant 0 : i32
    %dma_start3A_645 = tpu.memref_slice %arg4[%mul3A_640, %dma_start3A_644] : memref<57344x128xf32, #tpu.memory_space<hbm>> -> memref<56x128xf32, #tpu.memory_space<hbm>>
    %dma_start3A_646 = arith.constant 0 : i32
    %dma_start3A_647 = tpu.memref_slice %arg4[%mul3A_640, %dma_start3A_646] : memref<57344x128xf32, #tpu.memory_space<hbm>> -> memref<56x128xf32, #tpu.memory_space<hbm>>
    %dma_start3A_648 = arith.constant 840 : i32
    %dma_start3A_649 = arith.constant 0 : i32
    %dma_start3A_650 = tpu.memref_slice %arg6[%dma_start3A_648, %dma_start3A_649] : memref<896x128xf32, #tpu.memory_space<vmem>> -> memref<56x128xf32, #tpu.memory_space<vmem>>
    tpu.enqueue_dma source(%dma_start3A_650 : memref<56x128xf32, #tpu.memory_space<vmem>>) target(%dma_start3A_647 : memref<56x128xf32, #tpu.memory_space<hbm>>) target_semaphore(%arg22 : memref<!tpu.dma_semaphore, #tpu.memory_space<semaphore_mem>>)
    %dma_start3A_651 = arith.constant 392 : i32
    %dma_start3A_652 = arith.constant 0 : i32
    %dma_start3A_653 = tpu.memref_slice %arg6[%dma_start3A_651, %dma_start3A_652] : memref<896x128xf32, #tpu.memory_space<vmem>> -> memref<56x128xf32, #tpu.memory_space<vmem>>
    %dma_start3A_654 = arith.constant 1288 : i32
    %dma_start3A_655 = tpu.memref_slice %arg5[%dma_start3A_654] : memref<1792xi32, #tpu.memory_space<vmem>> -> memref<56xi32, #tpu.memory_space<vmem>>
    %dma_start3A_656 = arith.constant 0 : i32
    %dma_start3A_657 = arith.constant 0 : i32
    %dma_start3A_658 = tpu.memref_slice %arg2[%dma_start3A_656, %dma_start3A_657] : memref<100000x128xf32, #tpu.memory_space<hbm>> -> memref<100000x128xf32, #tpu.memory_space<hbm>>
    tpu.enqueue_indirect_dma source(%dma_start3A_658 : memref<100000x128xf32, #tpu.memory_space<hbm>>) target(%dma_start3A_653 : memref<56x128xf32, #tpu.memory_space<vmem>>) offsets(%dma_start3A_655 : memref<56xi32, #tpu.memory_space<vmem>>) semaphore(%arg14 : memref<!tpu.dma_semaphore, #tpu.memory_space<semaphore_mem>>)
    %dma_wait3A_659 = arith.constant 0 : i32
    %dma_wait3A_660 = arith.constant 0 : i32
    %dma_wait3A_661 = tpu.memref_slice %arg6[%dma_wait3A_659, %dma_wait3A_660] : memref<896x128xf32, #tpu.memory_space<vmem>> -> memref<56x128xf32, #tpu.memory_space<vmem>>
    %dma_wait3A_662 = arith.constant 896 : i32
    %dma_wait3A_663 = tpu.memref_slice %arg5[%dma_wait3A_662] : memref<1792xi32, #tpu.memory_space<vmem>> -> memref<56xi32, #tpu.memory_space<vmem>>
    %dma_wait3A_664 = arith.constant 0 : i32
    %dma_wait3A_665 = arith.constant 0 : i32
    %dma_wait3A_666 = tpu.memref_slice %arg2[%dma_wait3A_664, %dma_wait3A_665] : memref<100000x128xf32, #tpu.memory_space<hbm>> -> memref<100000x128xf32, #tpu.memory_space<hbm>>
    tpu.wait_indirect_dma semaphore(%arg7 : memref<!tpu.dma_semaphore, #tpu.memory_space<semaphore_mem>>) src(%dma_wait3A_666 : memref<100000x128xf32, #tpu.memory_space<hbm>>) dst(%dma_wait3A_661 : memref<56x128xf32, #tpu.memory_space<vmem>>)
    %add3A_667 = arith.constant 8 : i32
    %add3A_668 = arith.addi %mul3A_2, %add3A_667 : i32
    %mul3A_669 = arith.constant 56 : i32
    %mul3A_670 = arith.muli %add3A_668, %mul3A_669 : i32
    %dma_wait3A_671 = arith.constant 448 : i32
    %dma_wait3A_672 = arith.constant 0 : i32
    %dma_wait3A_673 = tpu.memref_slice %arg6[%dma_wait3A_671, %dma_wait3A_672] : memref<896x128xf32, #tpu.memory_space<vmem>> -> memref<56x128xf32, #tpu.memory_space<vmem>>
    %dma_wait3A_674 = arith.constant 0 : i32
    %dma_wait3A_675 = tpu.memref_slice %arg4[%mul3A_670, %dma_wait3A_674] : memref<57344x128xf32, #tpu.memory_space<hbm>> -> memref<56x128xf32, #tpu.memory_space<hbm>>
    %dma_wait3A_676 = arith.constant 0 : i32
    %dma_wait3A_677 = tpu.memref_slice %arg4[%mul3A_670, %dma_wait3A_676] : memref<57344x128xf32, #tpu.memory_space<hbm>> -> memref<56x128xf32, #tpu.memory_space<hbm>>
    %dma_wait3A_678 = arith.constant 448 : i32
    %dma_wait3A_679 = arith.constant 0 : i32
    %dma_wait3A_680 = tpu.memref_slice %arg6[%dma_wait3A_678, %dma_wait3A_679] : memref<896x128xf32, #tpu.memory_space<vmem>> -> memref<56x128xf32, #tpu.memory_space<vmem>>
    tpu.wait_dma2 semaphore(%arg15 : memref<!tpu.dma_semaphore, #tpu.memory_space<semaphore_mem>>) src(%dma_wait3A_680 : memref<56x128xf32, #tpu.memory_space<vmem>>) dst(%dma_wait3A_677 : memref<56x128xf32, #tpu.memory_space<hbm>>)
    %add3A_681 = arith.constant 16 : i32
    %add3A_682 = arith.addi %mul3A_2, %add3A_681 : i32
    %mul3A_683 = arith.constant 56 : i32
    %mul3A_684 = arith.muli %add3A_682, %mul3A_683 : i32
    %dma_start3A_685 = arith.constant 0 : i32
    %dma_start3A_686 = arith.constant 0 : i32
    %dma_start3A_687 = tpu.memref_slice %arg6[%dma_start3A_685, %dma_start3A_686] : memref<896x128xf32, #tpu.memory_space<vmem>> -> memref<56x128xf32, #tpu.memory_space<vmem>>
    %dma_start3A_688 = arith.constant 0 : i32
    %dma_start3A_689 = tpu.memref_slice %arg4[%mul3A_684, %dma_start3A_688] : memref<57344x128xf32, #tpu.memory_space<hbm>> -> memref<56x128xf32, #tpu.memory_space<hbm>>
    %dma_start3A_690 = arith.constant 0 : i32
    %dma_start3A_691 = tpu.memref_slice %arg4[%mul3A_684, %dma_start3A_690] : memref<57344x128xf32, #tpu.memory_space<hbm>> -> memref<56x128xf32, #tpu.memory_space<hbm>>
    %dma_start3A_692 = arith.constant 0 : i32
    %dma_start3A_693 = arith.constant 0 : i32
    %dma_start3A_694 = tpu.memref_slice %arg6[%dma_start3A_692, %dma_start3A_693] : memref<896x128xf32, #tpu.memory_space<vmem>> -> memref<56x128xf32, #tpu.memory_space<vmem>>
    tpu.enqueue_dma source(%dma_start3A_694 : memref<56x128xf32, #tpu.memory_space<vmem>>) target(%dma_start3A_691 : memref<56x128xf32, #tpu.memory_space<hbm>>) target_semaphore(%arg15 : memref<!tpu.dma_semaphore, #tpu.memory_space<semaphore_mem>>)
    %dma_start3A_695 = arith.constant 448 : i32
    %dma_start3A_696 = arith.constant 0 : i32
    %dma_start3A_697 = tpu.memref_slice %arg6[%dma_start3A_695, %dma_start3A_696] : memref<896x128xf32, #tpu.memory_space<vmem>> -> memref<56x128xf32, #tpu.memory_space<vmem>>
    %dma_start3A_698 = arith.constant 1344 : i32
    %dma_start3A_699 = tpu.memref_slice %arg5[%dma_start3A_698] : memref<1792xi32, #tpu.memory_space<vmem>> -> memref<56xi32, #tpu.memory_space<vmem>>
    %dma_start3A_700 = arith.constant 0 : i32
    %dma_start3A_701 = arith.constant 0 : i32
    %dma_start3A_702 = tpu.memref_slice %arg2[%dma_start3A_700, %dma_start3A_701] : memref<100000x128xf32, #tpu.memory_space<hbm>> -> memref<100000x128xf32, #tpu.memory_space<hbm>>
    tpu.enqueue_indirect_dma source(%dma_start3A_702 : memref<100000x128xf32, #tpu.memory_space<hbm>>) target(%dma_start3A_697 : memref<56x128xf32, #tpu.memory_space<vmem>>) offsets(%dma_start3A_699 : memref<56xi32, #tpu.memory_space<vmem>>) semaphore(%arg7 : memref<!tpu.dma_semaphore, #tpu.memory_space<semaphore_mem>>)
    %dma_wait3A_703 = arith.constant 56 : i32
    %dma_wait3A_704 = arith.constant 0 : i32
    %dma_wait3A_705 = tpu.memref_slice %arg6[%dma_wait3A_703, %dma_wait3A_704] : memref<896x128xf32, #tpu.memory_space<vmem>> -> memref<56x128xf32, #tpu.memory_space<vmem>>
    %dma_wait3A_706 = arith.constant 952 : i32
    %dma_wait3A_707 = tpu.memref_slice %arg5[%dma_wait3A_706] : memref<1792xi32, #tpu.memory_space<vmem>> -> memref<56xi32, #tpu.memory_space<vmem>>
    %dma_wait3A_708 = arith.constant 0 : i32
    %dma_wait3A_709 = arith.constant 0 : i32
    %dma_wait3A_710 = tpu.memref_slice %arg2[%dma_wait3A_708, %dma_wait3A_709] : memref<100000x128xf32, #tpu.memory_space<hbm>> -> memref<100000x128xf32, #tpu.memory_space<hbm>>
    tpu.wait_indirect_dma semaphore(%arg8 : memref<!tpu.dma_semaphore, #tpu.memory_space<semaphore_mem>>) src(%dma_wait3A_710 : memref<100000x128xf32, #tpu.memory_space<hbm>>) dst(%dma_wait3A_705 : memref<56x128xf32, #tpu.memory_space<vmem>>)
    %add3A_711 = arith.constant 9 : i32
    %add3A_712 = arith.addi %mul3A_2, %add3A_711 : i32
    %mul3A_713 = arith.constant 56 : i32
    %mul3A_714 = arith.muli %add3A_712, %mul3A_713 : i32
    %dma_wait3A_715 = arith.constant 504 : i32
    %dma_wait3A_716 = arith.constant 0 : i32
    %dma_wait3A_717 = tpu.memref_slice %arg6[%dma_wait3A_715, %dma_wait3A_716] : memref<896x128xf32, #tpu.memory_space<vmem>> -> memref<56x128xf32, #tpu.memory_space<vmem>>
    %dma_wait3A_718 = arith.constant 0 : i32
    %dma_wait3A_719 = tpu.memref_slice %arg4[%mul3A_714, %dma_wait3A_718] : memref<57344x128xf32, #tpu.memory_space<hbm>> -> memref<56x128xf32, #tpu.memory_space<hbm>>
    %dma_wait3A_720 = arith.constant 0 : i32
    %dma_wait3A_721 = tpu.memref_slice %arg4[%mul3A_714, %dma_wait3A_720] : memref<57344x128xf32, #tpu.memory_space<hbm>> -> memref<56x128xf32, #tpu.memory_space<hbm>>
    %dma_wait3A_722 = arith.constant 504 : i32
    %dma_wait3A_723 = arith.constant 0 : i32
    %dma_wait3A_724 = tpu.memref_slice %arg6[%dma_wait3A_722, %dma_wait3A_723] : memref<896x128xf32, #tpu.memory_space<vmem>> -> memref<56x128xf32, #tpu.memory_space<vmem>>
    tpu.wait_dma2 semaphore(%arg16 : memref<!tpu.dma_semaphore, #tpu.memory_space<semaphore_mem>>) src(%dma_wait3A_724 : memref<56x128xf32, #tpu.memory_space<vmem>>) dst(%dma_wait3A_721 : memref<56x128xf32, #tpu.memory_space<hbm>>)
    %add3A_725 = arith.constant 17 : i32
    %add3A_726 = arith.addi %mul3A_2, %add3A_725 : i32
    %mul3A_727 = arith.constant 56 : i32
    %mul3A_728 = arith.muli %add3A_726, %mul3A_727 : i32
    %dma_start3A_729 = arith.constant 56 : i32
    %dma_start3A_730 = arith.constant 0 : i32
    %dma_start3A_731 = tpu.memref_slice %arg6[%dma_start3A_729, %dma_start3A_730] : memref<896x128xf32, #tpu.memory_space<vmem>> -> memref<56x128xf32, #tpu.memory_space<vmem>>
    %dma_start3A_732 = arith.constant 0 : i32
    %dma_start3A_733 = tpu.memref_slice %arg4[%mul3A_728, %dma_start3A_732] : memref<57344x128xf32, #tpu.memory_space<hbm>> -> memref<56x128xf32, #tpu.memory_space<hbm>>
    %dma_start3A_734 = arith.constant 0 : i32
    %dma_start3A_735 = tpu.memref_slice %arg4[%mul3A_728, %dma_start3A_734] : memref<57344x128xf32, #tpu.memory_space<hbm>> -> memref<56x128xf32, #tpu.memory_space<hbm>>
    %dma_start3A_736 = arith.constant 56 : i32
    %dma_start3A_737 = arith.constant 0 : i32
    %dma_start3A_738 = tpu.memref_slice %arg6[%dma_start3A_736, %dma_start3A_737] : memref<896x128xf32, #tpu.memory_space<vmem>> -> memref<56x128xf32, #tpu.memory_space<vmem>>
    tpu.enqueue_dma source(%dma_start3A_738 : memref<56x128xf32, #tpu.memory_space<vmem>>) target(%dma_start3A_735 : memref<56x128xf32, #tpu.memory_space<hbm>>) target_semaphore(%arg16 : memref<!tpu.dma_semaphore, #tpu.memory_space<semaphore_mem>>)
    %dma_start3A_739 = arith.constant 504 : i32
    %dma_start3A_740 = arith.constant 0 : i32
    %dma_start3A_741 = tpu.memref_slice %arg6[%dma_start3A_739, %dma_start3A_740] : memref<896x128xf32, #tpu.memory_space<vmem>> -> memref<56x128xf32, #tpu.memory_space<vmem>>
    %dma_start3A_742 = arith.constant 1400 : i32
    %dma_start3A_743 = tpu.memref_slice %arg5[%dma_start3A_742] : memref<1792xi32, #tpu.memory_space<vmem>> -> memref<56xi32, #tpu.memory_space<vmem>>
    %dma_start3A_744 = arith.constant 0 : i32
    %dma_start3A_745 = arith.constant 0 : i32
    %dma_start3A_746 = tpu.memref_slice %arg2[%dma_start3A_744, %dma_start3A_745] : memref<100000x128xf32, #tpu.memory_space<hbm>> -> memref<100000x128xf32, #tpu.memory_space<hbm>>
    tpu.enqueue_indirect_dma source(%dma_start3A_746 : memref<100000x128xf32, #tpu.memory_space<hbm>>) target(%dma_start3A_741 : memref<56x128xf32, #tpu.memory_space<vmem>>) offsets(%dma_start3A_743 : memref<56xi32, #tpu.memory_space<vmem>>) semaphore(%arg8 : memref<!tpu.dma_semaphore, #tpu.memory_space<semaphore_mem>>)
    %dma_wait3A_747 = arith.constant 112 : i32
    %dma_wait3A_748 = arith.constant 0 : i32
    %dma_wait3A_749 = tpu.memref_slice %arg6[%dma_wait3A_747, %dma_wait3A_748] : memref<896x128xf32, #tpu.memory_space<vmem>> -> memref<56x128xf32, #tpu.memory_space<vmem>>
    %dma_wait3A_750 = arith.constant 1008 : i32
    %dma_wait3A_751 = tpu.memref_slice %arg5[%dma_wait3A_750] : memref<1792xi32, #tpu.memory_space<vmem>> -> memref<56xi32, #tpu.memory_space<vmem>>
    %dma_wait3A_752 = arith.constant 0 : i32
    %dma_wait3A_753 = arith.constant 0 : i32
    %dma_wait3A_754 = tpu.memref_slice %arg2[%dma_wait3A_752, %dma_wait3A_753] : memref<100000x128xf32, #tpu.memory_space<hbm>> -> memref<100000x128xf32, #tpu.memory_space<hbm>>
    tpu.wait_indirect_dma semaphore(%arg9 : memref<!tpu.dma_semaphore, #tpu.memory_space<semaphore_mem>>) src(%dma_wait3A_754 : memref<100000x128xf32, #tpu.memory_space<hbm>>) dst(%dma_wait3A_749 : memref<56x128xf32, #tpu.memory_space<vmem>>)
    %add3A_755 = arith.constant 10 : i32
    %add3A_756 = arith.addi %mul3A_2, %add3A_755 : i32
    %mul3A_757 = arith.constant 56 : i32
    %mul3A_758 = arith.muli %add3A_756, %mul3A_757 : i32
    %dma_wait3A_759 = arith.constant 560 : i32
    %dma_wait3A_760 = arith.constant 0 : i32
    %dma_wait3A_761 = tpu.memref_slice %arg6[%dma_wait3A_759, %dma_wait3A_760] : memref<896x128xf32, #tpu.memory_space<vmem>> -> memref<56x128xf32, #tpu.memory_space<vmem>>
    %dma_wait3A_762 = arith.constant 0 : i32
    %dma_wait3A_763 = tpu.memref_slice %arg4[%mul3A_758, %dma_wait3A_762] : memref<57344x128xf32, #tpu.memory_space<hbm>> -> memref<56x128xf32, #tpu.memory_space<hbm>>
    %dma_wait3A_764 = arith.constant 0 : i32
    %dma_wait3A_765 = tpu.memref_slice %arg4[%mul3A_758, %dma_wait3A_764] : memref<57344x128xf32, #tpu.memory_space<hbm>> -> memref<56x128xf32, #tpu.memory_space<hbm>>
    %dma_wait3A_766 = arith.constant 560 : i32
    %dma_wait3A_767 = arith.constant 0 : i32
    %dma_wait3A_768 = tpu.memref_slice %arg6[%dma_wait3A_766, %dma_wait3A_767] : memref<896x128xf32, #tpu.memory_space<vmem>> -> memref<56x128xf32, #tpu.memory_space<vmem>>
    tpu.wait_dma2 semaphore(%arg17 : memref<!tpu.dma_semaphore, #tpu.memory_space<semaphore_mem>>) src(%dma_wait3A_768 : memref<56x128xf32, #tpu.memory_space<vmem>>) dst(%dma_wait3A_765 : memref<56x128xf32, #tpu.memory_space<hbm>>)
    %add3A_769 = arith.constant 18 : i32
    %add3A_770 = arith.addi %mul3A_2, %add3A_769 : i32
    %mul3A_771 = arith.constant 56 : i32
    %mul3A_772 = arith.muli %add3A_770, %mul3A_771 : i32
    %dma_start3A_773 = arith.constant 112 : i32
    %dma_start3A_774 = arith.constant 0 : i32
    %dma_start3A_775 = tpu.memref_slice %arg6[%dma_start3A_773, %dma_start3A_774] : memref<896x128xf32, #tpu.memory_space<vmem>> -> memref<56x128xf32, #tpu.memory_space<vmem>>
    %dma_start3A_776 = arith.constant 0 : i32
    %dma_start3A_777 = tpu.memref_slice %arg4[%mul3A_772, %dma_start3A_776] : memref<57344x128xf32, #tpu.memory_space<hbm>> -> memref<56x128xf32, #tpu.memory_space<hbm>>
    %dma_start3A_778 = arith.constant 0 : i32
    %dma_start3A_779 = tpu.memref_slice %arg4[%mul3A_772, %dma_start3A_778] : memref<57344x128xf32, #tpu.memory_space<hbm>> -> memref<56x128xf32, #tpu.memory_space<hbm>>
    %dma_start3A_780 = arith.constant 112 : i32
    %dma_start3A_781 = arith.constant 0 : i32
    %dma_start3A_782 = tpu.memref_slice %arg6[%dma_start3A_780, %dma_start3A_781] : memref<896x128xf32, #tpu.memory_space<vmem>> -> memref<56x128xf32, #tpu.memory_space<vmem>>
    tpu.enqueue_dma source(%dma_start3A_782 : memref<56x128xf32, #tpu.memory_space<vmem>>) target(%dma_start3A_779 : memref<56x128xf32, #tpu.memory_space<hbm>>) target_semaphore(%arg17 : memref<!tpu.dma_semaphore, #tpu.memory_space<semaphore_mem>>)
    %dma_start3A_783 = arith.constant 560 : i32
    %dma_start3A_784 = arith.constant 0 : i32
    %dma_start3A_785 = tpu.memref_slice %arg6[%dma_start3A_783, %dma_start3A_784] : memref<896x128xf32, #tpu.memory_space<vmem>> -> memref<56x128xf32, #tpu.memory_space<vmem>>
    %dma_start3A_786 = arith.constant 1456 : i32
    %dma_start3A_787 = tpu.memref_slice %arg5[%dma_start3A_786] : memref<1792xi32, #tpu.memory_space<vmem>> -> memref<56xi32, #tpu.memory_space<vmem>>
    %dma_start3A_788 = arith.constant 0 : i32
    %dma_start3A_789 = arith.constant 0 : i32
    %dma_start3A_790 = tpu.memref_slice %arg2[%dma_start3A_788, %dma_start3A_789] : memref<100000x128xf32, #tpu.memory_space<hbm>> -> memref<100000x128xf32, #tpu.memory_space<hbm>>
    tpu.enqueue_indirect_dma source(%dma_start3A_790 : memref<100000x128xf32, #tpu.memory_space<hbm>>) target(%dma_start3A_785 : memref<56x128xf32, #tpu.memory_space<vmem>>) offsets(%dma_start3A_787 : memref<56xi32, #tpu.memory_space<vmem>>) semaphore(%arg9 : memref<!tpu.dma_semaphore, #tpu.memory_space<semaphore_mem>>)
    %dma_wait3A_791 = arith.constant 168 : i32
    %dma_wait3A_792 = arith.constant 0 : i32
    %dma_wait3A_793 = tpu.memref_slice %arg6[%dma_wait3A_791, %dma_wait3A_792] : memref<896x128xf32, #tpu.memory_space<vmem>> -> memref<56x128xf32, #tpu.memory_space<vmem>>
    %dma_wait3A_794 = arith.constant 1064 : i32
    %dma_wait3A_795 = tpu.memref_slice %arg5[%dma_wait3A_794] : memref<1792xi32, #tpu.memory_space<vmem>> -> memref<56xi32, #tpu.memory_space<vmem>>
    %dma_wait3A_796 = arith.constant 0 : i32
    %dma_wait3A_797 = arith.constant 0 : i32
    %dma_wait3A_798 = tpu.memref_slice %arg2[%dma_wait3A_796, %dma_wait3A_797] : memref<100000x128xf32, #tpu.memory_space<hbm>> -> memref<100000x128xf32, #tpu.memory_space<hbm>>
    tpu.wait_indirect_dma semaphore(%arg10 : memref<!tpu.dma_semaphore, #tpu.memory_space<semaphore_mem>>) src(%dma_wait3A_798 : memref<100000x128xf32, #tpu.memory_space<hbm>>) dst(%dma_wait3A_793 : memref<56x128xf32, #tpu.memory_space<vmem>>)
    %add3A_799 = arith.constant 11 : i32
    %add3A_800 = arith.addi %mul3A_2, %add3A_799 : i32
    %mul3A_801 = arith.constant 56 : i32
    %mul3A_802 = arith.muli %add3A_800, %mul3A_801 : i32
    %dma_wait3A_803 = arith.constant 616 : i32
    %dma_wait3A_804 = arith.constant 0 : i32
    %dma_wait3A_805 = tpu.memref_slice %arg6[%dma_wait3A_803, %dma_wait3A_804] : memref<896x128xf32, #tpu.memory_space<vmem>> -> memref<56x128xf32, #tpu.memory_space<vmem>>
    %dma_wait3A_806 = arith.constant 0 : i32
    %dma_wait3A_807 = tpu.memref_slice %arg4[%mul3A_802, %dma_wait3A_806] : memref<57344x128xf32, #tpu.memory_space<hbm>> -> memref<56x128xf32, #tpu.memory_space<hbm>>
    %dma_wait3A_808 = arith.constant 0 : i32
    %dma_wait3A_809 = tpu.memref_slice %arg4[%mul3A_802, %dma_wait3A_808] : memref<57344x128xf32, #tpu.memory_space<hbm>> -> memref<56x128xf32, #tpu.memory_space<hbm>>
    %dma_wait3A_810 = arith.constant 616 : i32
    %dma_wait3A_811 = arith.constant 0 : i32
    %dma_wait3A_812 = tpu.memref_slice %arg6[%dma_wait3A_810, %dma_wait3A_811] : memref<896x128xf32, #tpu.memory_space<vmem>> -> memref<56x128xf32, #tpu.memory_space<vmem>>
    tpu.wait_dma2 semaphore(%arg18 : memref<!tpu.dma_semaphore, #tpu.memory_space<semaphore_mem>>) src(%dma_wait3A_812 : memref<56x128xf32, #tpu.memory_space<vmem>>) dst(%dma_wait3A_809 : memref<56x128xf32, #tpu.memory_space<hbm>>)
    %add3A_813 = arith.constant 19 : i32
    %add3A_814 = arith.addi %mul3A_2, %add3A_813 : i32
    %mul3A_815 = arith.constant 56 : i32
    %mul3A_816 = arith.muli %add3A_814, %mul3A_815 : i32
    %dma_start3A_817 = arith.constant 168 : i32
    %dma_start3A_818 = arith.constant 0 : i32
    %dma_start3A_819 = tpu.memref_slice %arg6[%dma_start3A_817, %dma_start3A_818] : memref<896x128xf32, #tpu.memory_space<vmem>> -> memref<56x128xf32, #tpu.memory_space<vmem>>
    %dma_start3A_820 = arith.constant 0 : i32
    %dma_start3A_821 = tpu.memref_slice %arg4[%mul3A_816, %dma_start3A_820] : memref<57344x128xf32, #tpu.memory_space<hbm>> -> memref<56x128xf32, #tpu.memory_space<hbm>>
    %dma_start3A_822 = arith.constant 0 : i32
    %dma_start3A_823 = tpu.memref_slice %arg4[%mul3A_816, %dma_start3A_822] : memref<57344x128xf32, #tpu.memory_space<hbm>> -> memref<56x128xf32, #tpu.memory_space<hbm>>
    %dma_start3A_824 = arith.constant 168 : i32
    %dma_start3A_825 = arith.constant 0 : i32
    %dma_start3A_826 = tpu.memref_slice %arg6[%dma_start3A_824, %dma_start3A_825] : memref<896x128xf32, #tpu.memory_space<vmem>> -> memref<56x128xf32, #tpu.memory_space<vmem>>
    tpu.enqueue_dma source(%dma_start3A_826 : memref<56x128xf32, #tpu.memory_space<vmem>>) target(%dma_start3A_823 : memref<56x128xf32, #tpu.memory_space<hbm>>) target_semaphore(%arg18 : memref<!tpu.dma_semaphore, #tpu.memory_space<semaphore_mem>>)
    %dma_start3A_827 = arith.constant 616 : i32
    %dma_start3A_828 = arith.constant 0 : i32
    %dma_start3A_829 = tpu.memref_slice %arg6[%dma_start3A_827, %dma_start3A_828] : memref<896x128xf32, #tpu.memory_space<vmem>> -> memref<56x128xf32, #tpu.memory_space<vmem>>
    %dma_start3A_830 = arith.constant 1512 : i32
    %dma_start3A_831 = tpu.memref_slice %arg5[%dma_start3A_830] : memref<1792xi32, #tpu.memory_space<vmem>> -> memref<56xi32, #tpu.memory_space<vmem>>
    %dma_start3A_832 = arith.constant 0 : i32
    %dma_start3A_833 = arith.constant 0 : i32
    %dma_start3A_834 = tpu.memref_slice %arg2[%dma_start3A_832, %dma_start3A_833] : memref<100000x128xf32, #tpu.memory_space<hbm>> -> memref<100000x128xf32, #tpu.memory_space<hbm>>
    tpu.enqueue_indirect_dma source(%dma_start3A_834 : memref<100000x128xf32, #tpu.memory_space<hbm>>) target(%dma_start3A_829 : memref<56x128xf32, #tpu.memory_space<vmem>>) offsets(%dma_start3A_831 : memref<56xi32, #tpu.memory_space<vmem>>) semaphore(%arg10 : memref<!tpu.dma_semaphore, #tpu.memory_space<semaphore_mem>>)
    %dma_wait3A_835 = arith.constant 224 : i32
    %dma_wait3A_836 = arith.constant 0 : i32
    %dma_wait3A_837 = tpu.memref_slice %arg6[%dma_wait3A_835, %dma_wait3A_836] : memref<896x128xf32, #tpu.memory_space<vmem>> -> memref<56x128xf32, #tpu.memory_space<vmem>>
    %dma_wait3A_838 = arith.constant 1120 : i32
    %dma_wait3A_839 = tpu.memref_slice %arg5[%dma_wait3A_838] : memref<1792xi32, #tpu.memory_space<vmem>> -> memref<56xi32, #tpu.memory_space<vmem>>
    %dma_wait3A_840 = arith.constant 0 : i32
    %dma_wait3A_841 = arith.constant 0 : i32
    %dma_wait3A_842 = tpu.memref_slice %arg2[%dma_wait3A_840, %dma_wait3A_841] : memref<100000x128xf32, #tpu.memory_space<hbm>> -> memref<100000x128xf32, #tpu.memory_space<hbm>>
    tpu.wait_indirect_dma semaphore(%arg11 : memref<!tpu.dma_semaphore, #tpu.memory_space<semaphore_mem>>) src(%dma_wait3A_842 : memref<100000x128xf32, #tpu.memory_space<hbm>>) dst(%dma_wait3A_837 : memref<56x128xf32, #tpu.memory_space<vmem>>)
    %add3A_843 = arith.constant 12 : i32
    %add3A_844 = arith.addi %mul3A_2, %add3A_843 : i32
    %mul3A_845 = arith.constant 56 : i32
    %mul3A_846 = arith.muli %add3A_844, %mul3A_845 : i32
    %dma_wait3A_847 = arith.constant 672 : i32
    %dma_wait3A_848 = arith.constant 0 : i32
    %dma_wait3A_849 = tpu.memref_slice %arg6[%dma_wait3A_847, %dma_wait3A_848] : memref<896x128xf32, #tpu.memory_space<vmem>> -> memref<56x128xf32, #tpu.memory_space<vmem>>
    %dma_wait3A_850 = arith.constant 0 : i32
    %dma_wait3A_851 = tpu.memref_slice %arg4[%mul3A_846, %dma_wait3A_850] : memref<57344x128xf32, #tpu.memory_space<hbm>> -> memref<56x128xf32, #tpu.memory_space<hbm>>
    %dma_wait3A_852 = arith.constant 0 : i32
    %dma_wait3A_853 = tpu.memref_slice %arg4[%mul3A_846, %dma_wait3A_852] : memref<57344x128xf32, #tpu.memory_space<hbm>> -> memref<56x128xf32, #tpu.memory_space<hbm>>
    %dma_wait3A_854 = arith.constant 672 : i32
    %dma_wait3A_855 = arith.constant 0 : i32
    %dma_wait3A_856 = tpu.memref_slice %arg6[%dma_wait3A_854, %dma_wait3A_855] : memref<896x128xf32, #tpu.memory_space<vmem>> -> memref<56x128xf32, #tpu.memory_space<vmem>>
    tpu.wait_dma2 semaphore(%arg19 : memref<!tpu.dma_semaphore, #tpu.memory_space<semaphore_mem>>) src(%dma_wait3A_856 : memref<56x128xf32, #tpu.memory_space<vmem>>) dst(%dma_wait3A_853 : memref<56x128xf32, #tpu.memory_space<hbm>>)
    %add3A_857 = arith.constant 20 : i32
    %add3A_858 = arith.addi %mul3A_2, %add3A_857 : i32
    %mul3A_859 = arith.constant 56 : i32
    %mul3A_860 = arith.muli %add3A_858, %mul3A_859 : i32
    %dma_start3A_861 = arith.constant 224 : i32
    %dma_start3A_862 = arith.constant 0 : i32
    %dma_start3A_863 = tpu.memref_slice %arg6[%dma_start3A_861, %dma_start3A_862] : memref<896x128xf32, #tpu.memory_space<vmem>> -> memref<56x128xf32, #tpu.memory_space<vmem>>
    %dma_start3A_864 = arith.constant 0 : i32
    %dma_start3A_865 = tpu.memref_slice %arg4[%mul3A_860, %dma_start3A_864] : memref<57344x128xf32, #tpu.memory_space<hbm>> -> memref<56x128xf32, #tpu.memory_space<hbm>>
    %dma_start3A_866 = arith.constant 0 : i32
    %dma_start3A_867 = tpu.memref_slice %arg4[%mul3A_860, %dma_start3A_866] : memref<57344x128xf32, #tpu.memory_space<hbm>> -> memref<56x128xf32, #tpu.memory_space<hbm>>
    %dma_start3A_868 = arith.constant 224 : i32
    %dma_start3A_869 = arith.constant 0 : i32
    %dma_start3A_870 = tpu.memref_slice %arg6[%dma_start3A_868, %dma_start3A_869] : memref<896x128xf32, #tpu.memory_space<vmem>> -> memref<56x128xf32, #tpu.memory_space<vmem>>
    tpu.enqueue_dma source(%dma_start3A_870 : memref<56x128xf32, #tpu.memory_space<vmem>>) target(%dma_start3A_867 : memref<56x128xf32, #tpu.memory_space<hbm>>) target_semaphore(%arg19 : memref<!tpu.dma_semaphore, #tpu.memory_space<semaphore_mem>>)
    %dma_start3A_871 = arith.constant 672 : i32
    %dma_start3A_872 = arith.constant 0 : i32
    %dma_start3A_873 = tpu.memref_slice %arg6[%dma_start3A_871, %dma_start3A_872] : memref<896x128xf32, #tpu.memory_space<vmem>> -> memref<56x128xf32, #tpu.memory_space<vmem>>
    %dma_start3A_874 = arith.constant 1568 : i32
    %dma_start3A_875 = tpu.memref_slice %arg5[%dma_start3A_874] : memref<1792xi32, #tpu.memory_space<vmem>> -> memref<56xi32, #tpu.memory_space<vmem>>
    %dma_start3A_876 = arith.constant 0 : i32
    %dma_start3A_877 = arith.constant 0 : i32
    %dma_start3A_878 = tpu.memref_slice %arg2[%dma_start3A_876, %dma_start3A_877] : memref<100000x128xf32, #tpu.memory_space<hbm>> -> memref<100000x128xf32, #tpu.memory_space<hbm>>
    tpu.enqueue_indirect_dma source(%dma_start3A_878 : memref<100000x128xf32, #tpu.memory_space<hbm>>) target(%dma_start3A_873 : memref<56x128xf32, #tpu.memory_space<vmem>>) offsets(%dma_start3A_875 : memref<56xi32, #tpu.memory_space<vmem>>) semaphore(%arg11 : memref<!tpu.dma_semaphore, #tpu.memory_space<semaphore_mem>>)
    %dma_wait3A_879 = arith.constant 280 : i32
    %dma_wait3A_880 = arith.constant 0 : i32
    %dma_wait3A_881 = tpu.memref_slice %arg6[%dma_wait3A_879, %dma_wait3A_880] : memref<896x128xf32, #tpu.memory_space<vmem>> -> memref<56x128xf32, #tpu.memory_space<vmem>>
    %dma_wait3A_882 = arith.constant 1176 : i32
    %dma_wait3A_883 = tpu.memref_slice %arg5[%dma_wait3A_882] : memref<1792xi32, #tpu.memory_space<vmem>> -> memref<56xi32, #tpu.memory_space<vmem>>
    %dma_wait3A_884 = arith.constant 0 : i32
    %dma_wait3A_885 = arith.constant 0 : i32
    %dma_wait3A_886 = tpu.memref_slice %arg2[%dma_wait3A_884, %dma_wait3A_885] : memref<100000x128xf32, #tpu.memory_space<hbm>> -> memref<100000x128xf32, #tpu.memory_space<hbm>>
    tpu.wait_indirect_dma semaphore(%arg12 : memref<!tpu.dma_semaphore, #tpu.memory_space<semaphore_mem>>) src(%dma_wait3A_886 : memref<100000x128xf32, #tpu.memory_space<hbm>>) dst(%dma_wait3A_881 : memref<56x128xf32, #tpu.memory_space<vmem>>)
    %add3A_887 = arith.constant 13 : i32
    %add3A_888 = arith.addi %mul3A_2, %add3A_887 : i32
    %mul3A_889 = arith.constant 56 : i32
    %mul3A_890 = arith.muli %add3A_888, %mul3A_889 : i32
    %dma_wait3A_891 = arith.constant 728 : i32
    %dma_wait3A_892 = arith.constant 0 : i32
    %dma_wait3A_893 = tpu.memref_slice %arg6[%dma_wait3A_891, %dma_wait3A_892] : memref<896x128xf32, #tpu.memory_space<vmem>> -> memref<56x128xf32, #tpu.memory_space<vmem>>
    %dma_wait3A_894 = arith.constant 0 : i32
    %dma_wait3A_895 = tpu.memref_slice %arg4[%mul3A_890, %dma_wait3A_894] : memref<57344x128xf32, #tpu.memory_space<hbm>> -> memref<56x128xf32, #tpu.memory_space<hbm>>
    %dma_wait3A_896 = arith.constant 0 : i32
    %dma_wait3A_897 = tpu.memref_slice %arg4[%mul3A_890, %dma_wait3A_896] : memref<57344x128xf32, #tpu.memory_space<hbm>> -> memref<56x128xf32, #tpu.memory_space<hbm>>
    %dma_wait3A_898 = arith.constant 728 : i32
    %dma_wait3A_899 = arith.constant 0 : i32
    %dma_wait3A_900 = tpu.memref_slice %arg6[%dma_wait3A_898, %dma_wait3A_899] : memref<896x128xf32, #tpu.memory_space<vmem>> -> memref<56x128xf32, #tpu.memory_space<vmem>>
    tpu.wait_dma2 semaphore(%arg20 : memref<!tpu.dma_semaphore, #tpu.memory_space<semaphore_mem>>) src(%dma_wait3A_900 : memref<56x128xf32, #tpu.memory_space<vmem>>) dst(%dma_wait3A_897 : memref<56x128xf32, #tpu.memory_space<hbm>>)
    %add3A_901 = arith.constant 21 : i32
    %add3A_902 = arith.addi %mul3A_2, %add3A_901 : i32
    %mul3A_903 = arith.constant 56 : i32
    %mul3A_904 = arith.muli %add3A_902, %mul3A_903 : i32
    %dma_start3A_905 = arith.constant 280 : i32
    %dma_start3A_906 = arith.constant 0 : i32
    %dma_start3A_907 = tpu.memref_slice %arg6[%dma_start3A_905, %dma_start3A_906] : memref<896x128xf32, #tpu.memory_space<vmem>> -> memref<56x128xf32, #tpu.memory_space<vmem>>
    %dma_start3A_908 = arith.constant 0 : i32
    %dma_start3A_909 = tpu.memref_slice %arg4[%mul3A_904, %dma_start3A_908] : memref<57344x128xf32, #tpu.memory_space<hbm>> -> memref<56x128xf32, #tpu.memory_space<hbm>>
    %dma_start3A_910 = arith.constant 0 : i32
    %dma_start3A_911 = tpu.memref_slice %arg4[%mul3A_904, %dma_start3A_910] : memref<57344x128xf32, #tpu.memory_space<hbm>> -> memref<56x128xf32, #tpu.memory_space<hbm>>
    %dma_start3A_912 = arith.constant 280 : i32
    %dma_start3A_913 = arith.constant 0 : i32
    %dma_start3A_914 = tpu.memref_slice %arg6[%dma_start3A_912, %dma_start3A_913] : memref<896x128xf32, #tpu.memory_space<vmem>> -> memref<56x128xf32, #tpu.memory_space<vmem>>
    tpu.enqueue_dma source(%dma_start3A_914 : memref<56x128xf32, #tpu.memory_space<vmem>>) target(%dma_start3A_911 : memref<56x128xf32, #tpu.memory_space<hbm>>) target_semaphore(%arg20 : memref<!tpu.dma_semaphore, #tpu.memory_space<semaphore_mem>>)
    %dma_start3A_915 = arith.constant 728 : i32
    %dma_start3A_916 = arith.constant 0 : i32
    %dma_start3A_917 = tpu.memref_slice %arg6[%dma_start3A_915, %dma_start3A_916] : memref<896x128xf32, #tpu.memory_space<vmem>> -> memref<56x128xf32, #tpu.memory_space<vmem>>
    %dma_start3A_918 = arith.constant 1624 : i32
    %dma_start3A_919 = tpu.memref_slice %arg5[%dma_start3A_918] : memref<1792xi32, #tpu.memory_space<vmem>> -> memref<56xi32, #tpu.memory_space<vmem>>
    %dma_start3A_920 = arith.constant 0 : i32
    %dma_start3A_921 = arith.constant 0 : i32
    %dma_start3A_922 = tpu.memref_slice %arg2[%dma_start3A_920, %dma_start3A_921] : memref<100000x128xf32, #tpu.memory_space<hbm>> -> memref<100000x128xf32, #tpu.memory_space<hbm>>
    tpu.enqueue_indirect_dma source(%dma_start3A_922 : memref<100000x128xf32, #tpu.memory_space<hbm>>) target(%dma_start3A_917 : memref<56x128xf32, #tpu.memory_space<vmem>>) offsets(%dma_start3A_919 : memref<56xi32, #tpu.memory_space<vmem>>) semaphore(%arg12 : memref<!tpu.dma_semaphore, #tpu.memory_space<semaphore_mem>>)
    %dma_wait3A_923 = arith.constant 336 : i32
    %dma_wait3A_924 = arith.constant 0 : i32
    %dma_wait3A_925 = tpu.memref_slice %arg6[%dma_wait3A_923, %dma_wait3A_924] : memref<896x128xf32, #tpu.memory_space<vmem>> -> memref<56x128xf32, #tpu.memory_space<vmem>>
    %dma_wait3A_926 = arith.constant 1232 : i32
    %dma_wait3A_927 = tpu.memref_slice %arg5[%dma_wait3A_926] : memref<1792xi32, #tpu.memory_space<vmem>> -> memref<56xi32, #tpu.memory_space<vmem>>
    %dma_wait3A_928 = arith.constant 0 : i32
    %dma_wait3A_929 = arith.constant 0 : i32
    %dma_wait3A_930 = tpu.memref_slice %arg2[%dma_wait3A_928, %dma_wait3A_929] : memref<100000x128xf32, #tpu.memory_space<hbm>> -> memref<100000x128xf32, #tpu.memory_space<hbm>>
    tpu.wait_indirect_dma semaphore(%arg13 : memref<!tpu.dma_semaphore, #tpu.memory_space<semaphore_mem>>) src(%dma_wait3A_930 : memref<100000x128xf32, #tpu.memory_space<hbm>>) dst(%dma_wait3A_925 : memref<56x128xf32, #tpu.memory_space<vmem>>)
    %add3A_931 = arith.constant 14 : i32
    %add3A_932 = arith.addi %mul3A_2, %add3A_931 : i32
    %mul3A_933 = arith.constant 56 : i32
    %mul3A_934 = arith.muli %add3A_932, %mul3A_933 : i32
    %dma_wait3A_935 = arith.constant 784 : i32
    %dma_wait3A_936 = arith.constant 0 : i32
    %dma_wait3A_937 = tpu.memref_slice %arg6[%dma_wait3A_935, %dma_wait3A_936] : memref<896x128xf32, #tpu.memory_space<vmem>> -> memref<56x128xf32, #tpu.memory_space<vmem>>
    %dma_wait3A_938 = arith.constant 0 : i32
    %dma_wait3A_939 = tpu.memref_slice %arg4[%mul3A_934, %dma_wait3A_938] : memref<57344x128xf32, #tpu.memory_space<hbm>> -> memref<56x128xf32, #tpu.memory_space<hbm>>
    %dma_wait3A_940 = arith.constant 0 : i32
    %dma_wait3A_941 = tpu.memref_slice %arg4[%mul3A_934, %dma_wait3A_940] : memref<57344x128xf32, #tpu.memory_space<hbm>> -> memref<56x128xf32, #tpu.memory_space<hbm>>
    %dma_wait3A_942 = arith.constant 784 : i32
    %dma_wait3A_943 = arith.constant 0 : i32
    %dma_wait3A_944 = tpu.memref_slice %arg6[%dma_wait3A_942, %dma_wait3A_943] : memref<896x128xf32, #tpu.memory_space<vmem>> -> memref<56x128xf32, #tpu.memory_space<vmem>>
    tpu.wait_dma2 semaphore(%arg21 : memref<!tpu.dma_semaphore, #tpu.memory_space<semaphore_mem>>) src(%dma_wait3A_944 : memref<56x128xf32, #tpu.memory_space<vmem>>) dst(%dma_wait3A_941 : memref<56x128xf32, #tpu.memory_space<hbm>>)
    %add3A_945 = arith.constant 22 : i32
    %add3A_946 = arith.addi %mul3A_2, %add3A_945 : i32
    %mul3A_947 = arith.constant 56 : i32
    %mul3A_948 = arith.muli %add3A_946, %mul3A_947 : i32
    %dma_start3A_949 = arith.constant 336 : i32
    %dma_start3A_950 = arith.constant 0 : i32
    %dma_start3A_951 = tpu.memref_slice %arg6[%dma_start3A_949, %dma_start3A_950] : memref<896x128xf32, #tpu.memory_space<vmem>> -> memref<56x128xf32, #tpu.memory_space<vmem>>
    %dma_start3A_952 = arith.constant 0 : i32
    %dma_start3A_953 = tpu.memref_slice %arg4[%mul3A_948, %dma_start3A_952] : memref<57344x128xf32, #tpu.memory_space<hbm>> -> memref<56x128xf32, #tpu.memory_space<hbm>>
    %dma_start3A_954 = arith.constant 0 : i32
    %dma_start3A_955 = tpu.memref_slice %arg4[%mul3A_948, %dma_start3A_954] : memref<57344x128xf32, #tpu.memory_space<hbm>> -> memref<56x128xf32, #tpu.memory_space<hbm>>
    %dma_start3A_956 = arith.constant 336 : i32
    %dma_start3A_957 = arith.constant 0 : i32
    %dma_start3A_958 = tpu.memref_slice %arg6[%dma_start3A_956, %dma_start3A_957] : memref<896x128xf32, #tpu.memory_space<vmem>> -> memref<56x128xf32, #tpu.memory_space<vmem>>
    tpu.enqueue_dma source(%dma_start3A_958 : memref<56x128xf32, #tpu.memory_space<vmem>>) target(%dma_start3A_955 : memref<56x128xf32, #tpu.memory_space<hbm>>) target_semaphore(%arg21 : memref<!tpu.dma_semaphore, #tpu.memory_space<semaphore_mem>>)
    %dma_start3A_959 = arith.constant 784 : i32
    %dma_start3A_960 = arith.constant 0 : i32
    %dma_start3A_961 = tpu.memref_slice %arg6[%dma_start3A_959, %dma_start3A_960] : memref<896x128xf32, #tpu.memory_space<vmem>> -> memref<56x128xf32, #tpu.memory_space<vmem>>
    %dma_start3A_962 = arith.constant 1680 : i32
    %dma_start3A_963 = tpu.memref_slice %arg5[%dma_start3A_962] : memref<1792xi32, #tpu.memory_space<vmem>> -> memref<56xi32, #tpu.memory_space<vmem>>
    %dma_start3A_964 = arith.constant 0 : i32
    %dma_start3A_965 = arith.constant 0 : i32
    %dma_start3A_966 = tpu.memref_slice %arg2[%dma_start3A_964, %dma_start3A_965] : memref<100000x128xf32, #tpu.memory_space<hbm>> -> memref<100000x128xf32, #tpu.memory_space<hbm>>
    tpu.enqueue_indirect_dma source(%dma_start3A_966 : memref<100000x128xf32, #tpu.memory_space<hbm>>) target(%dma_start3A_961 : memref<56x128xf32, #tpu.memory_space<vmem>>) offsets(%dma_start3A_963 : memref<56xi32, #tpu.memory_space<vmem>>) semaphore(%arg13 : memref<!tpu.dma_semaphore, #tpu.memory_space<semaphore_mem>>)
    %dma_wait3A_967 = arith.constant 392 : i32
    %dma_wait3A_968 = arith.constant 0 : i32
    %dma_wait3A_969 = tpu.memref_slice %arg6[%dma_wait3A_967, %dma_wait3A_968] : memref<896x128xf32, #tpu.memory_space<vmem>> -> memref<56x128xf32, #tpu.memory_space<vmem>>
    %dma_wait3A_970 = arith.constant 1288 : i32
    %dma_wait3A_971 = tpu.memref_slice %arg5[%dma_wait3A_970] : memref<1792xi32, #tpu.memory_space<vmem>> -> memref<56xi32, #tpu.memory_space<vmem>>
    %dma_wait3A_972 = arith.constant 0 : i32
    %dma_wait3A_973 = arith.constant 0 : i32
    %dma_wait3A_974 = tpu.memref_slice %arg2[%dma_wait3A_972, %dma_wait3A_973] : memref<100000x128xf32, #tpu.memory_space<hbm>> -> memref<100000x128xf32, #tpu.memory_space<hbm>>
    tpu.wait_indirect_dma semaphore(%arg14 : memref<!tpu.dma_semaphore, #tpu.memory_space<semaphore_mem>>) src(%dma_wait3A_974 : memref<100000x128xf32, #tpu.memory_space<hbm>>) dst(%dma_wait3A_969 : memref<56x128xf32, #tpu.memory_space<vmem>>)
    %add3A_975 = arith.constant 15 : i32
    %add3A_976 = arith.addi %mul3A_2, %add3A_975 : i32
    %mul3A_977 = arith.constant 56 : i32
    %mul3A_978 = arith.muli %add3A_976, %mul3A_977 : i32
    %dma_wait3A_979 = arith.constant 840 : i32
    %dma_wait3A_980 = arith.constant 0 : i32
    %dma_wait3A_981 = tpu.memref_slice %arg6[%dma_wait3A_979, %dma_wait3A_980] : memref<896x128xf32, #tpu.memory_space<vmem>> -> memref<56x128xf32, #tpu.memory_space<vmem>>
    %dma_wait3A_982 = arith.constant 0 : i32
    %dma_wait3A_983 = tpu.memref_slice %arg4[%mul3A_978, %dma_wait3A_982] : memref<57344x128xf32, #tpu.memory_space<hbm>> -> memref<56x128xf32, #tpu.memory_space<hbm>>
    %dma_wait3A_984 = arith.constant 0 : i32
    %dma_wait3A_985 = tpu.memref_slice %arg4[%mul3A_978, %dma_wait3A_984] : memref<57344x128xf32, #tpu.memory_space<hbm>> -> memref<56x128xf32, #tpu.memory_space<hbm>>
    %dma_wait3A_986 = arith.constant 840 : i32
    %dma_wait3A_987 = arith.constant 0 : i32
    %dma_wait3A_988 = tpu.memref_slice %arg6[%dma_wait3A_986, %dma_wait3A_987] : memref<896x128xf32, #tpu.memory_space<vmem>> -> memref<56x128xf32, #tpu.memory_space<vmem>>
    tpu.wait_dma2 semaphore(%arg22 : memref<!tpu.dma_semaphore, #tpu.memory_space<semaphore_mem>>) src(%dma_wait3A_988 : memref<56x128xf32, #tpu.memory_space<vmem>>) dst(%dma_wait3A_985 : memref<56x128xf32, #tpu.memory_space<hbm>>)
    %add3A_989 = arith.constant 23 : i32
    %add3A_990 = arith.addi %mul3A_2, %add3A_989 : i32
    %mul3A_991 = arith.constant 56 : i32
    %mul3A_992 = arith.muli %add3A_990, %mul3A_991 : i32
    %dma_start3A_993 = arith.constant 392 : i32
    %dma_start3A_994 = arith.constant 0 : i32
    %dma_start3A_995 = tpu.memref_slice %arg6[%dma_start3A_993, %dma_start3A_994] : memref<896x128xf32, #tpu.memory_space<vmem>> -> memref<56x128xf32, #tpu.memory_space<vmem>>
    %dma_start3A_996 = arith.constant 0 : i32
    %dma_start3A_997 = tpu.memref_slice %arg4[%mul3A_992, %dma_start3A_996] : memref<57344x128xf32, #tpu.memory_space<hbm>> -> memref<56x128xf32, #tpu.memory_space<hbm>>
    %dma_start3A_998 = arith.constant 0 : i32
    %dma_start3A_999 = tpu.memref_slice %arg4[%mul3A_992, %dma_start3A_998] : memref<57344x128xf32, #tpu.memory_space<hbm>> -> memref<56x128xf32, #tpu.memory_space<hbm>>
    %dma_start3A_1000 = arith.constant 392 : i32
    %dma_start3A_1001 = arith.constant 0 : i32
    %dma_start3A_1002 = tpu.memref_slice %arg6[%dma_start3A_1000, %dma_start3A_1001] : memref<896x128xf32, #tpu.memory_space<vmem>> -> memref<56x128xf32, #tpu.memory_space<vmem>>
    tpu.enqueue_dma source(%dma_start3A_1002 : memref<56x128xf32, #tpu.memory_space<vmem>>) target(%dma_start3A_999 : memref<56x128xf32, #tpu.memory_space<hbm>>) target_semaphore(%arg22 : memref<!tpu.dma_semaphore, #tpu.memory_space<semaphore_mem>>)
    %dma_start3A_1003 = arith.constant 840 : i32
    %dma_start3A_1004 = arith.constant 0 : i32
    %dma_start3A_1005 = tpu.memref_slice %arg6[%dma_start3A_1003, %dma_start3A_1004] : memref<896x128xf32, #tpu.memory_space<vmem>> -> memref<56x128xf32, #tpu.memory_space<vmem>>
    %dma_start3A_1006 = arith.constant 1736 : i32
    %dma_start3A_1007 = tpu.memref_slice %arg5[%dma_start3A_1006] : memref<1792xi32, #tpu.memory_space<vmem>> -> memref<56xi32, #tpu.memory_space<vmem>>
    %dma_start3A_1008 = arith.constant 0 : i32
    %dma_start3A_1009 = arith.constant 0 : i32
    %dma_start3A_1010 = tpu.memref_slice %arg2[%dma_start3A_1008, %dma_start3A_1009] : memref<100000x128xf32, #tpu.memory_space<hbm>> -> memref<100000x128xf32, #tpu.memory_space<hbm>>
    tpu.enqueue_indirect_dma source(%dma_start3A_1010 : memref<100000x128xf32, #tpu.memory_space<hbm>>) target(%dma_start3A_1005 : memref<56x128xf32, #tpu.memory_space<vmem>>) offsets(%dma_start3A_1007 : memref<56xi32, #tpu.memory_space<vmem>>) semaphore(%arg14 : memref<!tpu.dma_semaphore, #tpu.memory_space<semaphore_mem>>)
    %dma_wait3A_1011 = arith.constant 448 : i32
    %dma_wait3A_1012 = arith.constant 0 : i32
    %dma_wait3A_1013 = tpu.memref_slice %arg6[%dma_wait3A_1011, %dma_wait3A_1012] : memref<896x128xf32, #tpu.memory_space<vmem>> -> memref<56x128xf32, #tpu.memory_space<vmem>>
    %dma_wait3A_1014 = arith.constant 1344 : i32
    %dma_wait3A_1015 = tpu.memref_slice %arg5[%dma_wait3A_1014] : memref<1792xi32, #tpu.memory_space<vmem>> -> memref<56xi32, #tpu.memory_space<vmem>>
    %dma_wait3A_1016 = arith.constant 0 : i32
    %dma_wait3A_1017 = arith.constant 0 : i32
    %dma_wait3A_1018 = tpu.memref_slice %arg2[%dma_wait3A_1016, %dma_wait3A_1017] : memref<100000x128xf32, #tpu.memory_space<hbm>> -> memref<100000x128xf32, #tpu.memory_space<hbm>>
    tpu.wait_indirect_dma semaphore(%arg7 : memref<!tpu.dma_semaphore, #tpu.memory_space<semaphore_mem>>) src(%dma_wait3A_1018 : memref<100000x128xf32, #tpu.memory_space<hbm>>) dst(%dma_wait3A_1013 : memref<56x128xf32, #tpu.memory_space<vmem>>)
    %add3A_1019 = arith.constant 16 : i32
    %add3A_1020 = arith.addi %mul3A_2, %add3A_1019 : i32
    %mul3A_1021 = arith.constant 56 : i32
    %mul3A_1022 = arith.muli %add3A_1020, %mul3A_1021 : i32
    %dma_wait3A_1023 = arith.constant 0 : i32
    %dma_wait3A_1024 = arith.constant 0 : i32
    %dma_wait3A_1025 = tpu.memref_slice %arg6[%dma_wait3A_1023, %dma_wait3A_1024] : memref<896x128xf32, #tpu.memory_space<vmem>> -> memref<56x128xf32, #tpu.memory_space<vmem>>
    %dma_wait3A_1026 = arith.constant 0 : i32
    %dma_wait3A_1027 = tpu.memref_slice %arg4[%mul3A_1022, %dma_wait3A_1026] : memref<57344x128xf32, #tpu.memory_space<hbm>> -> memref<56x128xf32, #tpu.memory_space<hbm>>
    %dma_wait3A_1028 = arith.constant 0 : i32
    %dma_wait3A_1029 = tpu.memref_slice %arg4[%mul3A_1022, %dma_wait3A_1028] : memref<57344x128xf32, #tpu.memory_space<hbm>> -> memref<56x128xf32, #tpu.memory_space<hbm>>
    %dma_wait3A_1030 = arith.constant 0 : i32
    %dma_wait3A_1031 = arith.constant 0 : i32
    %dma_wait3A_1032 = tpu.memref_slice %arg6[%dma_wait3A_1030, %dma_wait3A_1031] : memref<896x128xf32, #tpu.memory_space<vmem>> -> memref<56x128xf32, #tpu.memory_space<vmem>>
    tpu.wait_dma2 semaphore(%arg15 : memref<!tpu.dma_semaphore, #tpu.memory_space<semaphore_mem>>) src(%dma_wait3A_1032 : memref<56x128xf32, #tpu.memory_space<vmem>>) dst(%dma_wait3A_1029 : memref<56x128xf32, #tpu.memory_space<hbm>>)
    %add3A_1033 = arith.constant 24 : i32
    %add3A_1034 = arith.addi %mul3A_2, %add3A_1033 : i32
    %mul3A_1035 = arith.constant 56 : i32
    %mul3A_1036 = arith.muli %add3A_1034, %mul3A_1035 : i32
    %dma_start3A_1037 = arith.constant 448 : i32
    %dma_start3A_1038 = arith.constant 0 : i32
    %dma_start3A_1039 = tpu.memref_slice %arg6[%dma_start3A_1037, %dma_start3A_1038] : memref<896x128xf32, #tpu.memory_space<vmem>> -> memref<56x128xf32, #tpu.memory_space<vmem>>
    %dma_start3A_1040 = arith.constant 0 : i32
    %dma_start3A_1041 = tpu.memref_slice %arg4[%mul3A_1036, %dma_start3A_1040] : memref<57344x128xf32, #tpu.memory_space<hbm>> -> memref<56x128xf32, #tpu.memory_space<hbm>>
    %dma_start3A_1042 = arith.constant 0 : i32
    %dma_start3A_1043 = tpu.memref_slice %arg4[%mul3A_1036, %dma_start3A_1042] : memref<57344x128xf32, #tpu.memory_space<hbm>> -> memref<56x128xf32, #tpu.memory_space<hbm>>
    %dma_start3A_1044 = arith.constant 448 : i32
    %dma_start3A_1045 = arith.constant 0 : i32
    %dma_start3A_1046 = tpu.memref_slice %arg6[%dma_start3A_1044, %dma_start3A_1045] : memref<896x128xf32, #tpu.memory_space<vmem>> -> memref<56x128xf32, #tpu.memory_space<vmem>>
    tpu.enqueue_dma source(%dma_start3A_1046 : memref<56x128xf32, #tpu.memory_space<vmem>>) target(%dma_start3A_1043 : memref<56x128xf32, #tpu.memory_space<hbm>>) target_semaphore(%arg15 : memref<!tpu.dma_semaphore, #tpu.memory_space<semaphore_mem>>)
    %dma_wait3A_1047 = arith.constant 504 : i32
    %dma_wait3A_1048 = arith.constant 0 : i32
    %dma_wait3A_1049 = tpu.memref_slice %arg6[%dma_wait3A_1047, %dma_wait3A_1048] : memref<896x128xf32, #tpu.memory_space<vmem>> -> memref<56x128xf32, #tpu.memory_space<vmem>>
    %dma_wait3A_1050 = arith.constant 1400 : i32
    %dma_wait3A_1051 = tpu.memref_slice %arg5[%dma_wait3A_1050] : memref<1792xi32, #tpu.memory_space<vmem>> -> memref<56xi32, #tpu.memory_space<vmem>>
    %dma_wait3A_1052 = arith.constant 0 : i32
    %dma_wait3A_1053 = arith.constant 0 : i32
    %dma_wait3A_1054 = tpu.memref_slice %arg2[%dma_wait3A_1052, %dma_wait3A_1053] : memref<100000x128xf32, #tpu.memory_space<hbm>> -> memref<100000x128xf32, #tpu.memory_space<hbm>>
    tpu.wait_indirect_dma semaphore(%arg8 : memref<!tpu.dma_semaphore, #tpu.memory_space<semaphore_mem>>) src(%dma_wait3A_1054 : memref<100000x128xf32, #tpu.memory_space<hbm>>) dst(%dma_wait3A_1049 : memref<56x128xf32, #tpu.memory_space<vmem>>)
    %add3A_1055 = arith.constant 17 : i32
    %add3A_1056 = arith.addi %mul3A_2, %add3A_1055 : i32
    %mul3A_1057 = arith.constant 56 : i32
    %mul3A_1058 = arith.muli %add3A_1056, %mul3A_1057 : i32
    %dma_wait3A_1059 = arith.constant 56 : i32
    %dma_wait3A_1060 = arith.constant 0 : i32
    %dma_wait3A_1061 = tpu.memref_slice %arg6[%dma_wait3A_1059, %dma_wait3A_1060] : memref<896x128xf32, #tpu.memory_space<vmem>> -> memref<56x128xf32, #tpu.memory_space<vmem>>
    %dma_wait3A_1062 = arith.constant 0 : i32
    %dma_wait3A_1063 = tpu.memref_slice %arg4[%mul3A_1058, %dma_wait3A_1062] : memref<57344x128xf32, #tpu.memory_space<hbm>> -> memref<56x128xf32, #tpu.memory_space<hbm>>
    %dma_wait3A_1064 = arith.constant 0 : i32
    %dma_wait3A_1065 = tpu.memref_slice %arg4[%mul3A_1058, %dma_wait3A_1064] : memref<57344x128xf32, #tpu.memory_space<hbm>> -> memref<56x128xf32, #tpu.memory_space<hbm>>
    %dma_wait3A_1066 = arith.constant 56 : i32
    %dma_wait3A_1067 = arith.constant 0 : i32
    %dma_wait3A_1068 = tpu.memref_slice %arg6[%dma_wait3A_1066, %dma_wait3A_1067] : memref<896x128xf32, #tpu.memory_space<vmem>> -> memref<56x128xf32, #tpu.memory_space<vmem>>
    tpu.wait_dma2 semaphore(%arg16 : memref<!tpu.dma_semaphore, #tpu.memory_space<semaphore_mem>>) src(%dma_wait3A_1068 : memref<56x128xf32, #tpu.memory_space<vmem>>) dst(%dma_wait3A_1065 : memref<56x128xf32, #tpu.memory_space<hbm>>)
    %add3A_1069 = arith.constant 25 : i32
    %add3A_1070 = arith.addi %mul3A_2, %add3A_1069 : i32
    %mul3A_1071 = arith.constant 56 : i32
    %mul3A_1072 = arith.muli %add3A_1070, %mul3A_1071 : i32
    %dma_start3A_1073 = arith.constant 504 : i32
    %dma_start3A_1074 = arith.constant 0 : i32
    %dma_start3A_1075 = tpu.memref_slice %arg6[%dma_start3A_1073, %dma_start3A_1074] : memref<896x128xf32, #tpu.memory_space<vmem>> -> memref<56x128xf32, #tpu.memory_space<vmem>>
    %dma_start3A_1076 = arith.constant 0 : i32
    %dma_start3A_1077 = tpu.memref_slice %arg4[%mul3A_1072, %dma_start3A_1076] : memref<57344x128xf32, #tpu.memory_space<hbm>> -> memref<56x128xf32, #tpu.memory_space<hbm>>
    %dma_start3A_1078 = arith.constant 0 : i32
    %dma_start3A_1079 = tpu.memref_slice %arg4[%mul3A_1072, %dma_start3A_1078] : memref<57344x128xf32, #tpu.memory_space<hbm>> -> memref<56x128xf32, #tpu.memory_space<hbm>>
    %dma_start3A_1080 = arith.constant 504 : i32
    %dma_start3A_1081 = arith.constant 0 : i32
    %dma_start3A_1082 = tpu.memref_slice %arg6[%dma_start3A_1080, %dma_start3A_1081] : memref<896x128xf32, #tpu.memory_space<vmem>> -> memref<56x128xf32, #tpu.memory_space<vmem>>
    tpu.enqueue_dma source(%dma_start3A_1082 : memref<56x128xf32, #tpu.memory_space<vmem>>) target(%dma_start3A_1079 : memref<56x128xf32, #tpu.memory_space<hbm>>) target_semaphore(%arg16 : memref<!tpu.dma_semaphore, #tpu.memory_space<semaphore_mem>>)
    %dma_wait3A_1083 = arith.constant 560 : i32
    %dma_wait3A_1084 = arith.constant 0 : i32
    %dma_wait3A_1085 = tpu.memref_slice %arg6[%dma_wait3A_1083, %dma_wait3A_1084] : memref<896x128xf32, #tpu.memory_space<vmem>> -> memref<56x128xf32, #tpu.memory_space<vmem>>
    %dma_wait3A_1086 = arith.constant 1456 : i32
    %dma_wait3A_1087 = tpu.memref_slice %arg5[%dma_wait3A_1086] : memref<1792xi32, #tpu.memory_space<vmem>> -> memref<56xi32, #tpu.memory_space<vmem>>
    %dma_wait3A_1088 = arith.constant 0 : i32
    %dma_wait3A_1089 = arith.constant 0 : i32
    %dma_wait3A_1090 = tpu.memref_slice %arg2[%dma_wait3A_1088, %dma_wait3A_1089] : memref<100000x128xf32, #tpu.memory_space<hbm>> -> memref<100000x128xf32, #tpu.memory_space<hbm>>
    tpu.wait_indirect_dma semaphore(%arg9 : memref<!tpu.dma_semaphore, #tpu.memory_space<semaphore_mem>>) src(%dma_wait3A_1090 : memref<100000x128xf32, #tpu.memory_space<hbm>>) dst(%dma_wait3A_1085 : memref<56x128xf32, #tpu.memory_space<vmem>>)
    %add3A_1091 = arith.constant 18 : i32
    %add3A_1092 = arith.addi %mul3A_2, %add3A_1091 : i32
    %mul3A_1093 = arith.constant 56 : i32
    %mul3A_1094 = arith.muli %add3A_1092, %mul3A_1093 : i32
    %dma_wait3A_1095 = arith.constant 112 : i32
    %dma_wait3A_1096 = arith.constant 0 : i32
    %dma_wait3A_1097 = tpu.memref_slice %arg6[%dma_wait3A_1095, %dma_wait3A_1096] : memref<896x128xf32, #tpu.memory_space<vmem>> -> memref<56x128xf32, #tpu.memory_space<vmem>>
    %dma_wait3A_1098 = arith.constant 0 : i32
    %dma_wait3A_1099 = tpu.memref_slice %arg4[%mul3A_1094, %dma_wait3A_1098] : memref<57344x128xf32, #tpu.memory_space<hbm>> -> memref<56x128xf32, #tpu.memory_space<hbm>>
    %dma_wait3A_1100 = arith.constant 0 : i32
    %dma_wait3A_1101 = tpu.memref_slice %arg4[%mul3A_1094, %dma_wait3A_1100] : memref<57344x128xf32, #tpu.memory_space<hbm>> -> memref<56x128xf32, #tpu.memory_space<hbm>>
    %dma_wait3A_1102 = arith.constant 112 : i32
    %dma_wait3A_1103 = arith.constant 0 : i32
    %dma_wait3A_1104 = tpu.memref_slice %arg6[%dma_wait3A_1102, %dma_wait3A_1103] : memref<896x128xf32, #tpu.memory_space<vmem>> -> memref<56x128xf32, #tpu.memory_space<vmem>>
    tpu.wait_dma2 semaphore(%arg17 : memref<!tpu.dma_semaphore, #tpu.memory_space<semaphore_mem>>) src(%dma_wait3A_1104 : memref<56x128xf32, #tpu.memory_space<vmem>>) dst(%dma_wait3A_1101 : memref<56x128xf32, #tpu.memory_space<hbm>>)
    %add3A_1105 = arith.constant 26 : i32
    %add3A_1106 = arith.addi %mul3A_2, %add3A_1105 : i32
    %mul3A_1107 = arith.constant 56 : i32
    %mul3A_1108 = arith.muli %add3A_1106, %mul3A_1107 : i32
    %dma_start3A_1109 = arith.constant 560 : i32
    %dma_start3A_1110 = arith.constant 0 : i32
    %dma_start3A_1111 = tpu.memref_slice %arg6[%dma_start3A_1109, %dma_start3A_1110] : memref<896x128xf32, #tpu.memory_space<vmem>> -> memref<56x128xf32, #tpu.memory_space<vmem>>
    %dma_start3A_1112 = arith.constant 0 : i32
    %dma_start3A_1113 = tpu.memref_slice %arg4[%mul3A_1108, %dma_start3A_1112] : memref<57344x128xf32, #tpu.memory_space<hbm>> -> memref<56x128xf32, #tpu.memory_space<hbm>>
    %dma_start3A_1114 = arith.constant 0 : i32
    %dma_start3A_1115 = tpu.memref_slice %arg4[%mul3A_1108, %dma_start3A_1114] : memref<57344x128xf32, #tpu.memory_space<hbm>> -> memref<56x128xf32, #tpu.memory_space<hbm>>
    %dma_start3A_1116 = arith.constant 560 : i32
    %dma_start3A_1117 = arith.constant 0 : i32
    %dma_start3A_1118 = tpu.memref_slice %arg6[%dma_start3A_1116, %dma_start3A_1117] : memref<896x128xf32, #tpu.memory_space<vmem>> -> memref<56x128xf32, #tpu.memory_space<vmem>>
    tpu.enqueue_dma source(%dma_start3A_1118 : memref<56x128xf32, #tpu.memory_space<vmem>>) target(%dma_start3A_1115 : memref<56x128xf32, #tpu.memory_space<hbm>>) target_semaphore(%arg17 : memref<!tpu.dma_semaphore, #tpu.memory_space<semaphore_mem>>)
    %dma_wait3A_1119 = arith.constant 616 : i32
    %dma_wait3A_1120 = arith.constant 0 : i32
    %dma_wait3A_1121 = tpu.memref_slice %arg6[%dma_wait3A_1119, %dma_wait3A_1120] : memref<896x128xf32, #tpu.memory_space<vmem>> -> memref<56x128xf32, #tpu.memory_space<vmem>>
    %dma_wait3A_1122 = arith.constant 1512 : i32
    %dma_wait3A_1123 = tpu.memref_slice %arg5[%dma_wait3A_1122] : memref<1792xi32, #tpu.memory_space<vmem>> -> memref<56xi32, #tpu.memory_space<vmem>>
    %dma_wait3A_1124 = arith.constant 0 : i32
    %dma_wait3A_1125 = arith.constant 0 : i32
    %dma_wait3A_1126 = tpu.memref_slice %arg2[%dma_wait3A_1124, %dma_wait3A_1125] : memref<100000x128xf32, #tpu.memory_space<hbm>> -> memref<100000x128xf32, #tpu.memory_space<hbm>>
    tpu.wait_indirect_dma semaphore(%arg10 : memref<!tpu.dma_semaphore, #tpu.memory_space<semaphore_mem>>) src(%dma_wait3A_1126 : memref<100000x128xf32, #tpu.memory_space<hbm>>) dst(%dma_wait3A_1121 : memref<56x128xf32, #tpu.memory_space<vmem>>)
    %add3A_1127 = arith.constant 19 : i32
    %add3A_1128 = arith.addi %mul3A_2, %add3A_1127 : i32
    %mul3A_1129 = arith.constant 56 : i32
    %mul3A_1130 = arith.muli %add3A_1128, %mul3A_1129 : i32
    %dma_wait3A_1131 = arith.constant 168 : i32
    %dma_wait3A_1132 = arith.constant 0 : i32
    %dma_wait3A_1133 = tpu.memref_slice %arg6[%dma_wait3A_1131, %dma_wait3A_1132] : memref<896x128xf32, #tpu.memory_space<vmem>> -> memref<56x128xf32, #tpu.memory_space<vmem>>
    %dma_wait3A_1134 = arith.constant 0 : i32
    %dma_wait3A_1135 = tpu.memref_slice %arg4[%mul3A_1130, %dma_wait3A_1134] : memref<57344x128xf32, #tpu.memory_space<hbm>> -> memref<56x128xf32, #tpu.memory_space<hbm>>
    %dma_wait3A_1136 = arith.constant 0 : i32
    %dma_wait3A_1137 = tpu.memref_slice %arg4[%mul3A_1130, %dma_wait3A_1136] : memref<57344x128xf32, #tpu.memory_space<hbm>> -> memref<56x128xf32, #tpu.memory_space<hbm>>
    %dma_wait3A_1138 = arith.constant 168 : i32
    %dma_wait3A_1139 = arith.constant 0 : i32
    %dma_wait3A_1140 = tpu.memref_slice %arg6[%dma_wait3A_1138, %dma_wait3A_1139] : memref<896x128xf32, #tpu.memory_space<vmem>> -> memref<56x128xf32, #tpu.memory_space<vmem>>
    tpu.wait_dma2 semaphore(%arg18 : memref<!tpu.dma_semaphore, #tpu.memory_space<semaphore_mem>>) src(%dma_wait3A_1140 : memref<56x128xf32, #tpu.memory_space<vmem>>) dst(%dma_wait3A_1137 : memref<56x128xf32, #tpu.memory_space<hbm>>)
    %add3A_1141 = arith.constant 27 : i32
    %add3A_1142 = arith.addi %mul3A_2, %add3A_1141 : i32
    %mul3A_1143 = arith.constant 56 : i32
    %mul3A_1144 = arith.muli %add3A_1142, %mul3A_1143 : i32
    %dma_start3A_1145 = arith.constant 616 : i32
    %dma_start3A_1146 = arith.constant 0 : i32
    %dma_start3A_1147 = tpu.memref_slice %arg6[%dma_start3A_1145, %dma_start3A_1146] : memref<896x128xf32, #tpu.memory_space<vmem>> -> memref<56x128xf32, #tpu.memory_space<vmem>>
    %dma_start3A_1148 = arith.constant 0 : i32
    %dma_start3A_1149 = tpu.memref_slice %arg4[%mul3A_1144, %dma_start3A_1148] : memref<57344x128xf32, #tpu.memory_space<hbm>> -> memref<56x128xf32, #tpu.memory_space<hbm>>
    %dma_start3A_1150 = arith.constant 0 : i32
    %dma_start3A_1151 = tpu.memref_slice %arg4[%mul3A_1144, %dma_start3A_1150] : memref<57344x128xf32, #tpu.memory_space<hbm>> -> memref<56x128xf32, #tpu.memory_space<hbm>>
    %dma_start3A_1152 = arith.constant 616 : i32
    %dma_start3A_1153 = arith.constant 0 : i32
    %dma_start3A_1154 = tpu.memref_slice %arg6[%dma_start3A_1152, %dma_start3A_1153] : memref<896x128xf32, #tpu.memory_space<vmem>> -> memref<56x128xf32, #tpu.memory_space<vmem>>
    tpu.enqueue_dma source(%dma_start3A_1154 : memref<56x128xf32, #tpu.memory_space<vmem>>) target(%dma_start3A_1151 : memref<56x128xf32, #tpu.memory_space<hbm>>) target_semaphore(%arg18 : memref<!tpu.dma_semaphore, #tpu.memory_space<semaphore_mem>>)
    %dma_wait3A_1155 = arith.constant 672 : i32
    %dma_wait3A_1156 = arith.constant 0 : i32
    %dma_wait3A_1157 = tpu.memref_slice %arg6[%dma_wait3A_1155, %dma_wait3A_1156] : memref<896x128xf32, #tpu.memory_space<vmem>> -> memref<56x128xf32, #tpu.memory_space<vmem>>
    %dma_wait3A_1158 = arith.constant 1568 : i32
    %dma_wait3A_1159 = tpu.memref_slice %arg5[%dma_wait3A_1158] : memref<1792xi32, #tpu.memory_space<vmem>> -> memref<56xi32, #tpu.memory_space<vmem>>
    %dma_wait3A_1160 = arith.constant 0 : i32
    %dma_wait3A_1161 = arith.constant 0 : i32
    %dma_wait3A_1162 = tpu.memref_slice %arg2[%dma_wait3A_1160, %dma_wait3A_1161] : memref<100000x128xf32, #tpu.memory_space<hbm>> -> memref<100000x128xf32, #tpu.memory_space<hbm>>
    tpu.wait_indirect_dma semaphore(%arg11 : memref<!tpu.dma_semaphore, #tpu.memory_space<semaphore_mem>>) src(%dma_wait3A_1162 : memref<100000x128xf32, #tpu.memory_space<hbm>>) dst(%dma_wait3A_1157 : memref<56x128xf32, #tpu.memory_space<vmem>>)
    %add3A_1163 = arith.constant 20 : i32
    %add3A_1164 = arith.addi %mul3A_2, %add3A_1163 : i32
    %mul3A_1165 = arith.constant 56 : i32
    %mul3A_1166 = arith.muli %add3A_1164, %mul3A_1165 : i32
    %dma_wait3A_1167 = arith.constant 224 : i32
    %dma_wait3A_1168 = arith.constant 0 : i32
    %dma_wait3A_1169 = tpu.memref_slice %arg6[%dma_wait3A_1167, %dma_wait3A_1168] : memref<896x128xf32, #tpu.memory_space<vmem>> -> memref<56x128xf32, #tpu.memory_space<vmem>>
    %dma_wait3A_1170 = arith.constant 0 : i32
    %dma_wait3A_1171 = tpu.memref_slice %arg4[%mul3A_1166, %dma_wait3A_1170] : memref<57344x128xf32, #tpu.memory_space<hbm>> -> memref<56x128xf32, #tpu.memory_space<hbm>>
    %dma_wait3A_1172 = arith.constant 0 : i32
    %dma_wait3A_1173 = tpu.memref_slice %arg4[%mul3A_1166, %dma_wait3A_1172] : memref<57344x128xf32, #tpu.memory_space<hbm>> -> memref<56x128xf32, #tpu.memory_space<hbm>>
    %dma_wait3A_1174 = arith.constant 224 : i32
    %dma_wait3A_1175 = arith.constant 0 : i32
    %dma_wait3A_1176 = tpu.memref_slice %arg6[%dma_wait3A_1174, %dma_wait3A_1175] : memref<896x128xf32, #tpu.memory_space<vmem>> -> memref<56x128xf32, #tpu.memory_space<vmem>>
    tpu.wait_dma2 semaphore(%arg19 : memref<!tpu.dma_semaphore, #tpu.memory_space<semaphore_mem>>) src(%dma_wait3A_1176 : memref<56x128xf32, #tpu.memory_space<vmem>>) dst(%dma_wait3A_1173 : memref<56x128xf32, #tpu.memory_space<hbm>>)
    %add3A_1177 = arith.constant 28 : i32
    %add3A_1178 = arith.addi %mul3A_2, %add3A_1177 : i32
    %mul3A_1179 = arith.constant 56 : i32
    %mul3A_1180 = arith.muli %add3A_1178, %mul3A_1179 : i32
    %dma_start3A_1181 = arith.constant 672 : i32
    %dma_start3A_1182 = arith.constant 0 : i32
    %dma_start3A_1183 = tpu.memref_slice %arg6[%dma_start3A_1181, %dma_start3A_1182] : memref<896x128xf32, #tpu.memory_space<vmem>> -> memref<56x128xf32, #tpu.memory_space<vmem>>
    %dma_start3A_1184 = arith.constant 0 : i32
    %dma_start3A_1185 = tpu.memref_slice %arg4[%mul3A_1180, %dma_start3A_1184] : memref<57344x128xf32, #tpu.memory_space<hbm>> -> memref<56x128xf32, #tpu.memory_space<hbm>>
    %dma_start3A_1186 = arith.constant 0 : i32
    %dma_start3A_1187 = tpu.memref_slice %arg4[%mul3A_1180, %dma_start3A_1186] : memref<57344x128xf32, #tpu.memory_space<hbm>> -> memref<56x128xf32, #tpu.memory_space<hbm>>
    %dma_start3A_1188 = arith.constant 672 : i32
    %dma_start3A_1189 = arith.constant 0 : i32
    %dma_start3A_1190 = tpu.memref_slice %arg6[%dma_start3A_1188, %dma_start3A_1189] : memref<896x128xf32, #tpu.memory_space<vmem>> -> memref<56x128xf32, #tpu.memory_space<vmem>>
    tpu.enqueue_dma source(%dma_start3A_1190 : memref<56x128xf32, #tpu.memory_space<vmem>>) target(%dma_start3A_1187 : memref<56x128xf32, #tpu.memory_space<hbm>>) target_semaphore(%arg19 : memref<!tpu.dma_semaphore, #tpu.memory_space<semaphore_mem>>)
    %dma_wait3A_1191 = arith.constant 728 : i32
    %dma_wait3A_1192 = arith.constant 0 : i32
    %dma_wait3A_1193 = tpu.memref_slice %arg6[%dma_wait3A_1191, %dma_wait3A_1192] : memref<896x128xf32, #tpu.memory_space<vmem>> -> memref<56x128xf32, #tpu.memory_space<vmem>>
    %dma_wait3A_1194 = arith.constant 1624 : i32
    %dma_wait3A_1195 = tpu.memref_slice %arg5[%dma_wait3A_1194] : memref<1792xi32, #tpu.memory_space<vmem>> -> memref<56xi32, #tpu.memory_space<vmem>>
    %dma_wait3A_1196 = arith.constant 0 : i32
    %dma_wait3A_1197 = arith.constant 0 : i32
    %dma_wait3A_1198 = tpu.memref_slice %arg2[%dma_wait3A_1196, %dma_wait3A_1197] : memref<100000x128xf32, #tpu.memory_space<hbm>> -> memref<100000x128xf32, #tpu.memory_space<hbm>>
    tpu.wait_indirect_dma semaphore(%arg12 : memref<!tpu.dma_semaphore, #tpu.memory_space<semaphore_mem>>) src(%dma_wait3A_1198 : memref<100000x128xf32, #tpu.memory_space<hbm>>) dst(%dma_wait3A_1193 : memref<56x128xf32, #tpu.memory_space<vmem>>)
    %add3A_1199 = arith.constant 21 : i32
    %add3A_1200 = arith.addi %mul3A_2, %add3A_1199 : i32
    %mul3A_1201 = arith.constant 56 : i32
    %mul3A_1202 = arith.muli %add3A_1200, %mul3A_1201 : i32
    %dma_wait3A_1203 = arith.constant 280 : i32
    %dma_wait3A_1204 = arith.constant 0 : i32
    %dma_wait3A_1205 = tpu.memref_slice %arg6[%dma_wait3A_1203, %dma_wait3A_1204] : memref<896x128xf32, #tpu.memory_space<vmem>> -> memref<56x128xf32, #tpu.memory_space<vmem>>
    %dma_wait3A_1206 = arith.constant 0 : i32
    %dma_wait3A_1207 = tpu.memref_slice %arg4[%mul3A_1202, %dma_wait3A_1206] : memref<57344x128xf32, #tpu.memory_space<hbm>> -> memref<56x128xf32, #tpu.memory_space<hbm>>
    %dma_wait3A_1208 = arith.constant 0 : i32
    %dma_wait3A_1209 = tpu.memref_slice %arg4[%mul3A_1202, %dma_wait3A_1208] : memref<57344x128xf32, #tpu.memory_space<hbm>> -> memref<56x128xf32, #tpu.memory_space<hbm>>
    %dma_wait3A_1210 = arith.constant 280 : i32
    %dma_wait3A_1211 = arith.constant 0 : i32
    %dma_wait3A_1212 = tpu.memref_slice %arg6[%dma_wait3A_1210, %dma_wait3A_1211] : memref<896x128xf32, #tpu.memory_space<vmem>> -> memref<56x128xf32, #tpu.memory_space<vmem>>
    tpu.wait_dma2 semaphore(%arg20 : memref<!tpu.dma_semaphore, #tpu.memory_space<semaphore_mem>>) src(%dma_wait3A_1212 : memref<56x128xf32, #tpu.memory_space<vmem>>) dst(%dma_wait3A_1209 : memref<56x128xf32, #tpu.memory_space<hbm>>)
    %add3A_1213 = arith.constant 29 : i32
    %add3A_1214 = arith.addi %mul3A_2, %add3A_1213 : i32
    %mul3A_1215 = arith.constant 56 : i32
    %mul3A_1216 = arith.muli %add3A_1214, %mul3A_1215 : i32
    %dma_start3A_1217 = arith.constant 728 : i32
    %dma_start3A_1218 = arith.constant 0 : i32
    %dma_start3A_1219 = tpu.memref_slice %arg6[%dma_start3A_1217, %dma_start3A_1218] : memref<896x128xf32, #tpu.memory_space<vmem>> -> memref<56x128xf32, #tpu.memory_space<vmem>>
    %dma_start3A_1220 = arith.constant 0 : i32
    %dma_start3A_1221 = tpu.memref_slice %arg4[%mul3A_1216, %dma_start3A_1220] : memref<57344x128xf32, #tpu.memory_space<hbm>> -> memref<56x128xf32, #tpu.memory_space<hbm>>
    %dma_start3A_1222 = arith.constant 0 : i32
    %dma_start3A_1223 = tpu.memref_slice %arg4[%mul3A_1216, %dma_start3A_1222] : memref<57344x128xf32, #tpu.memory_space<hbm>> -> memref<56x128xf32, #tpu.memory_space<hbm>>
    %dma_start3A_1224 = arith.constant 728 : i32
    %dma_start3A_1225 = arith.constant 0 : i32
    %dma_start3A_1226 = tpu.memref_slice %arg6[%dma_start3A_1224, %dma_start3A_1225] : memref<896x128xf32, #tpu.memory_space<vmem>> -> memref<56x128xf32, #tpu.memory_space<vmem>>
    tpu.enqueue_dma source(%dma_start3A_1226 : memref<56x128xf32, #tpu.memory_space<vmem>>) target(%dma_start3A_1223 : memref<56x128xf32, #tpu.memory_space<hbm>>) target_semaphore(%arg20 : memref<!tpu.dma_semaphore, #tpu.memory_space<semaphore_mem>>)
    %dma_wait3A_1227 = arith.constant 784 : i32
    %dma_wait3A_1228 = arith.constant 0 : i32
    %dma_wait3A_1229 = tpu.memref_slice %arg6[%dma_wait3A_1227, %dma_wait3A_1228] : memref<896x128xf32, #tpu.memory_space<vmem>> -> memref<56x128xf32, #tpu.memory_space<vmem>>
    %dma_wait3A_1230 = arith.constant 1680 : i32
    %dma_wait3A_1231 = tpu.memref_slice %arg5[%dma_wait3A_1230] : memref<1792xi32, #tpu.memory_space<vmem>> -> memref<56xi32, #tpu.memory_space<vmem>>
    %dma_wait3A_1232 = arith.constant 0 : i32
    %dma_wait3A_1233 = arith.constant 0 : i32
    %dma_wait3A_1234 = tpu.memref_slice %arg2[%dma_wait3A_1232, %dma_wait3A_1233] : memref<100000x128xf32, #tpu.memory_space<hbm>> -> memref<100000x128xf32, #tpu.memory_space<hbm>>
    tpu.wait_indirect_dma semaphore(%arg13 : memref<!tpu.dma_semaphore, #tpu.memory_space<semaphore_mem>>) src(%dma_wait3A_1234 : memref<100000x128xf32, #tpu.memory_space<hbm>>) dst(%dma_wait3A_1229 : memref<56x128xf32, #tpu.memory_space<vmem>>)
    %add3A_1235 = arith.constant 22 : i32
    %add3A_1236 = arith.addi %mul3A_2, %add3A_1235 : i32
    %mul3A_1237 = arith.constant 56 : i32
    %mul3A_1238 = arith.muli %add3A_1236, %mul3A_1237 : i32
    %dma_wait3A_1239 = arith.constant 336 : i32
    %dma_wait3A_1240 = arith.constant 0 : i32
    %dma_wait3A_1241 = tpu.memref_slice %arg6[%dma_wait3A_1239, %dma_wait3A_1240] : memref<896x128xf32, #tpu.memory_space<vmem>> -> memref<56x128xf32, #tpu.memory_space<vmem>>
    %dma_wait3A_1242 = arith.constant 0 : i32
    %dma_wait3A_1243 = tpu.memref_slice %arg4[%mul3A_1238, %dma_wait3A_1242] : memref<57344x128xf32, #tpu.memory_space<hbm>> -> memref<56x128xf32, #tpu.memory_space<hbm>>
    %dma_wait3A_1244 = arith.constant 0 : i32
    %dma_wait3A_1245 = tpu.memref_slice %arg4[%mul3A_1238, %dma_wait3A_1244] : memref<57344x128xf32, #tpu.memory_space<hbm>> -> memref<56x128xf32, #tpu.memory_space<hbm>>
    %dma_wait3A_1246 = arith.constant 336 : i32
    %dma_wait3A_1247 = arith.constant 0 : i32
    %dma_wait3A_1248 = tpu.memref_slice %arg6[%dma_wait3A_1246, %dma_wait3A_1247] : memref<896x128xf32, #tpu.memory_space<vmem>> -> memref<56x128xf32, #tpu.memory_space<vmem>>
    tpu.wait_dma2 semaphore(%arg21 : memref<!tpu.dma_semaphore, #tpu.memory_space<semaphore_mem>>) src(%dma_wait3A_1248 : memref<56x128xf32, #tpu.memory_space<vmem>>) dst(%dma_wait3A_1245 : memref<56x128xf32, #tpu.memory_space<hbm>>)
    %add3A_1249 = arith.constant 30 : i32
    %add3A_1250 = arith.addi %mul3A_2, %add3A_1249 : i32
    %mul3A_1251 = arith.constant 56 : i32
    %mul3A_1252 = arith.muli %add3A_1250, %mul3A_1251 : i32
    %dma_start3A_1253 = arith.constant 784 : i32
    %dma_start3A_1254 = arith.constant 0 : i32
    %dma_start3A_1255 = tpu.memref_slice %arg6[%dma_start3A_1253, %dma_start3A_1254] : memref<896x128xf32, #tpu.memory_space<vmem>> -> memref<56x128xf32, #tpu.memory_space<vmem>>
    %dma_start3A_1256 = arith.constant 0 : i32
    %dma_start3A_1257 = tpu.memref_slice %arg4[%mul3A_1252, %dma_start3A_1256] : memref<57344x128xf32, #tpu.memory_space<hbm>> -> memref<56x128xf32, #tpu.memory_space<hbm>>
    %dma_start3A_1258 = arith.constant 0 : i32
    %dma_start3A_1259 = tpu.memref_slice %arg4[%mul3A_1252, %dma_start3A_1258] : memref<57344x128xf32, #tpu.memory_space<hbm>> -> memref<56x128xf32, #tpu.memory_space<hbm>>
    %dma_start3A_1260 = arith.constant 784 : i32
    %dma_start3A_1261 = arith.constant 0 : i32
    %dma_start3A_1262 = tpu.memref_slice %arg6[%dma_start3A_1260, %dma_start3A_1261] : memref<896x128xf32, #tpu.memory_space<vmem>> -> memref<56x128xf32, #tpu.memory_space<vmem>>
    tpu.enqueue_dma source(%dma_start3A_1262 : memref<56x128xf32, #tpu.memory_space<vmem>>) target(%dma_start3A_1259 : memref<56x128xf32, #tpu.memory_space<hbm>>) target_semaphore(%arg21 : memref<!tpu.dma_semaphore, #tpu.memory_space<semaphore_mem>>)
    %dma_wait3A_1263 = arith.constant 840 : i32
    %dma_wait3A_1264 = arith.constant 0 : i32
    %dma_wait3A_1265 = tpu.memref_slice %arg6[%dma_wait3A_1263, %dma_wait3A_1264] : memref<896x128xf32, #tpu.memory_space<vmem>> -> memref<56x128xf32, #tpu.memory_space<vmem>>
    %dma_wait3A_1266 = arith.constant 1736 : i32
    %dma_wait3A_1267 = tpu.memref_slice %arg5[%dma_wait3A_1266] : memref<1792xi32, #tpu.memory_space<vmem>> -> memref<56xi32, #tpu.memory_space<vmem>>
    %dma_wait3A_1268 = arith.constant 0 : i32
    %dma_wait3A_1269 = arith.constant 0 : i32
    %dma_wait3A_1270 = tpu.memref_slice %arg2[%dma_wait3A_1268, %dma_wait3A_1269] : memref<100000x128xf32, #tpu.memory_space<hbm>> -> memref<100000x128xf32, #tpu.memory_space<hbm>>
    tpu.wait_indirect_dma semaphore(%arg14 : memref<!tpu.dma_semaphore, #tpu.memory_space<semaphore_mem>>) src(%dma_wait3A_1270 : memref<100000x128xf32, #tpu.memory_space<hbm>>) dst(%dma_wait3A_1265 : memref<56x128xf32, #tpu.memory_space<vmem>>)
    %add3A_1271 = arith.constant 23 : i32
    %add3A_1272 = arith.addi %mul3A_2, %add3A_1271 : i32
    %mul3A_1273 = arith.constant 56 : i32
    %mul3A_1274 = arith.muli %add3A_1272, %mul3A_1273 : i32
    %dma_wait3A_1275 = arith.constant 392 : i32
    %dma_wait3A_1276 = arith.constant 0 : i32
    %dma_wait3A_1277 = tpu.memref_slice %arg6[%dma_wait3A_1275, %dma_wait3A_1276] : memref<896x128xf32, #tpu.memory_space<vmem>> -> memref<56x128xf32, #tpu.memory_space<vmem>>
    %dma_wait3A_1278 = arith.constant 0 : i32
    %dma_wait3A_1279 = tpu.memref_slice %arg4[%mul3A_1274, %dma_wait3A_1278] : memref<57344x128xf32, #tpu.memory_space<hbm>> -> memref<56x128xf32, #tpu.memory_space<hbm>>
    %dma_wait3A_1280 = arith.constant 0 : i32
    %dma_wait3A_1281 = tpu.memref_slice %arg4[%mul3A_1274, %dma_wait3A_1280] : memref<57344x128xf32, #tpu.memory_space<hbm>> -> memref<56x128xf32, #tpu.memory_space<hbm>>
    %dma_wait3A_1282 = arith.constant 392 : i32
    %dma_wait3A_1283 = arith.constant 0 : i32
    %dma_wait3A_1284 = tpu.memref_slice %arg6[%dma_wait3A_1282, %dma_wait3A_1283] : memref<896x128xf32, #tpu.memory_space<vmem>> -> memref<56x128xf32, #tpu.memory_space<vmem>>
    tpu.wait_dma2 semaphore(%arg22 : memref<!tpu.dma_semaphore, #tpu.memory_space<semaphore_mem>>) src(%dma_wait3A_1284 : memref<56x128xf32, #tpu.memory_space<vmem>>) dst(%dma_wait3A_1281 : memref<56x128xf32, #tpu.memory_space<hbm>>)
    %add3A_1285 = arith.constant 31 : i32
    %add3A_1286 = arith.addi %mul3A_2, %add3A_1285 : i32
    %mul3A_1287 = arith.constant 56 : i32
    %mul3A_1288 = arith.muli %add3A_1286, %mul3A_1287 : i32
    %dma_start3A_1289 = arith.constant 840 : i32
    %dma_start3A_1290 = arith.constant 0 : i32
    %dma_start3A_1291 = tpu.memref_slice %arg6[%dma_start3A_1289, %dma_start3A_1290] : memref<896x128xf32, #tpu.memory_space<vmem>> -> memref<56x128xf32, #tpu.memory_space<vmem>>
    %dma_start3A_1292 = arith.constant 0 : i32
    %dma_start3A_1293 = tpu.memref_slice %arg4[%mul3A_1288, %dma_start3A_1292] : memref<57344x128xf32, #tpu.memory_space<hbm>> -> memref<56x128xf32, #tpu.memory_space<hbm>>
    %dma_start3A_1294 = arith.constant 0 : i32
    %dma_start3A_1295 = tpu.memref_slice %arg4[%mul3A_1288, %dma_start3A_1294] : memref<57344x128xf32, #tpu.memory_space<hbm>> -> memref<56x128xf32, #tpu.memory_space<hbm>>
    %dma_start3A_1296 = arith.constant 840 : i32
    %dma_start3A_1297 = arith.constant 0 : i32
    %dma_start3A_1298 = tpu.memref_slice %arg6[%dma_start3A_1296, %dma_start3A_1297] : memref<896x128xf32, #tpu.memory_space<vmem>> -> memref<56x128xf32, #tpu.memory_space<vmem>>
    tpu.enqueue_dma source(%dma_start3A_1298 : memref<56x128xf32, #tpu.memory_space<vmem>>) target(%dma_start3A_1295 : memref<56x128xf32, #tpu.memory_space<hbm>>) target_semaphore(%arg22 : memref<!tpu.dma_semaphore, #tpu.memory_space<semaphore_mem>>)
    %add3A_1299 = arith.constant 24 : i32
    %add3A_1300 = arith.addi %mul3A_2, %add3A_1299 : i32
    %mul3A_1301 = arith.constant 56 : i32
    %mul3A_1302 = arith.muli %add3A_1300, %mul3A_1301 : i32
    %dma_wait3A_1303 = arith.constant 448 : i32
    %dma_wait3A_1304 = arith.constant 0 : i32
    %dma_wait3A_1305 = tpu.memref_slice %arg6[%dma_wait3A_1303, %dma_wait3A_1304] : memref<896x128xf32, #tpu.memory_space<vmem>> -> memref<56x128xf32, #tpu.memory_space<vmem>>
    %dma_wait3A_1306 = arith.constant 0 : i32
    %dma_wait3A_1307 = tpu.memref_slice %arg4[%mul3A_1302, %dma_wait3A_1306] : memref<57344x128xf32, #tpu.memory_space<hbm>> -> memref<56x128xf32, #tpu.memory_space<hbm>>
    %dma_wait3A_1308 = arith.constant 0 : i32
    %dma_wait3A_1309 = tpu.memref_slice %arg4[%mul3A_1302, %dma_wait3A_1308] : memref<57344x128xf32, #tpu.memory_space<hbm>> -> memref<56x128xf32, #tpu.memory_space<hbm>>
    %dma_wait3A_1310 = arith.constant 448 : i32
    %dma_wait3A_1311 = arith.constant 0 : i32
    %dma_wait3A_1312 = tpu.memref_slice %arg6[%dma_wait3A_1310, %dma_wait3A_1311] : memref<896x128xf32, #tpu.memory_space<vmem>> -> memref<56x128xf32, #tpu.memory_space<vmem>>
    tpu.wait_dma2 semaphore(%arg15 : memref<!tpu.dma_semaphore, #tpu.memory_space<semaphore_mem>>) src(%dma_wait3A_1312 : memref<56x128xf32, #tpu.memory_space<vmem>>) dst(%dma_wait3A_1309 : memref<56x128xf32, #tpu.memory_space<hbm>>)
    %add3A_1313 = arith.constant 25 : i32
    %add3A_1314 = arith.addi %mul3A_2, %add3A_1313 : i32
    %mul3A_1315 = arith.constant 56 : i32
    %mul3A_1316 = arith.muli %add3A_1314, %mul3A_1315 : i32
    %dma_wait3A_1317 = arith.constant 504 : i32
    %dma_wait3A_1318 = arith.constant 0 : i32
    %dma_wait3A_1319 = tpu.memref_slice %arg6[%dma_wait3A_1317, %dma_wait3A_1318] : memref<896x128xf32, #tpu.memory_space<vmem>> -> memref<56x128xf32, #tpu.memory_space<vmem>>
    %dma_wait3A_1320 = arith.constant 0 : i32
    %dma_wait3A_1321 = tpu.memref_slice %arg4[%mul3A_1316, %dma_wait3A_1320] : memref<57344x128xf32, #tpu.memory_space<hbm>> -> memref<56x128xf32, #tpu.memory_space<hbm>>
    %dma_wait3A_1322 = arith.constant 0 : i32
    %dma_wait3A_1323 = tpu.memref_slice %arg4[%mul3A_1316, %dma_wait3A_1322] : memref<57344x128xf32, #tpu.memory_space<hbm>> -> memref<56x128xf32, #tpu.memory_space<hbm>>
    %dma_wait3A_1324 = arith.constant 504 : i32
    %dma_wait3A_1325 = arith.constant 0 : i32
    %dma_wait3A_1326 = tpu.memref_slice %arg6[%dma_wait3A_1324, %dma_wait3A_1325] : memref<896x128xf32, #tpu.memory_space<vmem>> -> memref<56x128xf32, #tpu.memory_space<vmem>>
    tpu.wait_dma2 semaphore(%arg16 : memref<!tpu.dma_semaphore, #tpu.memory_space<semaphore_mem>>) src(%dma_wait3A_1326 : memref<56x128xf32, #tpu.memory_space<vmem>>) dst(%dma_wait3A_1323 : memref<56x128xf32, #tpu.memory_space<hbm>>)
    %add3A_1327 = arith.constant 26 : i32
    %add3A_1328 = arith.addi %mul3A_2, %add3A_1327 : i32
    %mul3A_1329 = arith.constant 56 : i32
    %mul3A_1330 = arith.muli %add3A_1328, %mul3A_1329 : i32
    %dma_wait3A_1331 = arith.constant 560 : i32
    %dma_wait3A_1332 = arith.constant 0 : i32
    %dma_wait3A_1333 = tpu.memref_slice %arg6[%dma_wait3A_1331, %dma_wait3A_1332] : memref<896x128xf32, #tpu.memory_space<vmem>> -> memref<56x128xf32, #tpu.memory_space<vmem>>
    %dma_wait3A_1334 = arith.constant 0 : i32
    %dma_wait3A_1335 = tpu.memref_slice %arg4[%mul3A_1330, %dma_wait3A_1334] : memref<57344x128xf32, #tpu.memory_space<hbm>> -> memref<56x128xf32, #tpu.memory_space<hbm>>
    %dma_wait3A_1336 = arith.constant 0 : i32
    %dma_wait3A_1337 = tpu.memref_slice %arg4[%mul3A_1330, %dma_wait3A_1336] : memref<57344x128xf32, #tpu.memory_space<hbm>> -> memref<56x128xf32, #tpu.memory_space<hbm>>
    %dma_wait3A_1338 = arith.constant 560 : i32
    %dma_wait3A_1339 = arith.constant 0 : i32
    %dma_wait3A_1340 = tpu.memref_slice %arg6[%dma_wait3A_1338, %dma_wait3A_1339] : memref<896x128xf32, #tpu.memory_space<vmem>> -> memref<56x128xf32, #tpu.memory_space<vmem>>
    tpu.wait_dma2 semaphore(%arg17 : memref<!tpu.dma_semaphore, #tpu.memory_space<semaphore_mem>>) src(%dma_wait3A_1340 : memref<56x128xf32, #tpu.memory_space<vmem>>) dst(%dma_wait3A_1337 : memref<56x128xf32, #tpu.memory_space<hbm>>)
    %add3A_1341 = arith.constant 27 : i32
    %add3A_1342 = arith.addi %mul3A_2, %add3A_1341 : i32
    %mul3A_1343 = arith.constant 56 : i32
    %mul3A_1344 = arith.muli %add3A_1342, %mul3A_1343 : i32
    %dma_wait3A_1345 = arith.constant 616 : i32
    %dma_wait3A_1346 = arith.constant 0 : i32
    %dma_wait3A_1347 = tpu.memref_slice %arg6[%dma_wait3A_1345, %dma_wait3A_1346] : memref<896x128xf32, #tpu.memory_space<vmem>> -> memref<56x128xf32, #tpu.memory_space<vmem>>
    %dma_wait3A_1348 = arith.constant 0 : i32
    %dma_wait3A_1349 = tpu.memref_slice %arg4[%mul3A_1344, %dma_wait3A_1348] : memref<57344x128xf32, #tpu.memory_space<hbm>> -> memref<56x128xf32, #tpu.memory_space<hbm>>
    %dma_wait3A_1350 = arith.constant 0 : i32
    %dma_wait3A_1351 = tpu.memref_slice %arg4[%mul3A_1344, %dma_wait3A_1350] : memref<57344x128xf32, #tpu.memory_space<hbm>> -> memref<56x128xf32, #tpu.memory_space<hbm>>
    %dma_wait3A_1352 = arith.constant 616 : i32
    %dma_wait3A_1353 = arith.constant 0 : i32
    %dma_wait3A_1354 = tpu.memref_slice %arg6[%dma_wait3A_1352, %dma_wait3A_1353] : memref<896x128xf32, #tpu.memory_space<vmem>> -> memref<56x128xf32, #tpu.memory_space<vmem>>
    tpu.wait_dma2 semaphore(%arg18 : memref<!tpu.dma_semaphore, #tpu.memory_space<semaphore_mem>>) src(%dma_wait3A_1354 : memref<56x128xf32, #tpu.memory_space<vmem>>) dst(%dma_wait3A_1351 : memref<56x128xf32, #tpu.memory_space<hbm>>)
    %add3A_1355 = arith.constant 28 : i32
    %add3A_1356 = arith.addi %mul3A_2, %add3A_1355 : i32
    %mul3A_1357 = arith.constant 56 : i32
    %mul3A_1358 = arith.muli %add3A_1356, %mul3A_1357 : i32
    %dma_wait3A_1359 = arith.constant 672 : i32
    %dma_wait3A_1360 = arith.constant 0 : i32
    %dma_wait3A_1361 = tpu.memref_slice %arg6[%dma_wait3A_1359, %dma_wait3A_1360] : memref<896x128xf32, #tpu.memory_space<vmem>> -> memref<56x128xf32, #tpu.memory_space<vmem>>
    %dma_wait3A_1362 = arith.constant 0 : i32
    %dma_wait3A_1363 = tpu.memref_slice %arg4[%mul3A_1358, %dma_wait3A_1362] : memref<57344x128xf32, #tpu.memory_space<hbm>> -> memref<56x128xf32, #tpu.memory_space<hbm>>
    %dma_wait3A_1364 = arith.constant 0 : i32
    %dma_wait3A_1365 = tpu.memref_slice %arg4[%mul3A_1358, %dma_wait3A_1364] : memref<57344x128xf32, #tpu.memory_space<hbm>> -> memref<56x128xf32, #tpu.memory_space<hbm>>
    %dma_wait3A_1366 = arith.constant 672 : i32
    %dma_wait3A_1367 = arith.constant 0 : i32
    %dma_wait3A_1368 = tpu.memref_slice %arg6[%dma_wait3A_1366, %dma_wait3A_1367] : memref<896x128xf32, #tpu.memory_space<vmem>> -> memref<56x128xf32, #tpu.memory_space<vmem>>
    tpu.wait_dma2 semaphore(%arg19 : memref<!tpu.dma_semaphore, #tpu.memory_space<semaphore_mem>>) src(%dma_wait3A_1368 : memref<56x128xf32, #tpu.memory_space<vmem>>) dst(%dma_wait3A_1365 : memref<56x128xf32, #tpu.memory_space<hbm>>)
    %add3A_1369 = arith.constant 29 : i32
    %add3A_1370 = arith.addi %mul3A_2, %add3A_1369 : i32
    %mul3A_1371 = arith.constant 56 : i32
    %mul3A_1372 = arith.muli %add3A_1370, %mul3A_1371 : i32
    %dma_wait3A_1373 = arith.constant 728 : i32
    %dma_wait3A_1374 = arith.constant 0 : i32
    %dma_wait3A_1375 = tpu.memref_slice %arg6[%dma_wait3A_1373, %dma_wait3A_1374] : memref<896x128xf32, #tpu.memory_space<vmem>> -> memref<56x128xf32, #tpu.memory_space<vmem>>
    %dma_wait3A_1376 = arith.constant 0 : i32
    %dma_wait3A_1377 = tpu.memref_slice %arg4[%mul3A_1372, %dma_wait3A_1376] : memref<57344x128xf32, #tpu.memory_space<hbm>> -> memref<56x128xf32, #tpu.memory_space<hbm>>
    %dma_wait3A_1378 = arith.constant 0 : i32
    %dma_wait3A_1379 = tpu.memref_slice %arg4[%mul3A_1372, %dma_wait3A_1378] : memref<57344x128xf32, #tpu.memory_space<hbm>> -> memref<56x128xf32, #tpu.memory_space<hbm>>
    %dma_wait3A_1380 = arith.constant 728 : i32
    %dma_wait3A_1381 = arith.constant 0 : i32
    %dma_wait3A_1382 = tpu.memref_slice %arg6[%dma_wait3A_1380, %dma_wait3A_1381] : memref<896x128xf32, #tpu.memory_space<vmem>> -> memref<56x128xf32, #tpu.memory_space<vmem>>
    tpu.wait_dma2 semaphore(%arg20 : memref<!tpu.dma_semaphore, #tpu.memory_space<semaphore_mem>>) src(%dma_wait3A_1382 : memref<56x128xf32, #tpu.memory_space<vmem>>) dst(%dma_wait3A_1379 : memref<56x128xf32, #tpu.memory_space<hbm>>)
    %add3A_1383 = arith.constant 30 : i32
    %add3A_1384 = arith.addi %mul3A_2, %add3A_1383 : i32
    %mul3A_1385 = arith.constant 56 : i32
    %mul3A_1386 = arith.muli %add3A_1384, %mul3A_1385 : i32
    %dma_wait3A_1387 = arith.constant 784 : i32
    %dma_wait3A_1388 = arith.constant 0 : i32
    %dma_wait3A_1389 = tpu.memref_slice %arg6[%dma_wait3A_1387, %dma_wait3A_1388] : memref<896x128xf32, #tpu.memory_space<vmem>> -> memref<56x128xf32, #tpu.memory_space<vmem>>
    %dma_wait3A_1390 = arith.constant 0 : i32
    %dma_wait3A_1391 = tpu.memref_slice %arg4[%mul3A_1386, %dma_wait3A_1390] : memref<57344x128xf32, #tpu.memory_space<hbm>> -> memref<56x128xf32, #tpu.memory_space<hbm>>
    %dma_wait3A_1392 = arith.constant 0 : i32
    %dma_wait3A_1393 = tpu.memref_slice %arg4[%mul3A_1386, %dma_wait3A_1392] : memref<57344x128xf32, #tpu.memory_space<hbm>> -> memref<56x128xf32, #tpu.memory_space<hbm>>
    %dma_wait3A_1394 = arith.constant 784 : i32
    %dma_wait3A_1395 = arith.constant 0 : i32
    %dma_wait3A_1396 = tpu.memref_slice %arg6[%dma_wait3A_1394, %dma_wait3A_1395] : memref<896x128xf32, #tpu.memory_space<vmem>> -> memref<56x128xf32, #tpu.memory_space<vmem>>
    tpu.wait_dma2 semaphore(%arg21 : memref<!tpu.dma_semaphore, #tpu.memory_space<semaphore_mem>>) src(%dma_wait3A_1396 : memref<56x128xf32, #tpu.memory_space<vmem>>) dst(%dma_wait3A_1393 : memref<56x128xf32, #tpu.memory_space<hbm>>)
    %add3A_1397 = arith.constant 31 : i32
    %add3A_1398 = arith.addi %mul3A_2, %add3A_1397 : i32
    %mul3A_1399 = arith.constant 56 : i32
    %mul3A_1400 = arith.muli %add3A_1398, %mul3A_1399 : i32
    %dma_wait3A_1401 = arith.constant 840 : i32
    %dma_wait3A_1402 = arith.constant 0 : i32
    %dma_wait3A_1403 = tpu.memref_slice %arg6[%dma_wait3A_1401, %dma_wait3A_1402] : memref<896x128xf32, #tpu.memory_space<vmem>> -> memref<56x128xf32, #tpu.memory_space<vmem>>
    %dma_wait3A_1404 = arith.constant 0 : i32
    %dma_wait3A_1405 = tpu.memref_slice %arg4[%mul3A_1400, %dma_wait3A_1404] : memref<57344x128xf32, #tpu.memory_space<hbm>> -> memref<56x128xf32, #tpu.memory_space<hbm>>
    %dma_wait3A_1406 = arith.constant 0 : i32
    %dma_wait3A_1407 = tpu.memref_slice %arg4[%mul3A_1400, %dma_wait3A_1406] : memref<57344x128xf32, #tpu.memory_space<hbm>> -> memref<56x128xf32, #tpu.memory_space<hbm>>
    %dma_wait3A_1408 = arith.constant 840 : i32
    %dma_wait3A_1409 = arith.constant 0 : i32
    %dma_wait3A_1410 = tpu.memref_slice %arg6[%dma_wait3A_1408, %dma_wait3A_1409] : memref<896x128xf32, #tpu.memory_space<vmem>> -> memref<56x128xf32, #tpu.memory_space<vmem>>
    tpu.wait_dma2 semaphore(%arg22 : memref<!tpu.dma_semaphore, #tpu.memory_space<semaphore_mem>>) src(%dma_wait3A_1410 : memref<56x128xf32, #tpu.memory_space<vmem>>) dst(%dma_wait3A_1407 : memref<56x128xf32, #tpu.memory_space<hbm>>)
    return
  }
}

module attributes {stable_mosaic.version = 14 : i64} {
  func.func @_pool_body(%arg0: i32, %arg1: memref<256x56xf32, #tpu.memory_space<vmem>>, %arg2: memref<56x128xf32, #tpu.memory_space<vmem>>, %arg3: memref<14336x128xf32, #tpu.memory_space<vmem>>, %arg4: memref<256x128xbf16, #tpu.memory_space<vmem>>) attributes {dimension_semantics = [#tpu.dimension_semantics<parallel>], iteration_bounds = array<i64: 4>, scalar_prefetch = 0 : i64, scratch_operands = 0 : i64, tpu.core_type = #tpu.core_type<tc>, window_params = [{transform_indices = @transform_0, window_bounds = array<i64: 256, 56>}, {pipeline_mode = #tpu.pipeline_mode<synchronous>, transform_indices = @transform_1, window_bounds = array<i64: 56, 128>}, {transform_indices = @transform_2, window_bounds = array<i64: 14336, 128>}, {transform_indices = @transform_3, window_bounds = array<i64: 256, 128>}]} {
    %get3A = arith.constant 0 : index
    %get3A_0 = arith.constant 0 : index
    %get3A_1 = vector.load %arg3[%get3A, %get3A_0] : memref<14336x128xf32, #tpu.memory_space<vmem>>, vector<14336x128xf32>
    %reshape3A = vector.shape_cast %get3A_1 : vector<14336x128xf32> to vector<256x56x128xf32>
    %get3A_2 = arith.constant 0 : index
    %get3A_3 = arith.constant 0 : index
    %get3A_4 = vector.load %arg1[%get3A_2, %get3A_3] : memref<256x56xf32, #tpu.memory_space<vmem>>, vector<256x56xf32>
    %get3A_5 = arith.constant 0 : index
    %get3A_6 = arith.constant 0 : index
    %get3A_7 = vector.load %arg2[%get3A_5, %get3A_6] : memref<56x128xf32, #tpu.memory_space<vmem>>, vector<56x128xf32>
    %broadcast_in_dim3A = vector.shape_cast %get3A_7 : vector<56x128xf32> to vector<1x56x128xf32>
    %broadcast_in_dim3A_8 = vector.shape_cast %get3A_4 : vector<256x56xf32> to vector<256x56x1xf32>
    %mul3A = vector.broadcast %broadcast_in_dim3A : vector<1x56x128xf32> to vector<256x56x128xf32>
    %mul3A_9 = vector.broadcast %broadcast_in_dim3A_8 : vector<256x56x1xf32> to vector<256x56x128xf32>
    %mul3A_10 = arith.mulf %mul3A, %mul3A_9 : vector<256x56x128xf32>
    %mul3A_11 = arith.mulf %reshape3A, %mul3A_10 : vector<256x56x128xf32>
    %reduce_sum3A = arith.constant dense<0.000000e+00> : vector<256x128xf32>
    %reduce_sum3A_12 = vector.multi_reduction <add>, %mul3A_11, %reduce_sum3A [1] : vector<256x56x128xf32> to vector<256x128xf32>
    %reduce_sum3A_13 = arith.constant dense<0.000000e+00> : vector<256xf32>
    %reduce_sum3A_14 = vector.multi_reduction <add>, %get3A_4, %reduce_sum3A_13 [1] : vector<256x56xf32> to vector<256xf32>
    %broadcast_in_dim3A_15 = vector.shape_cast %reduce_sum3A_14 : vector<256xf32> to vector<256x1xf32>
    %eq3A = arith.constant 0.000000e+00 : f32
    %eq3A_16 = vector.broadcast %eq3A : f32 to vector<256x1xf32>
    %eq3A_17 = arith.cmpf oeq, %broadcast_in_dim3A_15, %eq3A_16 : vector<256x1xf32>
    %div3A = arith.constant 1.000000e+00 : f32
    %div3A_18 = vector.broadcast %div3A : f32 to vector<256x1xf32>
    %div3A_19 = arith.divf %div3A_18, %broadcast_in_dim3A_15 : vector<256x1xf32>
    %jit3A = arith.constant 0.000000e+00 : f32
    %broadcast_in_dim3A_20 = vector.broadcast %jit3A : f32 to vector<256x1xf32>
    %select_n3A = arith.select %eq3A_17, %broadcast_in_dim3A_20, %div3A_19 : vector<256x1xi1>, vector<256x1xf32>
    %mul3A_21 = vector.broadcast %select_n3A : vector<256x1xf32> to vector<256x128xf32>
    %mul3A_22 = arith.mulf %reduce_sum3A_12, %mul3A_21 : vector<256x128xf32>
    %convert_element_type3A = arith.truncf %mul3A_22 : vector<256x128xf32> to vector<256x128xbf16>
    %swap3A = arith.constant 0 : index
    %swap3A_23 = arith.constant 0 : index
    %swap3A_24 = vector.load %arg4[%swap3A, %swap3A_23] : memref<256x128xbf16, #tpu.memory_space<vmem>>, vector<256x128xbf16>
    tpu.vector_store %arg4[%swap3A, %swap3A_23], %convert_element_type3A {strides = array<i32>} : memref<256x128xbf16, #tpu.memory_space<vmem>>, vector<256x128xbf16>,
    return
  }
  func.func @transform_0(%arg0: i32) -> (i32, i32) {
    %c0_i32 = arith.constant 0 : i32
    %c0_i32_0 = arith.constant 0 : i32
    return %arg0, %c0_i32 : i32, i32
  }
  func.func @transform_1(%arg0: i32) -> (i32, i32) {
    %c0_i32 = arith.constant 0 : i32
    %c0_i32_0 = arith.constant 0 : i32
    %c0_i32_1 = arith.constant 0 : i32
    return %c0_i32, %c0_i32_0 : i32, i32
  }
  func.func @transform_2(%arg0: i32) -> (i32, i32) {
    %c0_i32 = arith.constant 0 : i32
    %c0_i32_0 = arith.constant 0 : i32
    return %arg0, %c0_i32 : i32, i32
  }
  func.func @transform_3(%arg0: i32) -> (i32, i32) {
    %c0_i32 = arith.constant 0 : i32
    %c0_i32_0 = arith.constant 0 : i32
    return %arg0, %c0_i32 : i32, i32
  }
}

module attributes {stable_mosaic.version = 14 : i64} {
  func.func @_p1_body(%arg0: i32, %arg1: i32, %arg2: memref<1024x128xbf16, #tpu.memory_space<vmem>>, %arg3: memref<2048x128xbf16, #tpu.memory_space<vmem>>, %arg4: memref<1x2048xf32, #tpu.memory_space<vmem>>, %arg5: memref<1024x2048xf32, #tpu.memory_space<vmem>>, %arg6: memref<1024x128xf32, #tpu.memory_space<vmem>>, %arg7: memref<1024x128xf32, #tpu.memory_space<vmem>>) attributes {dimension_semantics = [#tpu.dimension_semantics<parallel>, #tpu.dimension_semantics<arbitrary>], iteration_bounds = array<i64: 1, 49>, scalar_prefetch = 0 : i64, scratch_operands = 1 : i64, tpu.core_type = #tpu.core_type<tc>, window_params = [{transform_indices = @transform_0, window_bounds = array<i64: 1024, 128>}, {transform_indices = @transform_1, window_bounds = array<i64: 2048, 128>}, {transform_indices = @transform_2, window_bounds = array<i64: 1, 2048>}, {transform_indices = @transform_3, window_bounds = array<i64: 1024, 2048>}, {transform_indices = @transform_4, window_bounds = array<i64: 1024, 128>}]} {
    %eq3A = arith.constant 0 : i32
    %eq3A_0 = arith.cmpi eq, %arg1, %eq3A : i32
    %convert_element_type3A = arith.extui %eq3A_0 : i1 to i32
    %cond3A = arith.constant 0 : i32
    %cond3A_1 = arith.cmpi ne, %convert_element_type3A, %cond3A : i32
    scf.if %cond3A_1 {
      %broadcast_in_dim3A_33 = arith.constant 0.000000e+00 : f32
      %broadcast_in_dim3A_34 = vector.broadcast %broadcast_in_dim3A_33 : f32 to vector<1024x128xf32>
      %swap3A_35 = arith.constant 0 : index
      %swap3A_36 = arith.constant 0 : index
      %swap3A_37 = vector.load %arg7[%swap3A_35, %swap3A_36] : memref<1024x128xf32, #tpu.memory_space<vmem>>, vector<1024x128xf32>
      tpu.vector_store %arg7[%swap3A_35, %swap3A_36], %broadcast_in_dim3A_34 {strides = array<i32>} : memref<1024x128xf32, #tpu.memory_space<vmem>>, vector<1024x128xf32>,
    } else {
    }
    %get3A = arith.constant 0 : index
    %get3A_2 = arith.constant 0 : index
    %get3A_3 = vector.load %arg2[%get3A, %get3A_2] : memref<1024x128xbf16, #tpu.memory_space<vmem>>, vector<1024x128xbf16>
    %get3A_4 = arith.constant 0 : index
    %get3A_5 = arith.constant 0 : index
    %get3A_6 = vector.load %arg3[%get3A_4, %get3A_5] : memref<2048x128xbf16, #tpu.memory_space<vmem>>, vector<2048x128xbf16>
    %dot_general3A = arith.constant dense<0.000000e+00> : vector<1024x2048xf32>
    %dot_general3A_7 = tpu.matmul %get3A_3, %get3A_6, %dot_general3A {dimension_numbers = #tpu.dot_dimension_numbers<[1], [1], [0], [0], [0, 0, 1, 0], [], []>, transpose_lhs_hint = false} : vector<1024x128xbf16>, vector<2048x128xbf16>, vector<1024x2048xf32> -> vector<1024x2048xf32>
    %get3A_8 = arith.constant 0 : index
    %get3A_9 = arith.constant 0 : index
    %get3A_10 = vector.load %arg4[%get3A_8, %get3A_9] : memref<1x2048xf32, #tpu.memory_space<vmem>>, vector<1x2048xf32>
    %add3A = vector.broadcast %get3A_10 : vector<1x2048xf32> to vector<1024x2048xf32>
    %add3A_11 = arith.addf %dot_general3A_7, %add3A : vector<1024x2048xf32>
    %get3A_12 = arith.constant 0 : index
    %get3A_13 = arith.constant 0 : index
    %get3A_14 = vector.load %arg5[%get3A_12, %get3A_13] : memref<1024x2048xf32, #tpu.memory_space<vmem>>, vector<1024x2048xf32>
    %exp3A = math.exp %add3A_11 : vector<1024x2048xf32>
    %mul3A = arith.mulf %get3A_14, %exp3A : vector<1024x2048xf32>
    %eq3A_15 = arith.constant 48 : i32
    %eq3A_16 = arith.cmpi eq, %arg1, %eq3A_15 : i32
    %convert_element_type3A_17 = arith.extui %eq3A_16 : i1 to i32
    %cond3A_18 = arith.constant 0 : i32
    %cond3A_19 = arith.cmpi ne, %convert_element_type3A_17, %cond3A_18 : i32
    %cond3A_20 = scf.if %cond3A_19 -> (vector<1024x1xf32>) {
      %mul3A_33 = arith.constant 2048 : i32
      %mul3A_34 = arith.muli %arg1, %mul3A_33 : i32
      %iota3A = tpu.iota {dimensions = array<i32: 1>} : vector<1x2048xi32>
      %add3A_35 = vector.broadcast %mul3A_34 : i32 to vector<1x2048xi32>
      %add3A_36 = arith.addi %add3A_35, %iota3A : vector<1x2048xi32>
      %lt3A = arith.constant 100000 : i32
      %lt3A_37 = vector.broadcast %lt3A : i32 to vector<1x2048xi32>
      %lt3A_38 = arith.cmpi slt, %add3A_36, %lt3A_37 : vector<1x2048xi32>
      %jit3A = arith.constant 0.000000e+00 : f32
      %broadcast_in_dim3A_39 = vector.shape_cast %lt3A_38 : vector<1x2048xi1> to vector<1x2048xi1>
      %broadcast_in_dim3A_40 = vector.broadcast %broadcast_in_dim3A_39 : vector<1x2048xi1> to vector<1024x2048xi1>
      %broadcast_in_dim3A_41 = vector.broadcast %jit3A : f32 to vector<1024x2048xf32>
      %select_n3A = arith.select %broadcast_in_dim3A_40, %mul3A, %broadcast_in_dim3A_41 : vector<1024x2048xi1>, vector<1024x2048xf32>
      %reduce_sum3A = arith.constant dense<0.000000e+00> : vector<1024xf32>
      %reduce_sum3A_42 = vector.multi_reduction <add>, %select_n3A, %reduce_sum3A [1] : vector<1024x2048xf32> to vector<1024xf32>
      %broadcast_in_dim3A_43 = vector.shape_cast %reduce_sum3A_42 : vector<1024xf32> to vector<1024x1xf32>
      scf.yield %broadcast_in_dim3A_43 : vector<1024x1xf32>
    } else {
      %reduce_sum3A = arith.constant dense<0.000000e+00> : vector<1024xf32>
      %reduce_sum3A_33 = vector.multi_reduction <add>, %mul3A, %reduce_sum3A [1] : vector<1024x2048xf32> to vector<1024xf32>
      %broadcast_in_dim3A_34 = vector.shape_cast %reduce_sum3A_33 : vector<1024xf32> to vector<1024x1xf32>
      scf.yield %broadcast_in_dim3A_34 : vector<1024x1xf32>
    }
    %get3A_21 = arith.constant 0 : index
    %get3A_22 = arith.constant 0 : index
    %get3A_23 = vector.load %arg7[%get3A_21, %get3A_22] : memref<1024x128xf32, #tpu.memory_space<vmem>>, vector<1024x1xf32>
    %add3A_24 = arith.addf %get3A_23, %cond3A_20 : vector<1024x1xf32>
    %broadcast_in_dim3A = vector.shape_cast %add3A_24 : vector<1024x1xf32> to vector<1024x1xf32>
    %broadcast_in_dim3A_25 = vector.broadcast %broadcast_in_dim3A : vector<1024x1xf32> to vector<1024x128xf32>
    %swap3A = arith.constant 0 : index
    %swap3A_26 = arith.constant 0 : index
    %swap3A_27 = vector.load %arg7[%swap3A, %swap3A_26] : memref<1024x128xf32, #tpu.memory_space<vmem>>, vector<1024x128xf32>
    tpu.vector_store %arg7[%swap3A, %swap3A_26], %broadcast_in_dim3A_25 {strides = array<i32>} : memref<1024x128xf32, #tpu.memory_space<vmem>>, vector<1024x128xf32>,
    %log3A = math.log %add3A_24 : vector<1024x1xf32>
    %broadcast_in_dim3A_28 = vector.shape_cast %log3A : vector<1024x1xf32> to vector<1024x1xf32>
    %broadcast_in_dim3A_29 = vector.broadcast %broadcast_in_dim3A_28 : vector<1024x1xf32> to vector<1024x128xf32>
    %swap3A_30 = arith.constant 0 : index
    %swap3A_31 = arith.constant 0 : index
    %swap3A_32 = vector.load %arg6[%swap3A_30, %swap3A_31] : memref<1024x128xf32, #tpu.memory_space<vmem>>, vector<1024x128xf32>
    tpu.vector_store %arg6[%swap3A_30, %swap3A_31], %broadcast_in_dim3A_29 {strides = array<i32>} : memref<1024x128xf32, #tpu.memory_space<vmem>>, vector<1024x128xf32>,
    return
  }
  func.func @transform_0(%arg0: i32, %arg1: i32) -> (i32, i32) {
    %c0_i32 = arith.constant 0 : i32
    %c0_i32_0 = arith.constant 0 : i32
    return %arg0, %c0_i32 : i32, i32
  }
  func.func @transform_1(%arg0: i32, %arg1: i32) -> (i32, i32) {
    %c0_i32 = arith.constant 0 : i32
    %c0_i32_0 = arith.constant 0 : i32
    return %arg1, %c0_i32 : i32, i32
  }
  func.func @transform_2(%arg0: i32, %arg1: i32) -> (i32, i32) {
    %c0_i32 = arith.constant 0 : i32
    %c0_i32_0 = arith.constant 0 : i32
    return %c0_i32, %arg1 : i32, i32
  }
  func.func @transform_3(%arg0: i32, %arg1: i32) -> (i32, i32) {
    %c0_i32 = arith.constant 0 : i32
    return %arg0, %arg1 : i32, i32
  }
  func.func @transform_4(%arg0: i32, %arg1: i32) -> (i32, i32) {
    %c0_i32 = arith.constant 0 : i32
    %c0_i32_0 = arith.constant 0 : i32
    return %arg0, %c0_i32 : i32, i32
  }
}

module attributes {stable_mosaic.version = 14 : i64} {
  func.func @_p2_body(%arg0: i32, %arg1: i32, %arg2: memref<1024x128xbf16, #tpu.memory_space<vmem>>, %arg3: memref<2048x128xbf16, #tpu.memory_space<vmem>>, %arg4: memref<1x2048xf32, #tpu.memory_space<vmem>>, %arg5: memref<1024x2048xf32, #tpu.memory_space<vmem>>, %arg6: memref<1024x128xf32, #tpu.memory_space<vmem>>, %arg7: memref<1024x2048xbf16, #tpu.memory_space<vmem>>) attributes {dimension_semantics = [#tpu.dimension_semantics<parallel>, #tpu.dimension_semantics<parallel>], iteration_bounds = array<i64: 1, 49>, scalar_prefetch = 0 : i64, scratch_operands = 0 : i64, tpu.core_type = #tpu.core_type<tc>, window_params = [{transform_indices = @transform_0, window_bounds = array<i64: 1024, 128>}, {transform_indices = @transform_1, window_bounds = array<i64: 2048, 128>}, {transform_indices = @transform_2, window_bounds = array<i64: 1, 2048>}, {transform_indices = @transform_3, window_bounds = array<i64: 1024, 2048>}, {transform_indices = @transform_4, window_bounds = array<i64: 1024, 128>}, {transform_indices = @transform_5, window_bounds = array<i64: 1024, 2048>}]} {
    %get3A = arith.constant 0 : index
    %get3A_0 = arith.constant 0 : index
    %get3A_1 = vector.load %arg2[%get3A, %get3A_0] : memref<1024x128xbf16, #tpu.memory_space<vmem>>, vector<1024x128xbf16>
    %get3A_2 = arith.constant 0 : index
    %get3A_3 = arith.constant 0 : index
    %get3A_4 = vector.load %arg3[%get3A_2, %get3A_3] : memref<2048x128xbf16, #tpu.memory_space<vmem>>, vector<2048x128xbf16>
    %dot_general3A = arith.constant dense<0.000000e+00> : vector<1024x2048xf32>
    %dot_general3A_5 = tpu.matmul %get3A_1, %get3A_4, %dot_general3A {dimension_numbers = #tpu.dot_dimension_numbers<[1], [1], [0], [0], [0, 0, 1, 0], [], []>, transpose_lhs_hint = false} : vector<1024x128xbf16>, vector<2048x128xbf16>, vector<1024x2048xf32> -> vector<1024x2048xf32>
    %get3A_6 = arith.constant 0 : index
    %get3A_7 = arith.constant 0 : index
    %get3A_8 = vector.load %arg4[%get3A_6, %get3A_7] : memref<1x2048xf32, #tpu.memory_space<vmem>>, vector<1x2048xf32>
    %add3A = vector.broadcast %get3A_8 : vector<1x2048xf32> to vector<1024x2048xf32>
    %add3A_9 = arith.addf %dot_general3A_5, %add3A : vector<1024x2048xf32>
    %get3A_10 = arith.constant 0 : index
    %get3A_11 = arith.constant 0 : index
    %get3A_12 = vector.load %arg5[%get3A_10, %get3A_11] : memref<1024x2048xf32, #tpu.memory_space<vmem>>, vector<1024x2048xf32>
    %add3A_13 = arith.constant 1.401300e-45 : f32
    %add3A_14 = vector.broadcast %add3A_13 : f32 to vector<1024x2048xf32>
    %add3A_15 = arith.addf %get3A_12, %add3A_14 : vector<1024x2048xf32>
    %log3A = math.log %add3A_15 : vector<1024x2048xf32>
    %add3A_16 = arith.addf %add3A_9, %log3A : vector<1024x2048xf32>
    %get3A_17 = arith.constant 0 : index
    %get3A_18 = arith.constant 0 : index
    %get3A_19 = vector.load %arg6[%get3A_17, %get3A_18] : memref<1024x128xf32, #tpu.memory_space<vmem>>, vector<1024x1xf32>
    %sub3A = vector.broadcast %get3A_19 : vector<1024x1xf32> to vector<1024x2048xf32>
    %sub3A_20 = arith.subf %add3A_16, %sub3A : vector<1024x2048xf32>
    %convert_element_type3A = arith.truncf %sub3A_20 : vector<1024x2048xf32> to vector<1024x2048xbf16>
    %swap3A = arith.constant 0 : index
    %swap3A_21 = arith.constant 0 : index
    %swap3A_22 = vector.load %arg7[%swap3A, %swap3A_21] : memref<1024x2048xbf16, #tpu.memory_space<vmem>>, vector<1024x2048xbf16>
    tpu.vector_store %arg7[%swap3A, %swap3A_21], %convert_element_type3A {strides = array<i32>} : memref<1024x2048xbf16, #tpu.memory_space<vmem>>, vector<1024x2048xbf16>,
    return
  }
  func.func @transform_0(%arg0: i32, %arg1: i32) -> (i32, i32) {
    %c0_i32 = arith.constant 0 : i32
    %c0_i32_0 = arith.constant 0 : i32
    return %arg0, %c0_i32 : i32, i32
  }
  func.func @transform_1(%arg0: i32, %arg1: i32) -> (i32, i32) {
    %c0_i32 = arith.constant 0 : i32
    %c0_i32_0 = arith.constant 0 : i32
    return %arg1, %c0_i32 : i32, i32
  }
  func.func @transform_2(%arg0: i32, %arg1: i32) -> (i32, i32) {
    %c0_i32 = arith.constant 0 : i32
    %c0_i32_0 = arith.constant 0 : i32
    return %c0_i32, %arg1 : i32, i32
  }
  func.func @transform_3(%arg0: i32, %arg1: i32) -> (i32, i32) {
    %c0_i32 = arith.constant 0 : i32
    return %arg0, %arg1 : i32, i32
  }
  func.func @transform_4(%arg0: i32, %arg1: i32) -> (i32, i32) {
    %c0_i32 = arith.constant 0 : i32
    %c0_i32_0 = arith.constant 0 : i32
    return %arg0, %c0_i32 : i32, i32
  }
  func.func @transform_5(%arg0: i32, %arg1: i32) -> (i32, i32) {
    %c0_i32 = arith.constant 0 : i32
    return %arg0, %arg1 : i32, i32
  }
}

</mosaic_0001>

<sc_bundles>
// kernel: kernel.6.cloned.1.call-start
scs
__scs_entry_jumppad:
0x0: {  	(pc) =	sbr.rel $0x88, $3  }
0x1: {  	(tag) =	ssettag $0x0;
	lr =	simm.s32 $0x1  }
0x2: {  	[smem:$0x3F9B] =	sst lr;
	_ =	strace $0xD0000000  }
0x3: {  	_ = 	snop  }
0x4: {  	_ = 	snop  }
0x5: {  	_ = 	snop  }
0x6: {  	_ = 	snop  }
0x7: {  	_ = 	snop  }
__scs_overlays_trampoline_lowered:
0x8: {  	[smem:$0x3FAA] =	sst s0  }
0x9: {  	[smem:$0x3FAB] =	sst s1  }
0xa: {  	[smem:$0x3FAC] =	sst s2  }
0xb: {  	[smem:$0x3FAD] =	sst s3  }
0xc: {  	[smem:$0x3FAE] =	sst s4  }
0xd: {  	[smem:$0x3FAF] =	sst s5  }
0xe: {  	[smem:$0x3FB0] =	sst s6  }
0xf: {  	[smem:$0x3FB1] =	sst s7  }
0x10: {  	[smem:$0x3FB2] =	sst s8  }
0x11: {  	[smem:$0x3FB3] =	sst s9;
	s0 =	simm.s32 @!p0 $0x0  }
0x12: {  	s1 =	sld [smem:$0x3F99];
	s0 =	simm.s32 @p0 $0x1  }
0x13: {  	[smem:$0x3FB4] =	sst s0;
	s0 =	simm.s32 @!p1 $0x0  }
0x14: {  	s2 =	sld [smem:$0x3F98];
	s0 =	simm.s32 @p1 $0x1  }
0x15: {  	[smem:$0x3FB5] =	sst s0;
	s0 =	simm.s32 @!p2 $0x0  }
0x16: {  	s3 =	sld [smem:$0x3FDB];
	s0 =	simm.s32 @p2 $0x1  }
0x17: {  	s4 =	simm.s32 $0x1BF5;
	[smem:$0x3FB7] =	sst s0  }
0x18: {  	s0 =	sld [smem:$0x3F9A];
	_ =	swait.ge [sflag:s4], $0x0  }
0x19: {  	s7 =	sld [smem:$0x3F9B]  }
0x1a: {  	s8 =	sadd.s32 $0xFFFFE003, lr  }
0x1b: {  	s9 =	sadd.s32 $0xFFFFFEF7, lr;
	s5 =	simm.s32 $0xFFFFFFFF;
	p2 =	slt.u32 s8, $0xFFFFF086  }
0x1c: {  	p1 =	slt.u32 s9, $0xF7A;
	s5 =	simm.s32 @!p2 $0x0  }
0x1d: {  	s5 =	simm.s32 @p1 $0x1;
	p0 =	seq.s32 s7, s2  }
0x1e: {  	s7 =	smul.u32 @!p0 $0xF7A, s2;
	p2 =	seq.s32 @!p0 s5, $0x0  }
0x1f: {  	s9 =	smul.u32 $0xF7A, s1;
	s8 =	simm.s32 @!p0 $0x1BF5;
	p2 =	por !p2, p0  }
0x20: {  	[sflag:s8] =	ssyncset.s32 @!p0 $0xFFFFF086;
	s6 =	sadd.s32 @!p0 s3, s7;
	s7 =	simm.s32 @!p0 $0x108  }
0x21: {  	s3 =	sadd.s32 s3, s9;
	s6 =	sadd.s32 @!p0 $0x88, s6;
	s7 =	simm.s32 @p2 $0x1082  }
0x22: {  	[simem:s7], [sflag:s8] =	dma.local @!p0 [hbm:s6], $0xF7A  }
0x23: {  	s9 =	sor.u32 $0xD0000000, s2;
	s6 =	simm.s32 $0x108;
	_ =	swait.ge @!p0 [sflag:s8], $0x0  }
0x24: {  	s3 =	sadd.s32 $0x88, s3;
	s6 =	simm.s32 @!p1 $0x1082;
	[sflag:s4] =	ssyncset.s32 $0xFFFFF086  }
0x25: {  	[simem:s6], [sflag:s4] =	dma.local [hbm:s3], $0xF7A  }
0x26: {  	[smem:$0x3F9B] =	sst s1;
	(tag) =	ssettag s2;
	_ =	strace s9  }
0x27: {  	s1 =	sld [smem:$0x3FAB]  }
0x28: {  	s2 =	sld [smem:$0x3FAC]  }
0x29: {  	s4 =	sld [smem:$0x3FAE]  }
0x2a: {  	p0 =	seq.s32 s5, $0x0;
	s5 =	sld [smem:$0x3FAF]  }
0x2b: {  	s6 =	sld [smem:$0x3FB0]  }
0x2c: {  	s7 =	sld [smem:$0x3FB1]  }
0x2d: {  	s3 =	simm.s32 $0x108;
	s8 =	sld [smem:$0x3FB2]  }
0x2e: {  	s3 =	simm.s32 @!p0 $0x1082;
	s9 =	sld [smem:$0x3FB3]  }
0x2f: {  	lr =	sadd.s32 s0, s3;
	s0 =	sld [smem:$0x3FAA]  }
0x30: {  	s3 =	sld [smem:$0x3FAD]  }
0x31: {  	[smem:$0x3FB6] =	sst s10  }
0x32: {  	s10 =	sld [smem:$0x3FB4];
	_ =	sdelay $0x3  }
0x33: {  	p0 =	seq.s32 s10, $0x1;
	s10 =	sld [smem:$0x3FB6];
	_ =	sdelay $0x3  }
0x34: {  	[smem:$0x3FB6] =	sst s10  }
0x35: {  	s10 =	sld [smem:$0x3FB5];
	_ =	sdelay $0x3  }
0x36: {  	p1 =	seq.s32 s10, $0x1;
	s10 =	sld [smem:$0x3FB6];
	_ =	sdelay $0x3  }
0x37: {  	[smem:$0x3FB6] =	sst s10  }
0x38: {  	s10 =	sld [smem:$0x3FB7]  }
0x39: {  	_ = 	snop;
	(pc) =	sbr.ind lr, $3  }
0x3a: {  	_ = 	snop  }
0x3b: {  	_ = 	snop  }
0x3c: {  	p2 =	seq.s32 s10, $0x1;
	s10 =	sld [smem:$0x3FB6]  }
0x3d: {  	_ =	shalt  }
0x3e: {  	_ =	shalt  }
0x3f: {  	_ =	shalt  }
0x40: {  	_ =	shalt  }
0x41: {  	_ =	shalt  }
0x42: {  	_ =	shalt  }
0x43: {  	_ =	shalt  }
0x44: {  	_ =	shalt  }
0x45: {  	_ =	shalt  }
0x46: {  	_ =	shalt  }
0x47: {  	_ =	shalt  }
0x48: {  	_ =	shalt  }
0x49: {  	_ =	shalt  }
0x4a: {  	_ =	shalt  }
0x4b: {  	_ =	shalt  }
0x4c: {  	_ =	shalt  }
0x4d: {  	_ =	shalt  }
0x4e: {  	_ =	shalt  }
0x4f: {  	_ =	shalt  }
0x50: {  	_ =	shalt  }
0x51: {  	_ =	shalt  }
0x52: {  	_ =	shalt  }
0x53: {  	_ =	shalt  }
0x54: {  	_ =	shalt  }
0x55: {  	_ =	shalt  }
0x56: {  	_ =	shalt  }
0x57: {  	_ =	shalt  }
0x58: {  	_ =	shalt  }
0x59: {  	_ =	shalt  }
0x5a: {  	_ =	shalt  }
0x5b: {  	_ =	shalt  }
0x5c: {  	_ =	shalt  }
0x5d: {  	_ =	shalt  }
0x5e: {  	_ =	shalt  }
0x5f: {  	_ =	shalt  }
0x60: {  	_ =	shalt  }
0x61: {  	_ =	shalt  }
0x62: {  	_ =	shalt  }
0x63: {  	_ =	shalt  }
0x64: {  	_ =	shalt  }
0x65: {  	_ =	shalt  }
0x66: {  	_ =	shalt  }
0x67: {  	_ =	shalt  }
0x68: {  	_ =	shalt  }
0x69: {  	_ =	shalt  }
0x6a: {  	_ =	shalt  }
0x6b: {  	_ =	shalt  }
0x6c: {  	_ =	shalt  }
0x6d: {  	_ =	shalt  }
0x6e: {  	_ =	shalt  }
0x6f: {  	_ =	shalt  }
0x70: {  	_ =	shalt  }
0x71: {  	_ =	shalt  }
0x72: {  	_ =	shalt  }
0x73: {  	_ =	shalt  }
0x74: {  	_ =	shalt  }
0x75: {  	_ =	shalt  }
0x76: {  	_ =	shalt  }
0x77: {  	_ =	shalt  }
0x78: {  	_ =	shalt  }
0x79: {  	_ =	shalt  }
0x7a: {  	_ =	shalt  }
0x7b: {  	_ =	shalt  }
0x7c: {  	_ =	shalt  }
0x7d: {  	_ =	shalt  }
0x7e: {  	_ =	shalt  }
0x7f: {  	_ =	shalt  }
0x80: {  	_ =	shalt  }
0x81: {  	_ =	shalt  }
0x82: {  	_ =	shalt  }
0x83: {  	_ =	shalt  }
0x84: {  	_ =	shalt  }
0x85: {  	_ =	shalt  }
0x86: {  	_ =	shalt  }
0x87: {  	_ =	shalt  }
.Lfunc_end0:
.L_simem_size_0:
called_computation_lowered:
.L_overlay_start_0:
0x88: {  	s2 =	sld [smem:$0x3FD9]  }
0x89: {  	s3 =	sld [smem:$0x3FFE];
	_ =	sdelay $0x1  }
0x8a: {  	s1 =	srdreg.scid  }
0x8b: {  	s0 =	sand.u32 $0x1, s1  }
0x8c: {  	s17 =	sshll.u32 s0, $0xA;
	s2 =	sadd.s32 s3, s2  }
0x8d: {  	s2 =	sadd.s32 s2, s17  }
0x8e: {  	[smem:$0x3FC2] =	sst s2  }
0x8f: {  	_ = 	snop  }
0x90: {  	s2 =	sld [smem:$0x3FC6]  }
0x91: {  	s18 =	sld [smem:$0x3FD0];
	(tm) =	ssettm $0x1  }
0x92: {  	s4 =	sld [smem:$0x3FFB];
	_ =	sdelay $0x3  }
0x93: {  	_ =	strace s4  }
0x94: {  	s4 =	sld [smem:$0x3FFC];
	_ =	sdelay $0x3  }
0x95: {  	_ =	strace s4  }
0x96: {  	s4 =	sld [smem:$0x3FFD];
	_ =	sdelay $0x3  }
0x97: {  	_ =	strace s4  }
0x98: {  	_ =	strace $0x8FFFFFFF  }
0x99: {  	s19 =	sld [smem:$0x3FDB];
	_ =	sdelay $0x1  }
0x9a: {  	s5 =	simm.s32 $_scs_section_size  }
0x9b: {  	s6 =	simm.s32 $_size__tile_overlayer_lowered;
	s7 =	simm.s32 $_tile_overlayer_lowered  }
0x9c: {  	s22 =	simm.s32 $0x1BFF;
	s21 =	sshll.u32 s7, $0x1;
	s4 =	sadd.s32 s5, s19  }
0x9d: {  	s8 =	simm.s32 $0x0;
	s20 =	sshll.u32 s6, $0x1;
	s6 =	sadd.s32 s21, s4  }
0x9e: {  	[timem:s8], [sflag:s22] =	dma.local [hbm:s6], s20  }
0x9f: {  	_ =	swait.ge [sflag:s22], s20  }
0xa0: {  	s5 =	ssub.s32 $0x0, s20;
	[sflag:s22] =	ssyncset.done $0x0  }
0xa1: {  	[sflag:s22] =	ssyncadd.s32 s5;
	_ =	sdelay $0x1  }
0xa2: {  	s23 =	simm.s32 $0x1B8B  }
0xa3: {  	_ =	swait.ge [sflag:s23], $0x1  }
0xa4: {  	[sflag:s23] =	ssyncset.done $0x0  }
0xa5: {  	s25 =	simm.s32 $0x1B8E;
	s24 =	sld [smem:$0x3FFE];
	[sflag:s23] =	ssyncadd.s32 $0xFFFFFFFF  }
0xa6: {  	s26 =	simm.s32 $execute0_lowered;
	[smem:$0x3FD2] =	sst s25  }
0xa7: {  	s6 =	sshll.u32 s26, $0x1;
	_ =	strace $0x80000046;
	[dreg:$0x1] =	wrdreg $0xFFFFFFFF  }
0xa8: {  	s28 =	simm.s32 $_size_execute0_lowered;
	s4 =	sadd.s32 s4, s6;
	[dreg:$0x0] =	wrdreg $0x0  }
0xa9: {  	s6 =	sshll.u32 s28, $0x1;
	[dreg:$0x2] =	wrdreg s4  }
0xaa: {  	[dreg:$0x3] =	wrdreg s6  }
0xab: {  	[dreg:$0x4] =	wrdreg $0xC0  }
0xac: {  	_ =	task [dreg:s8], $0x5FFFF  }
0xad: {  	[dreg:$0x1] =	wrdreg $0xFFFFFFFF  }
0xae: {  	[dreg:$0x0] =	wrdreg $0x60  }
0xaf: {  	[dreg:$0x2] =	wrdreg s2  }
0xb0: {  	[dreg:$0x3] =	wrdreg s24  }
0xb1: {  	[dreg:$0x4] =	wrdreg s18  }
0xb2: {  	[dreg:$0x5] =	wrdreg $0x9  }
0xb3: {  	_ =	task.clear_ibuf [dreg:s8], $0x6FFFF;
	_ =	strace $0x90000046  }
0xb4: {  	s29 =	simm.s32 $0x9;
	_ =	strace $0x80000048  }
0xb5: {  	_ =	swait.ge [sflag:s29], $0x1  }
0xb6: {  	[sflag:s29] =	ssyncadd.s32 $0xFFFFFFFF  }
0xb7: {  	_ =	strace $0x90000048  }
0xb8: {  	_ =	sfence  }
0xb9: {  	s30 =	sld [smem:$0x0];
	_ =	sdelay $0x2  }
0xba: {  	s31 =	sshll.u32 s1, $0xD;
	s1 =	sshrl.u32 s1, $0x2  }
0xbb: {  	s3 =	sand.u32 $0x4000, s31;
	s1 =	sadd.s32 s1, s30  }
0xbc: {  	s0 =	sor.u32 s3, s0;
	s1 =	sshll.u32 s1, $0x11  }
0xbd: {  	s0 =	sor.u32 s1, s0  }
0xbe: {  	s0 =	sadd.s32 $0x8F2B, s0  }
0xbf: {  	[sflag:s0] =	ssyncadd.remote.s32 $0x1  }
0xc0: {  	_ =	sfence.sel $0xFFFF  }
0xc1: {  	[dreg:$0x0] =	wrdreg $0xFFFFFFFF;
	(pc) =	sbr.abs _section_cstart, $3  }
0xc2: {  	[dreg:$0x1] =	wrdreg $0xFFFFFFFF  }
0xc3: {  	_ =	task.clear_ibuf [dreg:s8], $0x2FFFF;
	_ =	strace $0x9FFFFFFF  }
0xc4: {  	(tm) =	ssettm $0x7FFFFFFF  }
0xc5: {  	_ =	shalt  }
tec
execute0_lowered:
.L_overlay_start_1:
0x0: {  	(tag) =	ssettag $0x1  }
0x1: {  	s0 =	srdreg.scid;
	s1 =	stileid.u32  }
0x2: {  	s0 =	sand.u32 $0x1, s0;
	s1 =	sshll.u32 s1, $0x1  }
0x3: {  	s1 =	sor.u32 s0, s1  }
0x4: {  	s3 =	rddreg [dreg:$0x0];
	s6 =	smul.u32 $0xE0, s1  }
0x5: {  	s4 =	rddreg [dreg:$0x1];
	s7 =	smul.u32 $0x7000, s1  }
0x6: {  	s5 =	rddreg [dreg:$0x2];
	s2 =	simm.s32 $0x0  }
0x7: {  	[smem:$0x7FF] =	sst s2;
	s4 =	sadd.s32 s6, s4;
	s9 =	sadd.s32 s5, s7  }
0x8: {  	_ =	strace $0x80000047;
	s4 =	sadd.s32 $0xE00, s4;
	[smem:$0x7DB] =	sst s9  }
0x9: {  	s1 =	smul.u32 $0x38000, s1;
	s10 =	sadd.s32 $0x380, s9;
	[dreg:$0x4] =	wrdreg s4  }
0xa: {  	s11 =	sadd.s32 $0x700, s9;
	[dreg:$0x5] =	wrdreg s10  }
0xb: {  	s1 =	sshrl.u32 s1, $0x3;
	s12 =	sadd.s32 $0xA80, s9;
	[dreg:$0x6] =	wrdreg s11  }
0xc: {  	s13 =	sadd.s32 $0xE00, s9;
	s1 =	sadd.s32 s5, s1;
	[dreg:$0x7] =	wrdreg s12  }
0xd: {  	[dreg:$0x8] =	wrdreg s13;
	s14 =	sadd.s32 $0x1180, s1  }
0xe: {  	s15 =	sadd.s32 $0x1500, s1;
	[dreg:$0x9] =	wrdreg s14  }
0xf: {  	s16 =	sadd.s32 $0x1880, s1;
	[dreg:$0xa] =	wrdreg s15  }
0x10: {  	s17 =	sadd.s32 $0x1C00, s1;
	[dreg:$0xb] =	wrdreg s16  }
0x11: {  	s18 =	sadd.s32 $0x1F80, s1;
	[dreg:$0xc] =	wrdreg s17  }
0x12: {  	s19 =	sadd.s32 $0x2300, s1;
	[dreg:$0xd] =	wrdreg s18  }
0x13: {  	s20 =	sadd.s32 $0x2680, s1;
	[dreg:$0xe] =	wrdreg s19  }
0x14: {  	s21 =	sadd.s32 $0x2A00, s1;
	[dreg:$0xf] =	wrdreg s20  }
0x15: {  	s22 =	sadd.s32 $0x2D80, s1;
	[dreg:$0x10] =	wrdreg s21  }
0x16: {  	s23 =	sadd.s32 $0x3100, s1;
	[dreg:$0x11] =	wrdreg s22  }
0x17: {  	s24 =	sadd.s32 $0x3480, s1;
	[dreg:$0x12] =	wrdreg s23  }
0x18: {  	s25 =	sadd.s32 $0x3800, s1;
	[dreg:$0x13] =	wrdreg s24  }
0x19: {  	s26 =	sadd.s32 $0x3B80, s1;
	[dreg:$0x14] =	wrdreg s25  }
0x1a: {  	s30 =	sadd.s32 $0x3F00, s1;
	[dreg:$0x15] =	wrdreg s26  }
0x1b: {  	s5 =	sadd.s32 $0x4280, s1;
	[dreg:$0x16] =	wrdreg s30  }
0x1c: {  	s6 =	sadd.s32 $0x4600, s1;
	[dreg:$0x17] =	wrdreg s5  }
0x1d: {  	s7 =	sadd.s32 $0x4980, s1;
	[dreg:$0x18] =	wrdreg s6  }
0x1e: {  	s8 =	sadd.s32 $0x4D00, s1;
	[dreg:$0x19] =	wrdreg s7  }
0x1f: {  	s9 =	sadd.s32 $0x5080, s1;
	[dreg:$0x1a] =	wrdreg s8  }
0x20: {  	s10 =	sadd.s32 $0x5400, s1;
	[dreg:$0x1b] =	wrdreg s9  }
0x21: {  	s11 =	sadd.s32 $0x5780, s1;
	[dreg:$0x1c] =	wrdreg s10  }
0x22: {  	s12 =	sadd.s32 $0x5B00, s1;
	[dreg:$0x1d] =	wrdreg s11  }
0x23: {  	s13 =	sadd.s32 $0x5E80, s1;
	[dreg:$0x1e] =	wrdreg s12  }
0x24: {  	[dreg:$0x1f] =	wrdreg s13;
	s14 =	sadd.s32 $0x6200, s1  }
0x25: {  	s15 =	sadd.s32 $0x6580, s1;
	[smem:$0x7DC] =	sst s14  }
0x26: {  	s16 =	sadd.s32 $0x6900, s1;
	[smem:$0x7DD] =	sst s15  }
0x27: {  	s1 =	sadd.s32 $0x6C80, s1;
	[smem:$0x7DE] =	sst s16  }
0x28: {  	s17 =	simm.s32 $0x70;
	[smem:$0x7DF] =	sst s1  }
0x29: {  	s18 =	simm.s32 $0xA8;
	[smem:$0x7E0] =	sst s17  }
0x2a: {  	s19 =	simm.s32 $0xE0;
	[smem:$0x7E1] =	sst s18  }
0x2b: {  	s20 =	simm.s32 $0x118;
	[smem:$0x7E2] =	sst s19  }
0x2c: {  	s21 =	simm.s32 $0x150;
	[smem:$0x7E3] =	sst s20  }
0x2d: {  	s22 =	simm.s32 $0x188;
	[smem:$0x7E4] =	sst s21  }
0x2e: {  	s23 =	simm.s32 $0x1C0;
	[smem:$0x7E5] =	sst s22  }
0x2f: {  	s24 =	simm.s32 $0x1F8;
	[smem:$0x7E6] =	sst s23  }
0x30: {  	s25 =	simm.s32 $0x230;
	[smem:$0x7E7] =	sst s24  }
0x31: {  	s30 =	simm.s32 $0x268;
	[smem:$0x7E8] =	sst s25  }
0x32: {  	s31 =	simm.s32 $0x7700;
	s5 =	simm.s32 $0x2A0;
	[smem:$0x7E9] =	sst s30  }
0x33: {  	s29 =	simm.s32 $0x1;
	s6 =	simm.s32 $0x2D8;
	[smem:$0x7EA] =	sst s5  }
0x34: {  	s28 =	simm.s32 $0x2;
	s7 =	simm.s32 $0x310;
	[smem:$0x7EB] =	sst s6  }
0x35: {  	p0 =	por $0x0, $0x0;
	s8 =	simm.s32 $0x348;
	[smem:$0x7EC] =	sst s7  }
0x36: {  	s0 =	ssub.s32 $0x2, s0;
	s9 =	simm.s32 $0x380;
	[smem:$0x7ED] =	sst s8  }
0x37: {  	s26 =	sshrl.u32 s0, $0x1;
	s10 =	simm.s32 $0x3B8;
	[smem:$0x7EE] =	sst s9  }
0x38: {  	s13 =	simm.s32 $0x38;
	s11 =	simm.s32 $0x3F0;
	[smem:$0x7EF] =	sst s10  }
0x39: {  	s12 =	simm.s32 $0x428;
	s0 =	ssub.s32 s0, s26;
	[smem:$0x7F0] =	sst s11  }
0x3a: {  	s20 =	simm.s32 $0x2300;
	[smem:$0x7F1] =	sst s12;
	s14 =	simm.s32 $0x460  }
0x3b: {  	s15 =	simm.s32 $0x498;
	s16 =	simm.s32 $0x4D0;
	s17 =	simm.s32 $0x508  }
0x3c: {  	s18 =	simm.s32 $0x540;
	s19 =	simm.s32 $0x578;
	[smem:$0x7F2] =	sst s14  }
0x3d: {  	s21 =	simm.s32 $0x5B0;
	s1 =	simm.s32 $0x10300;
	[smem:$0x7F3] =	sst s15  }
0x3e: {  	s22 =	simm.s32 $0x5E8;
	s25 =	simm.s32 $0x3;
	[smem:$0x7F4] =	sst s16  }
0x3f: {  	s23 =	simm.s32 $0x620;
	s24 =	simm.s32 $0x658;
	[smem:$0x7F5] =	sst s17  }
0x40: {  	s26 =	simm.s32 $0x690;
	s30 =	simm.s32 $0x6C8;
	[smem:$0x7F6] =	sst s18  }
0x41: {  	s11 =	simm.s32 $0x9;
	s10 =	simm.s32 $0xA;
	[smem:$0x7F7] =	sst s19  }
0x42: {  	s9 =	simm.s32 $0xB;
	s8 =	simm.s32 $0xC;
	[smem:$0x7F8] =	sst s21  }
0x43: {  	s7 =	simm.s32 $0xD;
	s4 =	smax.u32 s0, $0x1;
	[smem:$0x7F9] =	sst s22  }
0x44: {  	s6 =	simm.s32 $0xE;
	[smem:$0x7FA] =	sst s23;
	p1 =	sne.s32 s4, $0x1  }
.Ltmp0:
0x45: {  	s5 =	simm.s32 $0xF;
	[smem:$0x7FB] =	sst s24;
	(pc) =	sbr.rel @!p1 .LBB2_3-.Ltmp0, $4  }
0x46: {  	s0 =	simm.s32 $0x11F00;
	s23 =	simm.s32 $0x4;
	[smem:$0x7FC] =	sst s26  }
0x47: {  	s24 =	simm.s32 $0x13B00;
	s21 =	simm.s32 $0x5;
	[smem:$0x7FD] =	sst s30  }
0x48: {  	s19 =	simm.s32 $0x6;
	s16 =	simm.s32 $0x7;
	s14 =	simm.s32 $0x8  }
0x49: {  	s22 =	rddreg [dreg:$0x4];
	s12 =	sadd.s32 $0xFFFFFFFF, s4;
	s4 =	simm.s32 $0x10  }
0x4a: {  	[tilespmem:s2], [sflag:$0x11] =	stream.linear.gather [hbm4b:s22+s2], $0x700, $0x38;
	[tilespmem:$0x1C700] =	vst v63  }
0x4b: {  	s6 =	simm.s32 $0x11  }
0x4c: {  	_ =	swait.ge [sflag:s6], $0x700  }
0x4d: {  	[sflag:s6] =	ssyncset.done $0x0  }
0x4e: {  	s7 =	sld [smem:$0x7E0];
	[sflag:s6] =	ssyncadd.s32 $0xFFFFF900;
	s6 =	simm.s32 $0x700  }
0x4f: {  	[tilespmem:s6], [sflag:$0x1] =	stream.indirect.gather [hbm4b:s3+s13], $0x80, s2, s13, $0xb8;
	[tilespmem:$0x1C700] =	vst v63  }
0x50: {  	s9 =	sld [smem:$0x7E1]  }
0x51: {  	[tilespmem:s20], [sflag:$0x2] =	stream.indirect.gather [hbm4b:s3+s13], $0x80, s13, s13, $0xb8;
	[tilespmem:$0x1C700] =	vst v63  }
0x52: {  	s30 =	simm.s32 $0x3F00;
	s15 =	sld [smem:$0x7E2]  }
0x53: {  	[tilespmem:s30], [sflag:$0x3] =	stream.indirect.gather [hbm4b:s3+s13], $0x80, s7, s13, $0xb8;
	[tilespmem:$0x1C700] =	vst v63  }
0x54: {  	s22 =	sld [smem:$0x7E4];
	s7 =	simm.s32 $0x5B00  }
0x55: {  	[tilespmem:s7], [sflag:$0x4] =	stream.indirect.gather [hbm4b:s3+s13], $0x80, s9, s13, $0xb8;
	[tilespmem:$0x1C700] =	vst v63  }
0x56: {  	s7 =	sld [smem:$0x7E3]  }
0x57: {  	[tilespmem:s31], [sflag:$0x5] =	stream.indirect.gather [hbm4b:s3+s13], $0x80, s15, s13, $0xb8;
	[tilespmem:$0x1C700] =	vst v63  }
0x58: {  	[smem:$0x7DA] =	sst s12;
	s15 =	simm.s32 $0x9300  }
0x59: {  	[tilespmem:s15], [sflag:$0x6] =	stream.indirect.gather [hbm4b:s3+s13], $0x80, s7, s13, $0xb8;
	[tilespmem:$0x1C700] =	vst v63  }
0x5a: {  	s12 =	simm.s32 $0xAF00;
	s20 =	sld [smem:$0x7E5]  }
0x5b: {  	[tilespmem:s12], [sflag:$0x7] =	stream.indirect.gather [hbm4b:s3+s13], $0x80, s22, s13, $0xb8;
	[tilespmem:$0x1C700] =	vst v63  }
0x5c: {  	s5 =	simm.s32 $0x1;
	s22 =	simm.s32 $0xCB00  }
0x5d: {  	[tilespmem:s22], [sflag:$0x8] =	stream.indirect.gather [hbm4b:s3+s13], $0x80, s20, s13, $0xb8;
	[tilespmem:$0x1C700] =	vst v63  }
0x5e: {  	_ =	swait.ge [sflag:s5], $0x1C00  }
0x5f: {  	[sflag:s5] =	ssyncset.done $0x0  }
0x60: {  	[sflag:s5] =	ssyncadd.s32 $0xFFFFE400;
	s5 =	sld [smem:$0x7DB];
	_ =	sdelay $0x1  }
0x61: {  	s6 =	simm.s32 $0x700;
	s20 =	sld [smem:$0x7E6]  }
0x62: {  	[hbm4b:s5+s2] =	stream.linear.scatter [tilespmem:s6], [sflag:$0x9], $0x1C00, $0x38;
	[tilespmem:$0x1C700] =	vst v63  }
0x63: {  	s29 =	simm.s32 $0x2;
	s22 =	simm.s32 $0xE700  }
0x64: {  	[tilespmem:s22], [sflag:$0x1] =	stream.indirect.gather [hbm4b:s3+s13], $0x80, s20, s13, $0xb8;
	[tilespmem:$0x1C700] =	vst v63  }
0x65: {  	_ =	swait.ge [sflag:s29], $0x1C00  }
0x66: {  	s22 =	rddreg [dreg:$0x5];
	[sflag:s29] =	ssyncset.done $0x0  }
0x67: {  	s8 =	simm.s32 $0x2300;
	s5 =	sld [smem:$0x7E7];
	[sflag:s29] =	ssyncadd.s32 $0xFFFFE400  }
0x68: {  	[hbm4b:s22+s2] =	stream.linear.scatter [tilespmem:s8], [sflag:$0xA], $0x1C00, $0x38;
	[tilespmem:$0x1C700] =	vst v63  }
0x69: {  	s28 =	simm.s32 $0x3  }
0x6a: {  	[tilespmem:s1], [sflag:$0x2] =	stream.indirect.gather [hbm4b:s3+s13], $0x80, s5, s13, $0xb8;
	[tilespmem:$0x1C700] =	vst v63  }
0x6b: {  	_ =	swait.ge [sflag:s28], $0x1C00  }
0x6c: {  	s22 =	rddreg [dreg:$0x6];
	[sflag:s28] =	ssyncset.done $0x0  }
0x6d: {  	s5 =	sld [smem:$0x7E8];
	[sflag:s28] =	ssyncadd.s32 $0xFFFFE400  }
0x6e: {  	[hbm4b:s22+s2] =	stream.linear.scatter [tilespmem:s30], [sflag:$0xB], $0x1C00, $0x38;
	[tilespmem:$0x1C700] =	vst v63  }
0x6f: {  	s25 =	simm.s32 $0x4  }
0x70: {  	[tilespmem:s0], [sflag:$0x3] =	stream.indirect.gather [hbm4b:s3+s13], $0x80, s5, s13, $0xb8;
	[tilespmem:$0x1C700] =	vst v63  }
0x71: {  	_ =	swait.ge [sflag:s25], $0x1C00  }
0x72: {  	s22 =	rddreg [dreg:$0x7];
	[sflag:s25] =	ssyncset.done $0x0  }
0x73: {  	s9 =	simm.s32 $0x5B00;
	s5 =	sld [smem:$0x7E9];
	[sflag:s25] =	ssyncadd.s32 $0xFFFFE400  }
0x74: {  	[hbm4b:s22+s2] =	stream.linear.scatter [tilespmem:s9], [sflag:$0xC], $0x1C00, $0x38;
	[tilespmem:$0x1C700] =	vst v63  }
0x75: {  	s23 =	simm.s32 $0x5  }
0x76: {  	[tilespmem:s24], [sflag:$0x4] =	stream.indirect.gather [hbm4b:s3+s13], $0x80, s5, s13, $0xb8;
	[tilespmem:$0x1C700] =	vst v63  }
0x77: {  	_ =	swait.ge [sflag:s23], $0x1C00  }
0x78: {  	s5 =	rddreg [dreg:$0x8];
	[sflag:s23] =	ssyncset.done $0x0  }
0x79: {  	s9 =	sld [smem:$0x7EA];
	[sflag:s23] =	ssyncadd.s32 $0xFFFFE400  }
0x7a: {  	[hbm4b:s5+s2] =	stream.linear.scatter [tilespmem:s31], [sflag:$0xD], $0x1C00, $0x38;
	[tilespmem:$0x1C700] =	vst v63  }
0x7b: {  	s21 =	simm.s32 $0x6;
	s20 =	simm.s32 $0x15700  }
0x7c: {  	[tilespmem:s20], [sflag:$0x5] =	stream.indirect.gather [hbm4b:s3+s13], $0x80, s9, s13, $0xb8;
	[tilespmem:$0x1C700] =	vst v63  }
0x7d: {  	_ =	swait.ge [sflag:s21], $0x1C00  }
0x7e: {  	s5 =	rddreg [dreg:$0x9];
	[sflag:s21] =	ssyncset.done $0x0  }
0x7f: {  	s15 =	simm.s32 $0x9300;
	s9 =	sld [smem:$0x7EB];
	[sflag:s21] =	ssyncadd.s32 $0xFFFFE400  }
0x80: {  	[hbm4b:s5+s2] =	stream.linear.scatter [tilespmem:s15], [sflag:$0xE], $0x1C00, $0x38;
	[tilespmem:$0x1C700] =	vst v63  }
0x81: {  	s19 =	simm.s32 $0x7;
	s20 =	simm.s32 $0x17300  }
0x82: {  	[tilespmem:s20], [sflag:$0x6] =	stream.indirect.gather [hbm4b:s3+s13], $0x80, s9, s13, $0xb8;
	[tilespmem:$0x1C700] =	vst v63  }
0x83: {  	_ =	swait.ge [sflag:s19], $0x1C00  }
0x84: {  	s5 =	rddreg [dreg:$0xa];
	[sflag:s19] =	ssyncset.done $0x0  }
0x85: {  	s7 =	simm.s32 $0xAF00;
	s9 =	sld [smem:$0x7EC];
	[sflag:s19] =	ssyncadd.s32 $0xFFFFE400  }
0x86: {  	[hbm4b:s5+s2] =	stream.linear.scatter [tilespmem:s7], [sflag:$0xF], $0x1C00, $0x38;
	[tilespmem:$0x1C700] =	vst v63  }
0x87: {  	s16 =	simm.s32 $0x8;
	s20 =	simm.s32 $0x18F00  }
0x88: {  	[tilespmem:s20], [sflag:$0x7] =	stream.indirect.gather [hbm4b:s3+s13], $0x80, s9, s13, $0xb8;
	[tilespmem:$0x1C700] =	vst v63  }
0x89: {  	_ =	swait.ge [sflag:s16], $0x1C00  }
0x8a: {  	s7 =	rddreg [dreg:$0xb];
	[sflag:s16] =	ssyncset.done $0x0  }
0x8b: {  	s12 =	simm.s32 $0xCB00;
	s9 =	sld [smem:$0x7ED];
	[sflag:s16] =	ssyncadd.s32 $0xFFFFE400  }
0x8c: {  	[hbm4b:s7+s2] =	stream.linear.scatter [tilespmem:s12], [sflag:$0x10], $0x1C00, $0x38;
	[tilespmem:$0x1C700] =	vst v63  }
0x8d: {  	s29 =	simm.s32 $0x1;
	s20 =	simm.s32 $0x1AB00  }
0x8e: {  	[tilespmem:s20], [sflag:$0x8] =	stream.indirect.gather [hbm4b:s3+s13], $0x80, s9, s13, $0xb8;
	[tilespmem:$0x1C700] =	vst v63  }
0x8f: {  	_ =	swait.ge [sflag:s29], $0x1C00  }
0x90: {  	[sflag:s29] =	ssyncset.done $0x0  }
0x91: {  	s14 =	simm.s32 $0x9;
	[sflag:s29] =	ssyncadd.s32 $0xFFFFE400  }
0x92: {  	_ =	swait.ge [sflag:s14], $0x1C00  }
0x93: {  	s7 =	rddreg [dreg:$0xc];
	[sflag:s14] =	ssyncset.done $0x0  }
0x94: {  	s9 =	simm.s32 $0xE700;
	s22 =	sld [smem:$0x7EE];
	[sflag:s14] =	ssyncadd.s32 $0xFFFFE400  }
0x95: {  	[hbm4b:s7+s2] =	stream.linear.scatter [tilespmem:s9], [sflag:$0x9], $0x1C00, $0x38;
	[tilespmem:$0x1C700] =	vst v63  }
0x96: {  	s6 =	simm.s32 $0x700;
	s28 =	simm.s32 $0x2  }
0x97: {  	[tilespmem:s6], [sflag:$0x1] =	stream.indirect.gather [hbm4b:s3+s13], $0x80, s22, s13, $0xb8;
	[tilespmem:$0x1C700] =	vst v63  }
0x98: {  	_ =	swait.ge [sflag:s28], $0x1C00  }
0x99: {  	[sflag:s28] =	ssyncset.done $0x0  }
0x9a: {  	s11 =	simm.s32 $0xA;
	[sflag:s28] =	ssyncadd.s32 $0xFFFFE400  }
0x9b: {  	_ =	swait.ge [sflag:s11], $0x1C00  }
0x9c: {  	s7 =	rddreg [dreg:$0xd];
	[sflag:s11] =	ssyncset.done $0x0  }
0x9d: {  	s9 =	sld [smem:$0x7EF];
	[sflag:s11] =	ssyncadd.s32 $0xFFFFE400  }
0x9e: {  	[hbm4b:s7+s2] =	stream.linear.scatter [tilespmem:s1], [sflag:$0xA], $0x1C00, $0x38;
	[tilespmem:$0x1C700] =	vst v63  }
0x9f: {  	s8 =	simm.s32 $0x2300;
	s25 =	simm.s32 $0x3  }
0xa0: {  	[tilespmem:s8], [sflag:$0x2] =	stream.indirect.gather [hbm4b:s3+s13], $0x80, s9, s13, $0xb8;
	[tilespmem:$0x1C700] =	vst v63  }
0xa1: {  	_ =	swait.ge [sflag:s25], $0x1C00  }
0xa2: {  	[sflag:s25] =	ssyncset.done $0x0  }
0xa3: {  	s10 =	simm.s32 $0xB;
	[sflag:s25] =	ssyncadd.s32 $0xFFFFE400  }
0xa4: {  	_ =	swait.ge [sflag:s10], $0x1C00  }
0xa5: {  	s6 =	rddreg [dreg:$0xe];
	[sflag:s10] =	ssyncset.done $0x0  }
0xa6: {  	s7 =	sld [smem:$0x7F0];
	[sflag:s10] =	ssyncadd.s32 $0xFFFFE400  }
0xa7: {  	[hbm4b:s6+s2] =	stream.linear.scatter [tilespmem:s0], [sflag:$0xB], $0x1C00, $0x38;
	[tilespmem:$0x1C700] =	vst v63  }
0xa8: {  	s23 =	simm.s32 $0x4  }
0xa9: {  	[tilespmem:s30], [sflag:$0x3] =	stream.indirect.gather [hbm4b:s3+s13], $0x80, s7, s13, $0xb8;
	[tilespmem:$0x1C700] =	vst v63  }
0xaa: {  	_ =	swait.ge [sflag:s23], $0x1C00  }
0xab: {  	[sflag:s23] =	ssyncset.done $0x0  }
0xac: {  	s17 =	simm.s32 $0xC;
	[sflag:s23] =	ssyncadd.s32 $0xFFFFE400  }
0xad: {  	_ =	swait.ge [sflag:s17], $0x1C00  }
0xae: {  	s8 =	rddreg [dreg:$0xf];
	[sflag:s17] =	ssyncset.done $0x0  }
0xaf: {  	[sflag:s17] =	ssyncadd.s32 $0xFFFFE400;
	s17 =	sld [smem:$0x7F1]  }
0xb0: {  	[hbm4b:s8+s2] =	stream.linear.scatter [tilespmem:s24], [sflag:$0xC], $0x1C00, $0x38;
	[tilespmem:$0x1C700] =	vst v63  }
0xb1: {  	s21 =	simm.s32 $0x5;
	s20 =	simm.s32 $0x5B00  }
0xb2: {  	[tilespmem:s20], [sflag:$0x4] =	stream.indirect.gather [hbm4b:s3+s13], $0x80, s17, s13, $0xb8;
	[tilespmem:$0x1C700] =	vst v63  }
0xb3: {  	_ =	swait.ge [sflag:s21], $0x1C00  }
0xb4: {  	[sflag:s21] =	ssyncset.done $0x0  }
0xb5: {  	s18 =	simm.s32 $0xD;
	[sflag:s21] =	ssyncadd.s32 $0xFFFFE400  }
0xb6: {  	_ =	swait.ge [sflag:s18], $0x1C00  }
0xb7: {  	s7 =	rddreg [dreg:$0x10];
	[sflag:s18] =	ssyncset.done $0x0  }
0xb8: {  	s17 =	sld [smem:$0x7F2];
	[sflag:s18] =	ssyncadd.s32 $0xFFFFE400;
	s18 =	simm.s32 $0x15700  }
0xb9: {  	[hbm4b:s7+s2] =	stream.linear.scatter [tilespmem:s18], [sflag:$0xD], $0x1C00, $0x38;
	[tilespmem:$0x1C700] =	vst v63  }
0xba: {  	s19 =	simm.s32 $0x6  }
0xbb: {  	[tilespmem:s31], [sflag:$0x5] =	stream.indirect.gather [hbm4b:s3+s13], $0x80, s17, s13, $0xb8;
	[tilespmem:$0x1C700] =	vst v63  }
0xbc: {  	_ =	swait.ge [sflag:s19], $0x1C00  }
0xbd: {  	[sflag:s19] =	ssyncset.done $0x0  }
0xbe: {  	s26 =	simm.s32 $0xE;
	[sflag:s19] =	ssyncadd.s32 $0xFFFFE400  }
0xbf: {  	_ =	swait.ge [sflag:s26], $0x1C00  }
0xc0: {  	s6 =	rddreg [dreg:$0x11];
	[sflag:s26] =	ssyncset.done $0x0  }
0xc1: {  	s18 =	simm.s32 $0x17300;
	s17 =	sld [smem:$0x7F3];
	[sflag:s26] =	ssyncadd.s32 $0xFFFFE400  }
0xc2: {  	[hbm4b:s6+s2] =	stream.linear.scatter [tilespmem:s18], [sflag:$0xE], $0x1C00, $0x38;
	[tilespmem:$0x1C700] =	vst v63  }
0xc3: {  	s15 =	simm.s32 $0x9300;
	s16 =	simm.s32 $0x7  }
0xc4: {  	[tilespmem:s15], [sflag:$0x6] =	stream.indirect.gather [hbm4b:s3+s13], $0x80, s17, s13, $0xb8;
	[tilespmem:$0x1C700] =	vst v63  }
0xc5: {  	_ =	swait.ge [sflag:s16], $0x1C00  }
0xc6: {  	[sflag:s16] =	ssyncset.done $0x0  }
0xc7: {  	s26 =	simm.s32 $0xF;
	[sflag:s16] =	ssyncadd.s32 $0xFFFFE400  }
0xc8: {  	s17 =	simm.s32 $0xF;
	_ =	swait.ge [sflag:s26], $0x1C00  }
0xc9: {  	s22 =	simm.s32 $0xF;
	s15 =	rddreg [dreg:$0x12];
	[sflag:s17] =	ssyncset.done $0x0  }
0xca: {  	s26 =	sld [smem:$0x7F4];
	s17 =	simm.s32 $0x18F00;
	[sflag:s22] =	ssyncadd.s32 $0xFFFFE400  }
0xcb: {  	[hbm4b:s15+s2] =	stream.linear.scatter [tilespmem:s17], [sflag:$0xF], $0x1C00, $0x38;
	[tilespmem:$0x1C700] =	vst v63  }
0xcc: {  	s14 =	simm.s32 $0x8;
	s20 =	simm.s32 $0xAF00  }
0xcd: {  	[tilespmem:s20], [sflag:$0x7] =	stream.indirect.gather [hbm4b:s3+s13], $0x80, s26, s13, $0xb8;
	[tilespmem:$0x1C700] =	vst v63  }
0xce: {  	_ =	swait.ge [sflag:s14], $0x1C00  }
0xcf: {  	[sflag:s14] =	ssyncset.done $0x0  }
0xd0: {  	[sflag:s14] =	ssyncadd.s32 $0xFFFFE400  }
0xd1: {  	_ =	swait.ge [sflag:s4], $0x1C00  }
0xd2: {  	s26 =	rddreg [dreg:$0x13];
	[sflag:s4] =	ssyncset.done $0x0  }
0xd3: {  	s5 =	simm.s32 $0x1AB00;
	s15 =	sld [smem:$0x7F5];
	[sflag:s4] =	ssyncadd.s32 $0xFFFFE400  }
0xd4: {  	[hbm4b:s26+s2] =	stream.linear.scatter [tilespmem:s5], [sflag:$0x10], $0x1C00, $0x38;
	[tilespmem:$0x1C700] =	vst v63  }
0xd5: {  	s12 =	simm.s32 $0xCB00  }
0xd6: {  	[tilespmem:s12], [sflag:$0x8] =	stream.indirect.gather [hbm4b:s3+s13], $0x80, s15, s13, $0xb8;
	[tilespmem:$0x1C700] =	vst v63  }
0xd7: {  	_ =	swait.ge [sflag:s29], $0x1C00  }
0xd8: {  	[sflag:s29] =	ssyncset.done $0x0  }
0xd9: {  	s11 =	simm.s32 $0x9;
	[sflag:s29] =	ssyncadd.s32 $0xFFFFE400  }
0xda: {  	_ =	swait.ge [sflag:s11], $0x1C00  }
0xdb: {  	s22 =	rddreg [dreg:$0x14];
	[sflag:s11] =	ssyncset.done $0x0  }
0xdc: {  	s15 =	simm.s32 $0x700;
	s26 =	sld [smem:$0x7F6];
	[sflag:s11] =	ssyncadd.s32 $0xFFFFE400  }
0xdd: {  	[hbm4b:s22+s2] =	stream.linear.scatter [tilespmem:s15], [sflag:$0x9], $0x1C00, $0x38;
	[tilespmem:$0x1C700] =	vst v63  }
0xde: {  	s20 =	simm.s32 $0xE700  }
0xdf: {  	[tilespmem:s20], [sflag:$0x1] =	stream.indirect.gather [hbm4b:s3+s13], $0x80, s26, s13, $0xb8;
	[tilespmem:$0x1C700] =	vst v63  }
0xe0: {  	_ =	swait.ge [sflag:s28], $0x1C00  }
0xe1: {  	[sflag:s28] =	ssyncset.done $0x0  }
0xe2: {  	s10 =	simm.s32 $0xA;
	[sflag:s28] =	ssyncadd.s32 $0xFFFFE400  }
0xe3: {  	_ =	swait.ge [sflag:s10], $0x1C00  }
0xe4: {  	s20 =	rddreg [dreg:$0x15];
	[sflag:s10] =	ssyncset.done $0x0  }
0xe5: {  	s26 =	simm.s32 $0x2300;
	s22 =	sld [smem:$0x7F7];
	[sflag:s10] =	ssyncadd.s32 $0xFFFFE400  }
0xe6: {  	[hbm4b:s20+s2] =	stream.linear.scatter [tilespmem:s26], [sflag:$0xA], $0x1C00, $0x38;
	[tilespmem:$0x1C700] =	vst v63  }
0xe7: {  	_ = 	snop  }
0xe8: {  	[tilespmem:s1], [sflag:$0x2] =	stream.indirect.gather [hbm4b:s3+s13], $0x80, s22, s13, $0xb8;
	[tilespmem:$0x1C700] =	vst v63  }
0xe9: {  	_ =	swait.ge [sflag:s25], $0x1C00  }
0xea: {  	[sflag:s25] =	ssyncset.done $0x0  }
0xeb: {  	s9 =	simm.s32 $0xB;
	[sflag:s25] =	ssyncadd.s32 $0xFFFFE400  }
0xec: {  	_ =	swait.ge [sflag:s9], $0x1C00  }
0xed: {  	s22 =	rddreg [dreg:$0x16];
	[sflag:s9] =	ssyncset.done $0x0  }
0xee: {  	s26 =	sld [smem:$0x7F8];
	[sflag:s9] =	ssyncadd.s32 $0xFFFFE400  }
0xef: {  	[hbm4b:s22+s2] =	stream.linear.scatter [tilespmem:s30], [sflag:$0xB], $0x1C00, $0x38;
	[tilespmem:$0x1C700] =	vst v63  }
0xf0: {  	_ = 	snop  }
0xf1: {  	[tilespmem:s0], [sflag:$0x3] =	stream.indirect.gather [hbm4b:s3+s13], $0x80, s26, s13, $0xb8;
	[tilespmem:$0x1C700] =	vst v63  }
0xf2: {  	_ =	swait.ge [sflag:s23], $0x1C00  }
0xf3: {  	[sflag:s23] =	ssyncset.done $0x0  }
0xf4: {  	s8 =	simm.s32 $0xC;
	[sflag:s23] =	ssyncadd.s32 $0xFFFFE400  }
0xf5: {  	_ =	swait.ge [sflag:s8], $0x1C00  }
0xf6: {  	s26 =	rddreg [dreg:$0x17];
	[sflag:s8] =	ssyncset.done $0x0  }
0xf7: {  	s30 =	simm.s32 $0x5B00;
	s22 =	sld [smem:$0x7F9];
	[sflag:s8] =	ssyncadd.s32 $0xFFFFE400  }
0xf8: {  	[hbm4b:s26+s2] =	stream.linear.scatter [tilespmem:s30], [sflag:$0xC], $0x1C00, $0x38;
	[tilespmem:$0x1C700] =	vst v63  }
0xf9: {  	_ = 	snop  }
0xfa: {  	[tilespmem:s24], [sflag:$0x4] =	stream.indirect.gather [hbm4b:s3+s13], $0x80, s22, s13, $0xb8;
	[tilespmem:$0x1C700] =	vst v63  }
0xfb: {  	_ =	swait.ge [sflag:s21], $0x1C00  }
0xfc: {  	[sflag:s21] =	ssyncset.done $0x0  }
0xfd: {  	s7 =	simm.s32 $0xD;
	[sflag:s21] =	ssyncadd.s32 $0xFFFFE400  }
0xfe: {  	_ =	swait.ge [sflag:s7], $0x1C00  }
0xff: {  	s26 =	rddreg [dreg:$0x18];
	[sflag:s7] =	ssyncset.done $0x0  }
0x100: {  	s30 =	sld [smem:$0x7FA];
	[sflag:s7] =	ssyncadd.s32 $0xFFFFE400  }
0x101: {  	[hbm4b:s26+s2] =	stream.linear.scatter [tilespmem:s31], [sflag:$0xD], $0x1C00, $0x38;
	[tilespmem:$0x1C700] =	vst v63  }
0x102: {  	s26 =	simm.s32 $0x15700  }
0x103: {  	[tilespmem:s26], [sflag:$0x5] =	stream.indirect.gather [hbm4b:s3+s13], $0x80, s30, s13, $0xb8;
	[tilespmem:$0x1C700] =	vst v63  }
0x104: {  	_ =	swait.ge [sflag:s19], $0x1C00  }
0x105: {  	[sflag:s19] =	ssyncset.done $0x0  }
0x106: {  	s6 =	simm.s32 $0xE;
	[sflag:s19] =	ssyncadd.s32 $0xFFFFE400  }
0x107: {  	_ =	swait.ge [sflag:s6], $0x1C00  }
0x108: {  	s22 =	rddreg [dreg:$0x19];
	[sflag:s6] =	ssyncset.done $0x0  }
0x109: {  	s18 =	simm.s32 $0x9300;
	s30 =	sld [smem:$0x7FB];
	[sflag:s6] =	ssyncadd.s32 $0xFFFFE400  }
0x10a: {  	[hbm4b:s22+s2] =	stream.linear.scatter [tilespmem:s18], [sflag:$0xE], $0x1C00, $0x38;
	[tilespmem:$0x1C700] =	vst v63  }
0x10b: {  	s18 =	simm.s32 $0x17300  }
0x10c: {  	[tilespmem:s18], [sflag:$0x6] =	stream.indirect.gather [hbm4b:s3+s13], $0x80, s30, s13, $0xb8;
	[tilespmem:$0x1C700] =	vst v63  }
0x10d: {  	_ =	swait.ge [sflag:s16], $0x1C00  }
0x10e: {  	[sflag:s16] =	ssyncset.done $0x0  }
0x10f: {  	s5 =	simm.s32 $0xF;
	[sflag:s16] =	ssyncadd.s32 $0xFFFFE400  }
0x110: {  	_ =	swait.ge [sflag:s5], $0x1C00  }
0x111: {  	s22 =	rddreg [dreg:$0x1a];
	[sflag:s5] =	ssyncset.done $0x0  }
0x112: {  	s17 =	simm.s32 $0xAF00;
	s30 =	sld [smem:$0x7FC];
	[sflag:s5] =	ssyncadd.s32 $0xFFFFE400  }
0x113: {  	[hbm4b:s22+s2] =	stream.linear.scatter [tilespmem:s17], [sflag:$0xF], $0x1C00, $0x38;
	[tilespmem:$0x1C700] =	vst v63  }
0x114: {  	s17 =	simm.s32 $0x18F00  }
0x115: {  	[tilespmem:s17], [sflag:$0x7] =	stream.indirect.gather [hbm4b:s3+s13], $0x80, s30, s13, $0xb8;
	[tilespmem:$0x1C700] =	vst v63  }
0x116: {  	_ =	swait.ge [sflag:s14], $0x1C00  }
0x117: {  	[sflag:s14] =	ssyncset.done $0x0  }
0x118: {  	[sflag:s14] =	ssyncadd.s32 $0xFFFFE400  }
0x119: {  	_ =	swait.ge [sflag:s4], $0x1C00  }
0x11a: {  	s22 =	rddreg [dreg:$0x1b];
	[sflag:s4] =	ssyncset.done $0x0  }
0x11b: {  	s12 =	simm.s32 $0xCB00;
	s30 =	sld [smem:$0x7FD];
	[sflag:s4] =	ssyncadd.s32 $0xFFFFE400  }
0x11c: {  	[hbm4b:s22+s2] =	stream.linear.scatter [tilespmem:s12], [sflag:$0x10], $0x1C00, $0x38;
	[tilespmem:$0x1C700] =	vst v63  }
0x11d: {  	s12 =	simm.s32 $0x1AB00  }
0x11e: {  	[tilespmem:s12], [sflag:$0x8] =	stream.indirect.gather [hbm4b:s3+s13], $0x80, s30, s13, $0xb8;
	[tilespmem:$0x1C700] =	vst v63  }
0x11f: {  	_ =	swait.ge [sflag:s29], $0x1C00  }
0x120: {  	[sflag:s29] =	ssyncset.done $0x0  }
0x121: {  	[sflag:s29] =	ssyncadd.s32 $0xFFFFE400  }
0x122: {  	_ =	swait.ge [sflag:s11], $0x1C00  }
0x123: {  	[sflag:s11] =	ssyncset.done $0x0  }
0x124: {  	s15 =	simm.s32 $0xE700;
	s22 =	rddreg [dreg:$0x1c];
	[sflag:s11] =	ssyncadd.s32 $0xFFFFE400  }
0x125: {  	[hbm4b:s22+s2] =	stream.linear.scatter [tilespmem:s15], [sflag:$0x9], $0x1C00, $0x38;
	[tilespmem:$0x1C700] =	vst v63  }
0x126: {  	_ =	swait.ge [sflag:s28], $0x1C00  }
0x127: {  	[sflag:s28] =	ssyncset.done $0x0  }
0x128: {  	[sflag:s28] =	ssyncadd.s32 $0xFFFFE400  }
0x129: {  	_ =	swait.ge [sflag:s10], $0x1C00  }
0x12a: {  	[sflag:s10] =	ssyncset.done $0x0  }
0x12b: {  	s30 =	rddreg [dreg:$0x1d];
	[sflag:s10] =	ssyncadd.s32 $0xFFFFE400  }
0x12c: {  	[hbm4b:s30+s2] =	stream.linear.scatter [tilespmem:s1], [sflag:$0xA], $0x1C00, $0x38;
	[tilespmem:$0x1C700] =	vst v63  }
0x12d: {  	_ =	swait.ge [sflag:s25], $0x1C00  }
0x12e: {  	[sflag:s25] =	ssyncset.done $0x0  }
0x12f: {  	[sflag:s25] =	ssyncadd.s32 $0xFFFFE400  }
0x130: {  	_ =	swait.ge [sflag:s9], $0x1C00  }
0x131: {  	[sflag:s9] =	ssyncset.done $0x0  }
0x132: {  	s15 =	rddreg [dreg:$0x1e];
	[sflag:s9] =	ssyncadd.s32 $0xFFFFE400  }
0x133: {  	[hbm4b:s15+s2] =	stream.linear.scatter [tilespmem:s0], [sflag:$0xB], $0x1C00, $0x38;
	[tilespmem:$0x1C700] =	vst v63  }
0x134: {  	_ =	swait.ge [sflag:s23], $0x1C00  }
0x135: {  	[sflag:s23] =	ssyncset.done $0x0  }
0x136: {  	[sflag:s23] =	ssyncadd.s32 $0xFFFFE400  }
0x137: {  	_ =	swait.ge [sflag:s8], $0x1C00  }
0x138: {  	[sflag:s8] =	ssyncset.done $0x0  }
0x139: {  	s22 =	rddreg [dreg:$0x1f];
	[sflag:s8] =	ssyncadd.s32 $0xFFFFE400  }
0x13a: {  	[hbm4b:s22+s2] =	stream.linear.scatter [tilespmem:s24], [sflag:$0xC], $0x1C00, $0x38;
	[tilespmem:$0x1C700] =	vst v63  }
0x13b: {  	_ =	swait.ge [sflag:s21], $0x1C00  }
0x13c: {  	[sflag:s21] =	ssyncset.done $0x0  }
0x13d: {  	[sflag:s21] =	ssyncadd.s32 $0xFFFFE400  }
0x13e: {  	_ =	swait.ge [sflag:s7], $0x1C00  }
0x13f: {  	s30 =	sld [smem:$0x7DC]  }
0x140: {  	[sflag:s7] =	ssyncset.done $0x0  }
0x141: {  	[sflag:s7] =	ssyncadd.s32 $0xFFFFE400  }
0x142: {  	[hbm4b:s30+s2] =	stream.linear.scatter [tilespmem:s26], [sflag:$0xD], $0x1C00, $0x38;
	[tilespmem:$0x1C700] =	vst v63  }
0x143: {  	_ =	swait.ge [sflag:s19], $0x1C00  }
0x144: {  	[sflag:s19] =	ssyncset.done $0x0  }
0x145: {  	[sflag:s19] =	ssyncadd.s32 $0xFFFFE400  }
0x146: {  	_ =	swait.ge [sflag:s6], $0x1C00  }
0x147: {  	s15 =	sld [smem:$0x7DD]  }
0x148: {  	[sflag:s6] =	ssyncset.done $0x0  }
0x149: {  	[sflag:s6] =	ssyncadd.s32 $0xFFFFE400  }
0x14a: {  	[hbm4b:s15+s2] =	stream.linear.scatter [tilespmem:s18], [sflag:$0xE], $0x1C00, $0x38;
	[tilespmem:$0x1C700] =	vst v63  }
0x14b: {  	_ =	swait.ge [sflag:s16], $0x1C00  }
0x14c: {  	[sflag:s16] =	ssyncset.done $0x0  }
0x14d: {  	[sflag:s16] =	ssyncadd.s32 $0xFFFFE400  }
0x14e: {  	_ =	swait.ge [sflag:s5], $0x1C00  }
0x14f: {  	s22 =	sld [smem:$0x7DE]  }
0x150: {  	[sflag:s5] =	ssyncset.done $0x0  }
0x151: {  	[sflag:s5] =	ssyncadd.s32 $0xFFFFE400  }
0x152: {  	[hbm4b:s22+s2] =	stream.linear.scatter [tilespmem:s17], [sflag:$0xF], $0x1C00, $0x38;
	[tilespmem:$0x1C700] =	vst v63  }
0x153: {  	_ =	swait.ge [sflag:s14], $0x1C00  }
0x154: {  	[sflag:s14] =	ssyncset.done $0x0  }
0x155: {  	[sflag:s14] =	ssyncadd.s32 $0xFFFFE400  }
0x156: {  	_ =	swait.ge [sflag:s4], $0x1C00  }
0x157: {  	s26 =	sld [smem:$0x7DF]  }
0x158: {  	[sflag:s4] =	ssyncset.done $0x0  }
0x159: {  	[sflag:s4] =	ssyncadd.s32 $0xFFFFE400  }
0x15a: {  	[hbm4b:s26+s2] =	stream.linear.scatter [tilespmem:s12], [sflag:$0x10], $0x1C00, $0x38;
	[tilespmem:$0x1C700] =	vst v63  }
0x15b: {  	_ =	swait.ge [sflag:s11], $0x1C00  }
0x15c: {  	[sflag:s11] =	ssyncset.done $0x0  }
0x15d: {  	[sflag:s11] =	ssyncadd.s32 $0xFFFFE400  }
0x15e: {  	_ =	swait.ge [sflag:s10], $0x1C00  }
0x15f: {  	[sflag:s10] =	ssyncset.done $0x0  }
0x160: {  	[sflag:s10] =	ssyncadd.s32 $0xFFFFE400  }
0x161: {  	_ =	swait.ge [sflag:s9], $0x1C00  }
0x162: {  	[sflag:s9] =	ssyncset.done $0x0  }
0x163: {  	[sflag:s9] =	ssyncadd.s32 $0xFFFFE400  }
0x164: {  	_ =	swait.ge [sflag:s8], $0x1C00  }
0x165: {  	[sflag:s8] =	ssyncset.done $0x0  }
0x166: {  	[sflag:s8] =	ssyncadd.s32 $0xFFFFE400  }
0x167: {  	_ =	swait.ge [sflag:s7], $0x1C00  }
0x168: {  	[sflag:s7] =	ssyncset.done $0x0  }
0x169: {  	[sflag:s7] =	ssyncadd.s32 $0xFFFFE400  }
0x16a: {  	_ =	swait.ge [sflag:s6], $0x1C00  }
0x16b: {  	[sflag:s6] =	ssyncset.done $0x0  }
0x16c: {  	[sflag:s6] =	ssyncadd.s32 $0xFFFFE400  }
0x16d: {  	_ =	swait.ge [sflag:s5], $0x1C00  }
0x16e: {  	s30 =	sld [smem:$0x7DA];
	_ =	sdelay $0x2  }
0x16f: {  	p1 =	sne.s32 s30, $0x1  }
.Ltmp1:
0x170: {  	_ = 	snop;
	(pc) =	sbr.rel @!p1 .LBB2_3-.Ltmp1, $4  }
0x171: {  	[sflag:s5] =	ssyncset.done $0x0  }
0x172: {  	[sflag:s5] =	ssyncadd.s32 $0xFFFFE400  }
0x173: {  	p0 =	por $0x1, $0x1;
	_ =	swait.ge [sflag:s4], $0x1C00  }
0x174: {  	s20 =	sadd.s32 $0xFFFFFFFF, s30;
	s22 =	rddreg [dreg:$0x4];
	[sflag:s4] =	ssyncset.done $0x0  }
.LBB2_2:
0x175: {  	[sflag:s4] =	ssyncadd.s32 $0xFFFFE400;
	s0 =	simm.s32 $0x11  }
0x176: {  	[tilespmem:s2], [sflag:$0x11] =	stream.linear.gather [hbm4b:s22+s2], $0x700, $0x38;
	[tilespmem:$0x1C700] =	vst v63  }
0x177: {  	_ =	swait.ge [sflag:s0], $0x700  }
0x178: {  	[sflag:s0] =	ssyncset.done $0x0  }
0x179: {  	s5 =	simm.s32 $0x700;
	[sflag:s0] =	ssyncadd.s32 $0xFFFFF900  }
0x17a: {  	[tilespmem:s5], [sflag:$0x1] =	stream.indirect.gather [hbm4b:s3+s13], $0x80, s2, s13, $0xb8;
	[tilespmem:$0x1C700] =	vst v63  }
0x17b: {  	s1 =	simm.s32 $0x2300;
	s17 =	sld [smem:$0x7E0]  }
0x17c: {  	[tilespmem:s1], [sflag:$0x2] =	stream.indirect.gather [hbm4b:s3+s13], $0x80, s13, s13, $0xb8;
	[tilespmem:$0x1C700] =	vst v63  }
0x17d: {  	s4 =	simm.s32 $0x3F00;
	s24 =	sld [smem:$0x7E1]  }
0x17e: {  	[tilespmem:s4], [sflag:$0x3] =	stream.indirect.gather [hbm4b:s3+s13], $0x80, s17, s13, $0xb8;
	[tilespmem:$0x1C700] =	vst v63  }
0x17f: {  	s26 =	simm.s32 $0x5B00;
	s15 =	sld [smem:$0x7E2]  }
0x180: {  	[tilespmem:s26], [sflag:$0x4] =	stream.indirect.gather [hbm4b:s3+s13], $0x80, s24, s13, $0xb8;
	[tilespmem:$0x1C700] =	vst v63  }
0x181: {  	s30 =	simm.s32 $0x7700;
	s17 =	sld [smem:$0x7E3]  }
0x182: {  	[tilespmem:s30], [sflag:$0x5] =	stream.indirect.gather [hbm4b:s3+s13], $0x80, s15, s13, $0xb8;
	[tilespmem:$0x1C700] =	vst v63  }
0x183: {  	s31 =	simm.s32 $0x9300;
	s15 =	sld [smem:$0x7E4]  }
0x184: {  	[tilespmem:s31], [sflag:$0x6] =	stream.indirect.gather [hbm4b:s3+s13], $0x80, s17, s13, $0xb8;
	[tilespmem:$0x1C700] =	vst v63  }
0x185: {  	s12 =	simm.s32 $0xAF00;
	s17 =	sld [smem:$0x7E5]  }
0x186: {  	[tilespmem:s12], [sflag:$0x7] =	stream.indirect.gather [hbm4b:s3+s13], $0x80, s15, s13, $0xb8;
	[tilespmem:$0x1C700] =	vst v63  }
0x187: {  	s18 =	simm.s32 $0xCB00;
	s0 =	simm.s32 $0x1  }
0x188: {  	[tilespmem:s18], [sflag:$0x8] =	stream.indirect.gather [hbm4b:s3+s13], $0x80, s17, s13, $0xb8;
	[tilespmem:$0x1C700] =	vst v63  }
0x189: {  	_ =	swait.ge [sflag:s0], $0x1C00  }
0x18a: {  	s17 =	sld [smem:$0x7DB]  }
0x18b: {  	[sflag:s0] =	ssyncset.done $0x0  }
0x18c: {  	s15 =	sld [smem:$0x7E6];
	[sflag:s0] =	ssyncadd.s32 $0xFFFFE400  }
0x18d: {  	[hbm4b:s17+s2] =	stream.linear.scatter [tilespmem:s5], [sflag:$0x9], $0x1C00, $0x38;
	[tilespmem:$0x1C700] =	vst v63  }
0x18e: {  	s29 =	simm.s32 $0x2;
	s24 =	simm.s32 $0xE700  }
0x18f: {  	[tilespmem:s24], [sflag:$0x1] =	stream.indirect.gather [hbm4b:s3+s13], $0x80, s15, s13, $0xb8;
	[tilespmem:$0x1C700] =	vst v63  }
0x190: {  	_ =	swait.ge [sflag:s29], $0x1C00  }
0x191: {  	s15 =	rddreg [dreg:$0x5];
	[sflag:s29] =	ssyncset.done $0x0  }
0x192: {  	s17 =	sld [smem:$0x7E7];
	[sflag:s29] =	ssyncadd.s32 $0xFFFFE400  }
0x193: {  	[hbm4b:s15+s2] =	stream.linear.scatter [tilespmem:s1], [sflag:$0xA], $0x1C00, $0x38;
	[tilespmem:$0x1C700] =	vst v63  }
0x194: {  	s28 =	simm.s32 $0x3;
	s22 =	simm.s32 $0x10300  }
0x195: {  	[tilespmem:s22], [sflag:$0x2] =	stream.indirect.gather [hbm4b:s3+s13], $0x80, s17, s13, $0xb8;
	[tilespmem:$0x1C700] =	vst v63  }
0x196: {  	_ =	swait.ge [sflag:s28], $0x1C00  }
0x197: {  	s15 =	rddreg [dreg:$0x6];
	[sflag:s28] =	ssyncset.done $0x0  }
0x198: {  	s17 =	sld [smem:$0x7E8];
	[sflag:s28] =	ssyncadd.s32 $0xFFFFE400  }
0x199: {  	[hbm4b:s15+s2] =	stream.linear.scatter [tilespmem:s4], [sflag:$0xB], $0x1C00, $0x38;
	[tilespmem:$0x1C700] =	vst v63  }
0x19a: {  	s25 =	simm.s32 $0x4;
	s22 =	simm.s32 $0x11F00  }
0x19b: {  	[tilespmem:s22], [sflag:$0x3] =	stream.indirect.gather [hbm4b:s3+s13], $0x80, s17, s13, $0xb8;
	[tilespmem:$0x1C700] =	vst v63  }
0x19c: {  	_ =	swait.ge [sflag:s25], $0x1C00  }
0x19d: {  	s15 =	rddreg [dreg:$0x7];
	[sflag:s25] =	ssyncset.done $0x0  }
0x19e: {  	s17 =	sld [smem:$0x7E9];
	[sflag:s25] =	ssyncadd.s32 $0xFFFFE400  }
0x19f: {  	[hbm4b:s15+s2] =	stream.linear.scatter [tilespmem:s26], [sflag:$0xC], $0x1C00, $0x38;
	[tilespmem:$0x1C700] =	vst v63  }
0x1a0: {  	s23 =	simm.s32 $0x5;
	s22 =	simm.s32 $0x13B00  }
0x1a1: {  	[tilespmem:s22], [sflag:$0x4] =	stream.indirect.gather [hbm4b:s3+s13], $0x80, s17, s13, $0xb8;
	[tilespmem:$0x1C700] =	vst v63  }
0x1a2: {  	_ =	swait.ge [sflag:s23], $0x1C00  }
0x1a3: {  	s15 =	rddreg [dreg:$0x8];
	[sflag:s23] =	ssyncset.done $0x0  }
0x1a4: {  	s17 =	sld [smem:$0x7EA];
	[sflag:s23] =	ssyncadd.s32 $0xFFFFE400  }
0x1a5: {  	[hbm4b:s15+s2] =	stream.linear.scatter [tilespmem:s30], [sflag:$0xD], $0x1C00, $0x38;
	[tilespmem:$0x1C700] =	vst v63  }
0x1a6: {  	s21 =	simm.s32 $0x6;
	s22 =	simm.s32 $0x15700  }
0x1a7: {  	[tilespmem:s22], [sflag:$0x5] =	stream.indirect.gather [hbm4b:s3+s13], $0x80, s17, s13, $0xb8;
	[tilespmem:$0x1C700] =	vst v63  }
0x1a8: {  	_ =	swait.ge [sflag:s21], $0x1C00  }
0x1a9: {  	s0 =	rddreg [dreg:$0x9];
	[sflag:s21] =	ssyncset.done $0x0  }
0x1aa: {  	s17 =	sld [smem:$0x7EB];
	[sflag:s21] =	ssyncadd.s32 $0xFFFFE400  }
0x1ab: {  	[hbm4b:s0+s2] =	stream.linear.scatter [tilespmem:s31], [sflag:$0xE], $0x1C00, $0x38;
	[tilespmem:$0x1C700] =	vst v63  }
0x1ac: {  	s19 =	simm.s32 $0x7;
	s22 =	simm.s32 $0x17300  }
0x1ad: {  	[tilespmem:s22], [sflag:$0x6] =	stream.indirect.gather [hbm4b:s3+s13], $0x80, s17, s13, $0xb8;
	[tilespmem:$0x1C700] =	vst v63  }
0x1ae: {  	_ =	swait.ge [sflag:s19], $0x1C00  }
0x1af: {  	s0 =	rddreg [dreg:$0xa];
	[sflag:s19] =	ssyncset.done $0x0  }
0x1b0: {  	s17 =	sld [smem:$0x7EC];
	[sflag:s19] =	ssyncadd.s32 $0xFFFFE400  }
0x1b1: {  	[hbm4b:s0+s2] =	stream.linear.scatter [tilespmem:s12], [sflag:$0xF], $0x1C00, $0x38;
	[tilespmem:$0x1C700] =	vst v63  }
0x1b2: {  	s16 =	simm.s32 $0x8;
	s22 =	simm.s32 $0x18F00  }
0x1b3: {  	[tilespmem:s22], [sflag:$0x7] =	stream.indirect.gather [hbm4b:s3+s13], $0x80, s17, s13, $0xb8;
	[tilespmem:$0x1C700] =	vst v63  }
0x1b4: {  	_ =	swait.ge [sflag:s16], $0x1C00  }
0x1b5: {  	s0 =	rddreg [dreg:$0xb];
	[sflag:s16] =	ssyncset.done $0x0  }
0x1b6: {  	s17 =	sld [smem:$0x7ED];
	[sflag:s16] =	ssyncadd.s32 $0xFFFFE400  }
0x1b7: {  	[hbm4b:s0+s2] =	stream.linear.scatter [tilespmem:s18], [sflag:$0x10], $0x1C00, $0x38;
	[tilespmem:$0x1C700] =	vst v63  }
0x1b8: {  	s29 =	simm.s32 $0x1;
	s22 =	simm.s32 $0x1AB00  }
0x1b9: {  	[tilespmem:s22], [sflag:$0x8] =	stream.indirect.gather [hbm4b:s3+s13], $0x80, s17, s13, $0xb8;
	[tilespmem:$0x1C700] =	vst v63  }
0x1ba: {  	_ =	swait.ge [sflag:s29], $0x1C00  }
0x1bb: {  	[sflag:s29] =	ssyncset.done $0x0  }
0x1bc: {  	s14 =	simm.s32 $0x9;
	[sflag:s29] =	ssyncadd.s32 $0xFFFFE400  }
0x1bd: {  	_ =	swait.ge [sflag:s14], $0x1C00  }
0x1be: {  	s0 =	rddreg [dreg:$0xc];
	[sflag:s14] =	ssyncset.done $0x0  }
0x1bf: {  	s17 =	simm.s32 $0xE700;
	s24 =	sld [smem:$0x7EE];
	[sflag:s14] =	ssyncadd.s32 $0xFFFFE400  }
0x1c0: {  	[hbm4b:s0+s2] =	stream.linear.scatter [tilespmem:s17], [sflag:$0x9], $0x1C00, $0x38;
	[tilespmem:$0x1C700] =	vst v63  }
0x1c1: {  	s28 =	simm.s32 $0x2  }
0x1c2: {  	[tilespmem:s5], [sflag:$0x1] =	stream.indirect.gather [hbm4b:s3+s13], $0x80, s24, s13, $0xb8;
	[tilespmem:$0x1C700] =	vst v63  }
0x1c3: {  	_ =	swait.ge [sflag:s28], $0x1C00  }
0x1c4: {  	[sflag:s28] =	ssyncset.done $0x0  }
0x1c5: {  	s11 =	simm.s32 $0xA;
	[sflag:s28] =	ssyncadd.s32 $0xFFFFE400  }
0x1c6: {  	_ =	swait.ge [sflag:s11], $0x1C00  }
0x1c7: {  	s0 =	rddreg [dreg:$0xd];
	[sflag:s11] =	ssyncset.done $0x0  }
0x1c8: {  	s17 =	simm.s32 $0x10300;
	s24 =	sld [smem:$0x7EF];
	[sflag:s11] =	ssyncadd.s32 $0xFFFFE400  }
0x1c9: {  	[hbm4b:s0+s2] =	stream.linear.scatter [tilespmem:s17], [sflag:$0xA], $0x1C00, $0x38;
	[tilespmem:$0x1C700] =	vst v63  }
0x1ca: {  	s25 =	simm.s32 $0x3  }
0x1cb: {  	[tilespmem:s1], [sflag:$0x2] =	stream.indirect.gather [hbm4b:s3+s13], $0x80, s24, s13, $0xb8;
	[tilespmem:$0x1C700] =	vst v63  }
0x1cc: {  	_ =	swait.ge [sflag:s25], $0x1C00  }
0x1cd: {  	[sflag:s25] =	ssyncset.done $0x0  }
0x1ce: {  	s10 =	simm.s32 $0xB;
	[sflag:s25] =	ssyncadd.s32 $0xFFFFE400  }
0x1cf: {  	_ =	swait.ge [sflag:s10], $0x1C00  }
0x1d0: {  	s0 =	rddreg [dreg:$0xe];
	[sflag:s10] =	ssyncset.done $0x0  }
0x1d1: {  	s17 =	simm.s32 $0x11F00;
	s24 =	sld [smem:$0x7F0];
	[sflag:s10] =	ssyncadd.s32 $0xFFFFE400  }
0x1d2: {  	[hbm4b:s0+s2] =	stream.linear.scatter [tilespmem:s17], [sflag:$0xB], $0x1C00, $0x38;
	[tilespmem:$0x1C700] =	vst v63  }
0x1d3: {  	s23 =	simm.s32 $0x4  }
0x1d4: {  	[tilespmem:s4], [sflag:$0x3] =	stream.indirect.gather [hbm4b:s3+s13], $0x80, s24, s13, $0xb8;
	[tilespmem:$0x1C700] =	vst v63  }
0x1d5: {  	_ =	swait.ge [sflag:s23], $0x1C00  }
0x1d6: {  	[sflag:s23] =	ssyncset.done $0x0  }
0x1d7: {  	s9 =	simm.s32 $0xC;
	[sflag:s23] =	ssyncadd.s32 $0xFFFFE400  }
0x1d8: {  	_ =	swait.ge [sflag:s9], $0x1C00  }
0x1d9: {  	s0 =	rddreg [dreg:$0xf];
	[sflag:s9] =	ssyncset.done $0x0  }
0x1da: {  	s17 =	simm.s32 $0x13B00;
	s24 =	sld [smem:$0x7F1];
	[sflag:s9] =	ssyncadd.s32 $0xFFFFE400  }
0x1db: {  	[hbm4b:s0+s2] =	stream.linear.scatter [tilespmem:s17], [sflag:$0xC], $0x1C00, $0x38;
	[tilespmem:$0x1C700] =	vst v63  }
0x1dc: {  	s21 =	simm.s32 $0x5  }
0x1dd: {  	[tilespmem:s26], [sflag:$0x4] =	stream.indirect.gather [hbm4b:s3+s13], $0x80, s24, s13, $0xb8;
	[tilespmem:$0x1C700] =	vst v63  }
0x1de: {  	_ =	swait.ge [sflag:s21], $0x1C00  }
0x1df: {  	[sflag:s21] =	ssyncset.done $0x0  }
0x1e0: {  	s8 =	simm.s32 $0xD;
	[sflag:s21] =	ssyncadd.s32 $0xFFFFE400  }
0x1e1: {  	_ =	swait.ge [sflag:s8], $0x1C00  }
0x1e2: {  	s26 =	rddreg [dreg:$0x10];
	[sflag:s8] =	ssyncset.done $0x0  }
0x1e3: {  	s15 =	simm.s32 $0x15700;
	s17 =	sld [smem:$0x7F2];
	[sflag:s8] =	ssyncadd.s32 $0xFFFFE400  }
0x1e4: {  	[hbm4b:s26+s2] =	stream.linear.scatter [tilespmem:s15], [sflag:$0xD], $0x1C00, $0x38;
	[tilespmem:$0x1C700] =	vst v63  }
0x1e5: {  	s19 =	simm.s32 $0x6  }
0x1e6: {  	[tilespmem:s30], [sflag:$0x5] =	stream.indirect.gather [hbm4b:s3+s13], $0x80, s17, s13, $0xb8;
	[tilespmem:$0x1C700] =	vst v63  }
0x1e7: {  	_ =	swait.ge [sflag:s19], $0x1C00  }
0x1e8: {  	[sflag:s19] =	ssyncset.done $0x0  }
0x1e9: {  	s7 =	simm.s32 $0xE;
	[sflag:s19] =	ssyncadd.s32 $0xFFFFE400  }
0x1ea: {  	_ =	swait.ge [sflag:s7], $0x1C00  }
0x1eb: {  	s24 =	rddreg [dreg:$0x11];
	[sflag:s7] =	ssyncset.done $0x0  }
0x1ec: {  	s30 =	simm.s32 $0x17300;
	s26 =	sld [smem:$0x7F3];
	[sflag:s7] =	ssyncadd.s32 $0xFFFFE400  }
0x1ed: {  	[hbm4b:s24+s2] =	stream.linear.scatter [tilespmem:s30], [sflag:$0xE], $0x1C00, $0x38;
	[tilespmem:$0x1C700] =	vst v63  }
0x1ee: {  	s16 =	simm.s32 $0x7  }
0x1ef: {  	[tilespmem:s31], [sflag:$0x6] =	stream.indirect.gather [hbm4b:s3+s13], $0x80, s26, s13, $0xb8;
	[tilespmem:$0x1C700] =	vst v63  }
0x1f0: {  	_ =	swait.ge [sflag:s16], $0x1C00  }
0x1f1: {  	[sflag:s16] =	ssyncset.done $0x0  }
0x1f2: {  	s6 =	simm.s32 $0xF;
	[sflag:s16] =	ssyncadd.s32 $0xFFFFE400  }
0x1f3: {  	_ =	swait.ge [sflag:s6], $0x1C00  }
0x1f4: {  	s24 =	rddreg [dreg:$0x12];
	[sflag:s6] =	ssyncset.done $0x0  }
0x1f5: {  	s30 =	simm.s32 $0x18F00;
	s26 =	sld [smem:$0x7F4];
	[sflag:s6] =	ssyncadd.s32 $0xFFFFE400  }
0x1f6: {  	[hbm4b:s24+s2] =	stream.linear.scatter [tilespmem:s30], [sflag:$0xF], $0x1C00, $0x38;
	[tilespmem:$0x1C700] =	vst v63  }
0x1f7: {  	s14 =	simm.s32 $0x8  }
0x1f8: {  	[tilespmem:s12], [sflag:$0x7] =	stream.indirect.gather [hbm4b:s3+s13], $0x80, s26, s13, $0xb8;
	[tilespmem:$0x1C700] =	vst v63  }
0x1f9: {  	_ =	swait.ge [sflag:s14], $0x1C00  }
0x1fa: {  	[sflag:s14] =	ssyncset.done $0x0  }
0x1fb: {  	s4 =	simm.s32 $0x10;
	[sflag:s14] =	ssyncadd.s32 $0xFFFFE400  }
0x1fc: {  	_ =	swait.ge [sflag:s4], $0x1C00  }
0x1fd: {  	s12 =	rddreg [dreg:$0x13];
	[sflag:s4] =	ssyncset.done $0x0  }
0x1fe: {  	s30 =	simm.s32 $0x1AB00;
	s15 =	sld [smem:$0x7F5];
	[sflag:s4] =	ssyncadd.s32 $0xFFFFE400  }
0x1ff: {  	[hbm4b:s12+s2] =	stream.linear.scatter [tilespmem:s30], [sflag:$0x10], $0x1C00, $0x38;
	[tilespmem:$0x1C700] =	vst v63  }
0x200: {  	_ = 	snop  }
0x201: {  	[tilespmem:s18], [sflag:$0x8] =	stream.indirect.gather [hbm4b:s3+s13], $0x80, s15, s13, $0xb8;
	[tilespmem:$0x1C700] =	vst v63  }
0x202: {  	_ =	swait.ge [sflag:s29], $0x1C00  }
0x203: {  	[sflag:s29] =	ssyncset.done $0x0  }
0x204: {  	s11 =	simm.s32 $0x9;
	[sflag:s29] =	ssyncadd.s32 $0xFFFFE400  }
0x205: {  	_ =	swait.ge [sflag:s11], $0x1C00  }
0x206: {  	s15 =	rddreg [dreg:$0x14];
	[sflag:s11] =	ssyncset.done $0x0  }
0x207: {  	s18 =	sld [smem:$0x7F6];
	[sflag:s11] =	ssyncadd.s32 $0xFFFFE400  }
0x208: {  	[hbm4b:s15+s2] =	stream.linear.scatter [tilespmem:s5], [sflag:$0x9], $0x1C00, $0x38;
	[tilespmem:$0x1C700] =	vst v63  }
0x209: {  	s22 =	simm.s32 $0xE700  }
0x20a: {  	[tilespmem:s22], [sflag:$0x1] =	stream.indirect.gather [hbm4b:s3+s13], $0x80, s18, s13, $0xb8;
	[tilespmem:$0x1C700] =	vst v63  }
0x20b: {  	_ =	swait.ge [sflag:s28], $0x1C00  }
0x20c: {  	[sflag:s28] =	ssyncset.done $0x0  }
0x20d: {  	s10 =	simm.s32 $0xA;
	[sflag:s28] =	ssyncadd.s32 $0xFFFFE400  }
0x20e: {  	_ =	swait.ge [sflag:s10], $0x1C00  }
0x20f: {  	s30 =	rddreg [dreg:$0x15];
	[sflag:s10] =	ssyncset.done $0x0  }
0x210: {  	s18 =	sld [smem:$0x7F7];
	[sflag:s10] =	ssyncadd.s32 $0xFFFFE400  }
0x211: {  	[hbm4b:s30+s2] =	stream.linear.scatter [tilespmem:s1], [sflag:$0xA], $0x1C00, $0x38;
	[tilespmem:$0x1C700] =	vst v63  }
0x212: {  	s30 =	simm.s32 $0x10300  }
0x213: {  	[tilespmem:s30], [sflag:$0x2] =	stream.indirect.gather [hbm4b:s3+s13], $0x80, s18, s13, $0xb8;
	[tilespmem:$0x1C700] =	vst v63  }
0x214: {  	_ =	swait.ge [sflag:s25], $0x1C00  }
0x215: {  	[sflag:s25] =	ssyncset.done $0x0  }
0x216: {  	s9 =	simm.s32 $0xB;
	[sflag:s25] =	ssyncadd.s32 $0xFFFFE400  }
0x217: {  	_ =	swait.ge [sflag:s9], $0x1C00  }
0x218: {  	s1 =	rddreg [dreg:$0x16];
	[sflag:s9] =	ssyncset.done $0x0  }
0x219: {  	s0 =	simm.s32 $0x3F00;
	s18 =	sld [smem:$0x7F8];
	[sflag:s9] =	ssyncadd.s32 $0xFFFFE400  }
0x21a: {  	[hbm4b:s1+s2] =	stream.linear.scatter [tilespmem:s0], [sflag:$0xB], $0x1C00, $0x38;
	[tilespmem:$0x1C700] =	vst v63  }
0x21b: {  	s22 =	simm.s32 $0x11F00  }
0x21c: {  	[tilespmem:s22], [sflag:$0x3] =	stream.indirect.gather [hbm4b:s3+s13], $0x80, s18, s13, $0xb8;
	[tilespmem:$0x1C700] =	vst v63  }
0x21d: {  	_ =	swait.ge [sflag:s23], $0x1C00  }
0x21e: {  	[sflag:s23] =	ssyncset.done $0x0  }
0x21f: {  	s8 =	simm.s32 $0xC;
	[sflag:s23] =	ssyncadd.s32 $0xFFFFE400  }
0x220: {  	_ =	swait.ge [sflag:s8], $0x1C00  }
0x221: {  	s0 =	rddreg [dreg:$0x17];
	[sflag:s8] =	ssyncset.done $0x0  }
0x222: {  	s17 =	simm.s32 $0x5B00;
	s18 =	sld [smem:$0x7F9];
	[sflag:s8] =	ssyncadd.s32 $0xFFFFE400  }
0x223: {  	[hbm4b:s0+s2] =	stream.linear.scatter [tilespmem:s17], [sflag:$0xC], $0x1C00, $0x38;
	[tilespmem:$0x1C700] =	vst v63  }
0x224: {  	s22 =	simm.s32 $0x13B00  }
0x225: {  	[tilespmem:s22], [sflag:$0x4] =	stream.indirect.gather [hbm4b:s3+s13], $0x80, s18, s13, $0xb8;
	[tilespmem:$0x1C700] =	vst v63  }
0x226: {  	_ =	swait.ge [sflag:s21], $0x1C00  }
0x227: {  	[sflag:s21] =	ssyncset.done $0x0  }
0x228: {  	s7 =	simm.s32 $0xD;
	[sflag:s21] =	ssyncadd.s32 $0xFFFFE400  }
0x229: {  	_ =	swait.ge [sflag:s7], $0x1C00  }
0x22a: {  	s17 =	rddreg [dreg:$0x18];
	[sflag:s7] =	ssyncset.done $0x0  }
0x22b: {  	s31 =	simm.s32 $0x7700;
	s18 =	sld [smem:$0x7FA];
	[sflag:s7] =	ssyncadd.s32 $0xFFFFE400  }
0x22c: {  	[hbm4b:s17+s2] =	stream.linear.scatter [tilespmem:s31], [sflag:$0xD], $0x1C00, $0x38;
	[tilespmem:$0x1C700] =	vst v63  }
0x22d: {  	s17 =	simm.s32 $0x15700  }
0x22e: {  	[tilespmem:s17], [sflag:$0x5] =	stream.indirect.gather [hbm4b:s3+s13], $0x80, s18, s13, $0xb8;
	[tilespmem:$0x1C700] =	vst v63  }
0x22f: {  	_ =	swait.ge [sflag:s19], $0x1C00  }
0x230: {  	[sflag:s19] =	ssyncset.done $0x0  }
0x231: {  	s6 =	simm.s32 $0xE;
	[sflag:s19] =	ssyncadd.s32 $0xFFFFE400  }
0x232: {  	_ =	swait.ge [sflag:s6], $0x1C00  }
0x233: {  	s18 =	rddreg [dreg:$0x19];
	[sflag:s6] =	ssyncset.done $0x0  }
0x234: {  	s26 =	simm.s32 $0x9300;
	s24 =	sld [smem:$0x7FB];
	[sflag:s6] =	ssyncadd.s32 $0xFFFFE400  }
0x235: {  	[hbm4b:s18+s2] =	stream.linear.scatter [tilespmem:s26], [sflag:$0xE], $0x1C00, $0x38;
	[tilespmem:$0x1C700] =	vst v63  }
0x236: {  	s18 =	simm.s32 $0x17300  }
0x237: {  	[tilespmem:s18], [sflag:$0x6] =	stream.indirect.gather [hbm4b:s3+s13], $0x80, s24, s13, $0xb8;
	[tilespmem:$0x1C700] =	vst v63  }
0x238: {  	_ =	swait.ge [sflag:s16], $0x1C00  }
0x239: {  	[sflag:s16] =	ssyncset.done $0x0  }
0x23a: {  	s5 =	simm.s32 $0xF;
	[sflag:s16] =	ssyncadd.s32 $0xFFFFE400  }
0x23b: {  	_ =	swait.ge [sflag:s5], $0x1C00  }
0x23c: {  	s26 =	rddreg [dreg:$0x1a];
	[sflag:s5] =	ssyncset.done $0x0  }
0x23d: {  	s12 =	simm.s32 $0xAF00;
	s24 =	sld [smem:$0x7FC];
	[sflag:s5] =	ssyncadd.s32 $0xFFFFE400  }
0x23e: {  	[hbm4b:s26+s2] =	stream.linear.scatter [tilespmem:s12], [sflag:$0xF], $0x1C00, $0x38;
	[tilespmem:$0x1C700] =	vst v63  }
0x23f: {  	s26 =	simm.s32 $0x18F00  }
0x240: {  	[tilespmem:s26], [sflag:$0x7] =	stream.indirect.gather [hbm4b:s3+s13], $0x80, s24, s13, $0xb8;
	[tilespmem:$0x1C700] =	vst v63  }
0x241: {  	_ =	swait.ge [sflag:s14], $0x1C00  }
0x242: {  	[sflag:s14] =	ssyncset.done $0x0  }
0x243: {  	[sflag:s14] =	ssyncadd.s32 $0xFFFFE400  }
0x244: {  	_ =	swait.ge [sflag:s4], $0x1C00  }
0x245: {  	s12 =	rddreg [dreg:$0x1b];
	[sflag:s4] =	ssyncset.done $0x0  }
0x246: {  	s15 =	simm.s32 $0xCB00;
	s24 =	sld [smem:$0x7FD];
	[sflag:s4] =	ssyncadd.s32 $0xFFFFE400  }
0x247: {  	[hbm4b:s12+s2] =	stream.linear.scatter [tilespmem:s15], [sflag:$0x10], $0x1C00, $0x38;
	[tilespmem:$0x1C700] =	vst v63  }
0x248: {  	s12 =	simm.s32 $0x1AB00  }
0x249: {  	[tilespmem:s12], [sflag:$0x8] =	stream.indirect.gather [hbm4b:s3+s13], $0x80, s24, s13, $0xb8;
	[tilespmem:$0x1C700] =	vst v63  }
0x24a: {  	_ =	swait.ge [sflag:s29], $0x1C00  }
0x24b: {  	[sflag:s29] =	ssyncset.done $0x0  }
0x24c: {  	[sflag:s29] =	ssyncadd.s32 $0xFFFFE400  }
0x24d: {  	_ =	swait.ge [sflag:s11], $0x1C00  }
0x24e: {  	[sflag:s11] =	ssyncset.done $0x0  }
0x24f: {  	s30 =	simm.s32 $0xE700;
	s15 =	rddreg [dreg:$0x1c];
	[sflag:s11] =	ssyncadd.s32 $0xFFFFE400  }
0x250: {  	[hbm4b:s15+s2] =	stream.linear.scatter [tilespmem:s30], [sflag:$0x9], $0x1C00, $0x38;
	[tilespmem:$0x1C700] =	vst v63  }
0x251: {  	_ =	swait.ge [sflag:s28], $0x1C00  }
0x252: {  	[sflag:s28] =	ssyncset.done $0x0  }
0x253: {  	[sflag:s28] =	ssyncadd.s32 $0xFFFFE400  }
0x254: {  	_ =	swait.ge [sflag:s10], $0x1C00  }
0x255: {  	[sflag:s10] =	ssyncset.done $0x0  }
0x256: {  	s1 =	simm.s32 $0x10300;
	s30 =	rddreg [dreg:$0x1d];
	[sflag:s10] =	ssyncadd.s32 $0xFFFFE400  }
0x257: {  	[hbm4b:s30+s2] =	stream.linear.scatter [tilespmem:s1], [sflag:$0xA], $0x1C00, $0x38;
	[tilespmem:$0x1C700] =	vst v63  }
0x258: {  	_ =	swait.ge [sflag:s25], $0x1C00  }
0x259: {  	[sflag:s25] =	ssyncset.done $0x0  }
0x25a: {  	[sflag:s25] =	ssyncadd.s32 $0xFFFFE400  }
0x25b: {  	_ =	swait.ge [sflag:s9], $0x1C00  }
0x25c: {  	[sflag:s9] =	ssyncset.done $0x0  }
0x25d: {  	s0 =	simm.s32 $0x11F00;
	s15 =	rddreg [dreg:$0x1e];
	[sflag:s9] =	ssyncadd.s32 $0xFFFFE400  }
0x25e: {  	[hbm4b:s15+s2] =	stream.linear.scatter [tilespmem:s0], [sflag:$0xB], $0x1C00, $0x38;
	[tilespmem:$0x1C700] =	vst v63  }
0x25f: {  	_ =	swait.ge [sflag:s23], $0x1C00  }
0x260: {  	[sflag:s23] =	ssyncset.done $0x0  }
0x261: {  	[sflag:s23] =	ssyncadd.s32 $0xFFFFE400  }
0x262: {  	_ =	swait.ge [sflag:s8], $0x1C00  }
0x263: {  	[sflag:s8] =	ssyncset.done $0x0  }
0x264: {  	s24 =	simm.s32 $0x13B00;
	s30 =	rddreg [dreg:$0x1f];
	[sflag:s8] =	ssyncadd.s32 $0xFFFFE400  }
0x265: {  	[hbm4b:s30+s2] =	stream.linear.scatter [tilespmem:s24], [sflag:$0xC], $0x1C00, $0x38;
	[tilespmem:$0x1C700] =	vst v63  }
0x266: {  	_ =	swait.ge [sflag:s21], $0x1C00  }
0x267: {  	[sflag:s21] =	ssyncset.done $0x0  }
0x268: {  	[sflag:s21] =	ssyncadd.s32 $0xFFFFE400  }
0x269: {  	_ =	swait.ge [sflag:s7], $0x1C00  }
0x26a: {  	s15 =	sld [smem:$0x7DC]  }
0x26b: {  	[sflag:s7] =	ssyncset.done $0x0  }
0x26c: {  	[sflag:s7] =	ssyncadd.s32 $0xFFFFE400  }
0x26d: {  	[hbm4b:s15+s2] =	stream.linear.scatter [tilespmem:s17], [sflag:$0xD], $0x1C00, $0x38;
	[tilespmem:$0x1C700] =	vst v63  }
0x26e: {  	_ =	swait.ge [sflag:s19], $0x1C00  }
0x26f: {  	[sflag:s19] =	ssyncset.done $0x0  }
0x270: {  	[sflag:s19] =	ssyncadd.s32 $0xFFFFE400  }
0x271: {  	_ =	swait.ge [sflag:s6], $0x1C00  }
0x272: {  	s17 =	sld [smem:$0x7DD]  }
0x273: {  	[sflag:s6] =	ssyncset.done $0x0  }
0x274: {  	[sflag:s6] =	ssyncadd.s32 $0xFFFFE400  }
0x275: {  	[hbm4b:s17+s2] =	stream.linear.scatter [tilespmem:s18], [sflag:$0xE], $0x1C00, $0x38;
	[tilespmem:$0x1C700] =	vst v63  }
0x276: {  	_ =	swait.ge [sflag:s16], $0x1C00  }
0x277: {  	[sflag:s16] =	ssyncset.done $0x0  }
0x278: {  	[sflag:s16] =	ssyncadd.s32 $0xFFFFE400  }
0x279: {  	_ =	swait.ge [sflag:s5], $0x1C00  }
0x27a: {  	s18 =	sld [smem:$0x7DE]  }
0x27b: {  	[sflag:s5] =	ssyncset.done $0x0  }
0x27c: {  	[sflag:s5] =	ssyncadd.s32 $0xFFFFE400  }
0x27d: {  	[hbm4b:s18+s2] =	stream.linear.scatter [tilespmem:s26], [sflag:$0xF], $0x1C00, $0x38;
	[tilespmem:$0x1C700] =	vst v63  }
0x27e: {  	_ =	swait.ge [sflag:s14], $0x1C00  }
0x27f: {  	[sflag:s14] =	ssyncset.done $0x0  }
0x280: {  	[sflag:s14] =	ssyncadd.s32 $0xFFFFE400  }
0x281: {  	_ =	swait.ge [sflag:s4], $0x1C00  }
0x282: {  	s30 =	sld [smem:$0x7DF]  }
0x283: {  	[sflag:s4] =	ssyncset.done $0x0  }
0x284: {  	[sflag:s4] =	ssyncadd.s32 $0xFFFFE400  }
0x285: {  	[hbm4b:s30+s2] =	stream.linear.scatter [tilespmem:s12], [sflag:$0x10], $0x1C00, $0x38;
	[tilespmem:$0x1C700] =	vst v63  }
0x286: {  	_ =	swait.ge [sflag:s11], $0x1C00  }
0x287: {  	[sflag:s11] =	ssyncset.done $0x0  }
0x288: {  	[sflag:s11] =	ssyncadd.s32 $0xFFFFE400  }
0x289: {  	_ =	swait.ge [sflag:s10], $0x1C00  }
0x28a: {  	[sflag:s10] =	ssyncset.done $0x0  }
0x28b: {  	[sflag:s10] =	ssyncadd.s32 $0xFFFFE400  }
0x28c: {  	_ =	swait.ge [sflag:s9], $0x1C00  }
0x28d: {  	[sflag:s9] =	ssyncset.done $0x0  }
0x28e: {  	[sflag:s9] =	ssyncadd.s32 $0xFFFFE400  }
0x28f: {  	_ =	swait.ge [sflag:s8], $0x1C00  }
0x290: {  	[sflag:s8] =	ssyncset.done $0x0  }
0x291: {  	[sflag:s8] =	ssyncadd.s32 $0xFFFFE400  }
0x292: {  	_ =	swait.ge [sflag:s7], $0x1C00  }
0x293: {  	[sflag:s7] =	ssyncset.done $0x0  }
0x294: {  	[sflag:s7] =	ssyncadd.s32 $0xFFFFE400  }
0x295: {  	_ =	swait.ge [sflag:s6], $0x1C00  }
0x296: {  	[sflag:s6] =	ssyncset.done $0x0  }
0x297: {  	p1 =	sne.s32 s20, $0x1;
	[sflag:s6] =	ssyncadd.s32 $0xFFFFE400  }
.Ltmp2:
0x298: {  	_ =	swait.ge [sflag:s5], $0x1C00;
	(pc) =	sbr.rel @p1 .LBB2_2-.Ltmp2, $4  }
0x299: {  	[sflag:s5] =	ssyncset.done $0x0  }
0x29a: {  	[sflag:s5] =	ssyncadd.s32 $0xFFFFE400  }
0x29b: {  	_ =	swait.ge [sflag:s4], $0x1C00  }
0x29c: {  	s20 =	sadd.s32 $0xFFFFFFFF, s20;
	s22 =	rddreg [dreg:$0x4];
	[sflag:s4] =	ssyncset.done $0x0  }
.LBB2_3:
0x29d: {  	[sflag:s4] =	ssyncadd.s32 @p0 $0xFFFFE400;
	s20 =	simm.s32 $0x11  }
0x29e: {  	[tilespmem:s2], [sflag:$0x11] =	stream.linear.gather [hbm4b:s22+s2], $0x700, $0x38;
	[tilespmem:$0x1C700] =	vst v63  }
0x29f: {  	_ =	swait.ge [sflag:s20], $0x700  }
0x2a0: {  	[sflag:s20] =	ssyncset.done $0x0  }
0x2a1: {  	s22 =	simm.s32 $0x700;
	[sflag:s20] =	ssyncadd.s32 $0xFFFFF900  }
0x2a2: {  	[tilespmem:s22], [sflag:$0x1] =	stream.indirect.gather [hbm4b:s3+s13], $0x80, s2, s13, $0xb8;
	[tilespmem:$0x1C700] =	vst v63  }
0x2a3: {  	s26 =	simm.s32 $0x2300;
	s20 =	sld [smem:$0x7E0]  }
0x2a4: {  	[tilespmem:s26], [sflag:$0x2] =	stream.indirect.gather [hbm4b:s3+s13], $0x80, s13, s13, $0xb8;
	[tilespmem:$0x1C700] =	vst v63  }
0x2a5: {  	s12 =	simm.s32 $0x3F00;
	s30 =	sld [smem:$0x7E1]  }
0x2a6: {  	[tilespmem:s12], [sflag:$0x3] =	stream.indirect.gather [hbm4b:s3+s13], $0x80, s20, s13, $0xb8;
	[tilespmem:$0x1C700] =	vst v63  }
0x2a7: {  	s4 =	sld [smem:$0x7E2];
	s26 =	simm.s32 $0x5B00  }
0x2a8: {  	[tilespmem:s26], [sflag:$0x4] =	stream.indirect.gather [hbm4b:s3+s13], $0x80, s30, s13, $0xb8;
	[tilespmem:$0x1C700] =	vst v63  }
0x2a9: {  	s18 =	sld [smem:$0x7E3]  }
0x2aa: {  	[tilespmem:s31], [sflag:$0x5] =	stream.indirect.gather [hbm4b:s3+s13], $0x80, s4, s13, $0xb8;
	[tilespmem:$0x1C700] =	vst v63  }
0x2ab: {  	s20 =	sld [smem:$0x7E4];
	s30 =	simm.s32 $0x9300  }
0x2ac: {  	[tilespmem:s30], [sflag:$0x6] =	stream.indirect.gather [hbm4b:s3+s13], $0x80, s18, s13, $0xb8;
	[tilespmem:$0x1C700] =	vst v63  }
0x2ad: {  	s4 =	sld [smem:$0x7E5];
	s18 =	simm.s32 $0xAF00  }
0x2ae: {  	[tilespmem:s18], [sflag:$0x7] =	stream.indirect.gather [hbm4b:s3+s13], $0x80, s20, s13, $0xb8;
	[tilespmem:$0x1C700] =	vst v63  }
0x2af: {  	s20 =	simm.s32 $0xCB00  }
0x2b0: {  	[tilespmem:s20], [sflag:$0x8] =	stream.indirect.gather [hbm4b:s3+s13], $0x80, s4, s13, $0xb8;
	[tilespmem:$0x1C700] =	vst v63  }
0x2b1: {  	_ =	swait.ge [sflag:s29], $0x1C00  }
0x2b2: {  	s22 =	sld [smem:$0x7DB]  }
0x2b3: {  	[sflag:s29] =	ssyncset.done $0x0  }
0x2b4: {  	s15 =	simm.s32 $0x700;
	s20 =	sld [smem:$0x7E6];
	[sflag:s29] =	ssyncadd.s32 $0xFFFFE400  }
0x2b5: {  	[hbm4b:s22+s2] =	stream.linear.scatter [tilespmem:s15], [sflag:$0x9], $0x1C00, $0x38;
	[tilespmem:$0x1C700] =	vst v63  }
0x2b6: {  	s22 =	simm.s32 $0xE700  }
0x2b7: {  	[tilespmem:s22], [sflag:$0x1] =	stream.indirect.gather [hbm4b:s3+s13], $0x80, s20, s13, $0xb8;
	[tilespmem:$0x1C700] =	vst v63  }
0x2b8: {  	_ =	swait.ge [sflag:s28], $0x1C00  }
0x2b9: {  	s4 =	rddreg [dreg:$0x5];
	[sflag:s28] =	ssyncset.done $0x0  }
0x2ba: {  	s17 =	simm.s32 $0x2300;
	s15 =	sld [smem:$0x7E7];
	[sflag:s28] =	ssyncadd.s32 $0xFFFFE400  }
0x2bb: {  	[hbm4b:s4+s2] =	stream.linear.scatter [tilespmem:s17], [sflag:$0xA], $0x1C00, $0x38;
	[tilespmem:$0x1C700] =	vst v63  }
0x2bc: {  	_ = 	snop  }
0x2bd: {  	[tilespmem:s1], [sflag:$0x2] =	stream.indirect.gather [hbm4b:s3+s13], $0x80, s15, s13, $0xb8;
	[tilespmem:$0x1C700] =	vst v63  }
0x2be: {  	_ =	swait.ge [sflag:s25], $0x1C00  }
0x2bf: {  	s4 =	rddreg [dreg:$0x6];
	[sflag:s25] =	ssyncset.done $0x0  }
0x2c0: {  	s15 =	sld [smem:$0x7E8];
	[sflag:s25] =	ssyncadd.s32 $0xFFFFE400  }
0x2c1: {  	[hbm4b:s4+s2] =	stream.linear.scatter [tilespmem:s12], [sflag:$0xB], $0x1C00, $0x38;
	[tilespmem:$0x1C700] =	vst v63  }
0x2c2: {  	_ = 	snop  }
0x2c3: {  	[tilespmem:s0], [sflag:$0x3] =	stream.indirect.gather [hbm4b:s3+s13], $0x80, s15, s13, $0xb8;
	[tilespmem:$0x1C700] =	vst v63  }
0x2c4: {  	_ =	swait.ge [sflag:s23], $0x1C00  }
0x2c5: {  	s22 =	rddreg [dreg:$0x7];
	[sflag:s23] =	ssyncset.done $0x0  }
0x2c6: {  	s4 =	sld [smem:$0x7E9];
	[sflag:s23] =	ssyncadd.s32 $0xFFFFE400  }
0x2c7: {  	[hbm4b:s22+s2] =	stream.linear.scatter [tilespmem:s26], [sflag:$0xC], $0x1C00, $0x38;
	[tilespmem:$0x1C700] =	vst v63  }
0x2c8: {  	_ = 	snop  }
0x2c9: {  	[tilespmem:s24], [sflag:$0x4] =	stream.indirect.gather [hbm4b:s3+s13], $0x80, s4, s13, $0xb8;
	[tilespmem:$0x1C700] =	vst v63  }
0x2ca: {  	_ =	swait.ge [sflag:s21], $0x1C00  }
0x2cb: {  	s12 =	rddreg [dreg:$0x8];
	[sflag:s21] =	ssyncset.done $0x0  }
0x2cc: {  	s15 =	sld [smem:$0x7EA];
	[sflag:s21] =	ssyncadd.s32 $0xFFFFE400  }
0x2cd: {  	[hbm4b:s12+s2] =	stream.linear.scatter [tilespmem:s31], [sflag:$0xD], $0x1C00, $0x38;
	[tilespmem:$0x1C700] =	vst v63  }
0x2ce: {  	s31 =	simm.s32 $0x15700  }
0x2cf: {  	[tilespmem:s31], [sflag:$0x5] =	stream.indirect.gather [hbm4b:s3+s13], $0x80, s15, s13, $0xb8;
	[tilespmem:$0x1C700] =	vst v63  }
0x2d0: {  	_ =	swait.ge [sflag:s19], $0x1C00  }
0x2d1: {  	s24 =	rddreg [dreg:$0x9];
	[sflag:s19] =	ssyncset.done $0x0  }
0x2d2: {  	s30 =	simm.s32 $0x9300;
	s26 =	sld [smem:$0x7EB];
	[sflag:s19] =	ssyncadd.s32 $0xFFFFE400  }
0x2d3: {  	[hbm4b:s24+s2] =	stream.linear.scatter [tilespmem:s30], [sflag:$0xE], $0x1C00, $0x38;
	[tilespmem:$0x1C700] =	vst v63  }
0x2d4: {  	s30 =	simm.s32 $0x17300  }
0x2d5: {  	[tilespmem:s30], [sflag:$0x6] =	stream.indirect.gather [hbm4b:s3+s13], $0x80, s26, s13, $0xb8;
	[tilespmem:$0x1C700] =	vst v63  }
0x2d6: {  	_ =	swait.ge [sflag:s16], $0x1C00  }
0x2d7: {  	s4 =	rddreg [dreg:$0xa];
	[sflag:s16] =	ssyncset.done $0x0  }
0x2d8: {  	s12 =	sld [smem:$0x7EC];
	[sflag:s16] =	ssyncadd.s32 $0xFFFFE400  }
0x2d9: {  	[hbm4b:s4+s2] =	stream.linear.scatter [tilespmem:s18], [sflag:$0xF], $0x1C00, $0x38;
	[tilespmem:$0x1C700] =	vst v63  }
0x2da: {  	s26 =	simm.s32 $0x18F00  }
0x2db: {  	[tilespmem:s26], [sflag:$0x7] =	stream.indirect.gather [hbm4b:s3+s13], $0x80, s12, s13, $0xb8;
	[tilespmem:$0x1C700] =	vst v63  }
0x2dc: {  	_ =	swait.ge [sflag:s14], $0x1C00  }
0x2dd: {  	s4 =	rddreg [dreg:$0xb];
	[sflag:s14] =	ssyncset.done $0x0  }
0x2de: {  	s12 =	simm.s32 $0xCB00;
	s22 =	sld [smem:$0x7ED];
	[sflag:s14] =	ssyncadd.s32 $0xFFFFE400  }
0x2df: {  	[hbm4b:s4+s2] =	stream.linear.scatter [tilespmem:s12], [sflag:$0x10], $0x1C00, $0x38;
	[tilespmem:$0x1C700] =	vst v63  }
0x2e0: {  	s20 =	simm.s32 $0x1AB00  }
0x2e1: {  	[tilespmem:s20], [sflag:$0x8] =	stream.indirect.gather [hbm4b:s3+s13], $0x80, s22, s13, $0xb8;
	[tilespmem:$0x1C700] =	vst v63  }
0x2e2: {  	_ =	swait.ge [sflag:s29], $0x1C00  }
0x2e3: {  	[sflag:s29] =	ssyncset.done $0x0  }
0x2e4: {  	[sflag:s29] =	ssyncadd.s32 $0xFFFFE400  }
0x2e5: {  	_ =	swait.ge [sflag:s11], $0x1C00  }
0x2e6: {  	s20 =	rddreg [dreg:$0xc];
	[sflag:s11] =	ssyncset.done $0x0  }
0x2e7: {  	s12 =	simm.s32 $0xE700;
	s22 =	sld [smem:$0x7EE];
	[sflag:s11] =	ssyncadd.s32 $0xFFFFE400  }
0x2e8: {  	[hbm4b:s20+s2] =	stream.linear.scatter [tilespmem:s12], [sflag:$0x9], $0x1C00, $0x38;
	[tilespmem:$0x1C700] =	vst v63  }
0x2e9: {  	s20 =	simm.s32 $0x700  }
0x2ea: {  	[tilespmem:s20], [sflag:$0x1] =	stream.indirect.gather [hbm4b:s3+s13], $0x80, s22, s13, $0xb8;
	[tilespmem:$0x1C700] =	vst v63  }
0x2eb: {  	_ =	swait.ge [sflag:s28], $0x1C00  }
0x2ec: {  	[sflag:s28] =	ssyncset.done $0x0  }
0x2ed: {  	[sflag:s28] =	ssyncadd.s32 $0xFFFFE400  }
0x2ee: {  	_ =	swait.ge [sflag:s10], $0x1C00  }
0x2ef: {  	s22 =	rddreg [dreg:$0xd];
	[sflag:s10] =	ssyncset.done $0x0  }
0x2f0: {  	s12 =	sld [smem:$0x7EF];
	[sflag:s10] =	ssyncadd.s32 $0xFFFFE400  }
0x2f1: {  	[hbm4b:s22+s2] =	stream.linear.scatter [tilespmem:s1], [sflag:$0xA], $0x1C00, $0x38;
	[tilespmem:$0x1C700] =	vst v63  }
0x2f2: {  	s17 =	simm.s32 $0x2300  }
0x2f3: {  	[tilespmem:s17], [sflag:$0x2] =	stream.indirect.gather [hbm4b:s3+s13], $0x80, s12, s13, $0xb8;
	[tilespmem:$0x1C700] =	vst v63  }
0x2f4: {  	_ =	swait.ge [sflag:s25], $0x1C00  }
0x2f5: {  	[sflag:s25] =	ssyncset.done $0x0  }
0x2f6: {  	[sflag:s25] =	ssyncadd.s32 $0xFFFFE400  }
0x2f7: {  	_ =	swait.ge [sflag:s9], $0x1C00  }
0x2f8: {  	s22 =	rddreg [dreg:$0xe];
	[sflag:s9] =	ssyncset.done $0x0  }
0x2f9: {  	s12 =	sld [smem:$0x7F0];
	[sflag:s9] =	ssyncadd.s32 $0xFFFFE400  }
0x2fa: {  	[hbm4b:s22+s2] =	stream.linear.scatter [tilespmem:s0], [sflag:$0xB], $0x1C00, $0x38;
	[tilespmem:$0x1C700] =	vst v63  }
0x2fb: {  	s26 =	simm.s32 $0x3F00  }
0x2fc: {  	[tilespmem:s26], [sflag:$0x3] =	stream.indirect.gather [hbm4b:s3+s13], $0x80, s12, s13, $0xb8;
	[tilespmem:$0x1C700] =	vst v63  }
0x2fd: {  	_ =	swait.ge [sflag:s23], $0x1C00  }
0x2fe: {  	[sflag:s23] =	ssyncset.done $0x0  }
0x2ff: {  	[sflag:s23] =	ssyncadd.s32 $0xFFFFE400  }
0x300: {  	_ =	swait.ge [sflag:s8], $0x1C00  }
0x301: {  	s20 =	rddreg [dreg:$0xf];
	[sflag:s8] =	ssyncset.done $0x0  }
0x302: {  	s12 =	simm.s32 $0x13B00;
	s22 =	sld [smem:$0x7F1];
	[sflag:s8] =	ssyncadd.s32 $0xFFFFE400  }
0x303: {  	[hbm4b:s20+s2] =	stream.linear.scatter [tilespmem:s12], [sflag:$0xC], $0x1C00, $0x38;
	[tilespmem:$0x1C700] =	vst v63  }
0x304: {  	s15 =	simm.s32 $0x5B00  }
0x305: {  	[tilespmem:s15], [sflag:$0x4] =	stream.indirect.gather [hbm4b:s3+s13], $0x80, s22, s13, $0xb8;
	[tilespmem:$0x1C700] =	vst v63  }
0x306: {  	_ =	swait.ge [sflag:s21], $0x1C00  }
0x307: {  	[sflag:s21] =	ssyncset.done $0x0  }
0x308: {  	[sflag:s21] =	ssyncadd.s32 $0xFFFFE400  }
0x309: {  	_ =	swait.ge [sflag:s7], $0x1C00  }
0x30a: {  	s22 =	rddreg [dreg:$0x10];
	[sflag:s7] =	ssyncset.done $0x0  }
0x30b: {  	s15 =	sld [smem:$0x7F2];
	[sflag:s7] =	ssyncadd.s32 $0xFFFFE400  }
0x30c: {  	[hbm4b:s22+s2] =	stream.linear.scatter [tilespmem:s31], [sflag:$0xD], $0x1C00, $0x38;
	[tilespmem:$0x1C700] =	vst v63  }
0x30d: {  	s24 =	simm.s32 $0x7700  }
0x30e: {  	[tilespmem:s24], [sflag:$0x5] =	stream.indirect.gather [hbm4b:s3+s13], $0x80, s15, s13, $0xb8;
	[tilespmem:$0x1C700] =	vst v63  }
0x30f: {  	_ =	swait.ge [sflag:s19], $0x1C00  }
0x310: {  	[sflag:s19] =	ssyncset.done $0x0  }
0x311: {  	[sflag:s19] =	ssyncadd.s32 $0xFFFFE400  }
0x312: {  	_ =	swait.ge [sflag:s6], $0x1C00  }
0x313: {  	s24 =	rddreg [dreg:$0x11];
	[sflag:s6] =	ssyncset.done $0x0  }
0x314: {  	s15 =	sld [smem:$0x7F3];
	[sflag:s6] =	ssyncadd.s32 $0xFFFFE400  }
0x315: {  	[hbm4b:s24+s2] =	stream.linear.scatter [tilespmem:s30], [sflag:$0xE], $0x1C00, $0x38;
	[tilespmem:$0x1C700] =	vst v63  }
0x316: {  	s24 =	simm.s32 $0x9300  }
0x317: {  	[tilespmem:s24], [sflag:$0x6] =	stream.indirect.gather [hbm4b:s3+s13], $0x80, s15, s13, $0xb8;
	[tilespmem:$0x1C700] =	vst v63  }
0x318: {  	_ =	swait.ge [sflag:s16], $0x1C00  }
0x319: {  	[sflag:s16] =	ssyncset.done $0x0  }
0x31a: {  	[sflag:s16] =	ssyncadd.s32 $0xFFFFE400  }
0x31b: {  	_ =	swait.ge [sflag:s5], $0x1C00  }
0x31c: {  	s15 =	rddreg [dreg:$0x12];
	[sflag:s5] =	ssyncset.done $0x0  }
0x31d: {  	s24 =	simm.s32 $0x18F00;
	s22 =	sld [smem:$0x7F4];
	[sflag:s5] =	ssyncadd.s32 $0xFFFFE400  }
0x31e: {  	[hbm4b:s15+s2] =	stream.linear.scatter [tilespmem:s24], [sflag:$0xF], $0x1C00, $0x38;
	[tilespmem:$0x1C700] =	vst v63  }
0x31f: {  	_ = 	snop  }
0x320: {  	[tilespmem:s18], [sflag:$0x7] =	stream.indirect.gather [hbm4b:s3+s13], $0x80, s22, s13, $0xb8;
	[tilespmem:$0x1C700] =	vst v63  }
0x321: {  	_ =	swait.ge [sflag:s14], $0x1C00  }
0x322: {  	[sflag:s14] =	ssyncset.done $0x0  }
0x323: {  	s4 =	simm.s32 $0x10;
	[sflag:s14] =	ssyncadd.s32 $0xFFFFE400  }
0x324: {  	_ =	swait.ge [sflag:s4], $0x1C00  }
0x325: {  	s15 =	rddreg [dreg:$0x13];
	[sflag:s4] =	ssyncset.done $0x0  }
0x326: {  	s18 =	simm.s32 $0x1AB00;
	s22 =	sld [smem:$0x7F5];
	[sflag:s4] =	ssyncadd.s32 $0xFFFFE400  }
0x327: {  	[hbm4b:s15+s2] =	stream.linear.scatter [tilespmem:s18], [sflag:$0x10], $0x1C00, $0x38;
	[tilespmem:$0x1C700] =	vst v63  }
0x328: {  	s24 =	simm.s32 $0xCB00  }
0x329: {  	[tilespmem:s24], [sflag:$0x8] =	stream.indirect.gather [hbm4b:s3+s13], $0x80, s22, s13, $0xb8;
	[tilespmem:$0x1C700] =	vst v63  }
0x32a: {  	_ =	swait.ge [sflag:s29], $0x1C00  }
0x32b: {  	[sflag:s29] =	ssyncset.done $0x0  }
0x32c: {  	[sflag:s29] =	ssyncadd.s32 $0xFFFFE400  }
0x32d: {  	_ =	swait.ge [sflag:s11], $0x1C00  }
0x32e: {  	s18 =	rddreg [dreg:$0x14];
	[sflag:s11] =	ssyncset.done $0x0  }
0x32f: {  	s24 =	simm.s32 $0x700;
	s22 =	sld [smem:$0x7F6];
	[sflag:s11] =	ssyncadd.s32 $0xFFFFE400  }
0x330: {  	[hbm4b:s18+s2] =	stream.linear.scatter [tilespmem:s24], [sflag:$0x9], $0x1C00, $0x38;
	[tilespmem:$0x1C700] =	vst v63  }
0x331: {  	s18 =	simm.s32 $0xE700  }
0x332: {  	[tilespmem:s18], [sflag:$0x1] =	stream.indirect.gather [hbm4b:s3+s13], $0x80, s22, s13, $0xb8;
	[tilespmem:$0x1C700] =	vst v63  }
0x333: {  	_ =	swait.ge [sflag:s28], $0x1C00  }
0x334: {  	[sflag:s28] =	ssyncset.done $0x0  }
0x335: {  	[sflag:s28] =	ssyncadd.s32 $0xFFFFE400  }
0x336: {  	_ =	swait.ge [sflag:s10], $0x1C00  }
0x337: {  	s20 =	rddreg [dreg:$0x15];
	[sflag:s10] =	ssyncset.done $0x0  }
0x338: {  	s17 =	simm.s32 $0x2300;
	s24 =	sld [smem:$0x7F7];
	[sflag:s10] =	ssyncadd.s32 $0xFFFFE400  }
0x339: {  	[hbm4b:s20+s2] =	stream.linear.scatter [tilespmem:s17], [sflag:$0xA], $0x1C00, $0x38;
	[tilespmem:$0x1C700] =	vst v63  }
0x33a: {  	_ = 	snop  }
0x33b: {  	[tilespmem:s1], [sflag:$0x2] =	stream.indirect.gather [hbm4b:s3+s13], $0x80, s24, s13, $0xb8;
	[tilespmem:$0x1C700] =	vst v63  }
0x33c: {  	_ =	swait.ge [sflag:s25], $0x1C00  }
0x33d: {  	[sflag:s25] =	ssyncset.done $0x0  }
0x33e: {  	[sflag:s25] =	ssyncadd.s32 $0xFFFFE400  }
0x33f: {  	_ =	swait.ge [sflag:s9], $0x1C00  }
0x340: {  	s1 =	rddreg [dreg:$0x16];
	[sflag:s9] =	ssyncset.done $0x0  }
0x341: {  	s15 =	sld [smem:$0x7F8];
	[sflag:s9] =	ssyncadd.s32 $0xFFFFE400  }
0x342: {  	[hbm4b:s1+s2] =	stream.linear.scatter [tilespmem:s26], [sflag:$0xB], $0x1C00, $0x38;
	[tilespmem:$0x1C700] =	vst v63  }
0x343: {  	_ = 	snop  }
0x344: {  	[tilespmem:s0], [sflag:$0x3] =	stream.indirect.gather [hbm4b:s3+s13], $0x80, s15, s13, $0xb8;
	[tilespmem:$0x1C700] =	vst v63  }
0x345: {  	_ =	swait.ge [sflag:s23], $0x1C00  }
0x346: {  	[sflag:s23] =	ssyncset.done $0x0  }
0x347: {  	[sflag:s23] =	ssyncadd.s32 $0xFFFFE400  }
0x348: {  	_ =	swait.ge [sflag:s8], $0x1C00  }
0x349: {  	s17 =	rddreg [dreg:$0x17];
	[sflag:s8] =	ssyncset.done $0x0  }
0x34a: {  	s26 =	simm.s32 $0x5B00;
	s24 =	sld [smem:$0x7F9];
	[sflag:s8] =	ssyncadd.s32 $0xFFFFE400  }
0x34b: {  	[hbm4b:s17+s2] =	stream.linear.scatter [tilespmem:s26], [sflag:$0xC], $0x1C00, $0x38;
	[tilespmem:$0x1C700] =	vst v63  }
0x34c: {  	_ = 	snop  }
0x34d: {  	[tilespmem:s12], [sflag:$0x4] =	stream.indirect.gather [hbm4b:s3+s13], $0x80, s24, s13, $0xb8;
	[tilespmem:$0x1C700] =	vst v63  }
0x34e: {  	_ =	swait.ge [sflag:s21], $0x1C00  }
0x34f: {  	[sflag:s21] =	ssyncset.done $0x0  }
0x350: {  	[sflag:s21] =	ssyncadd.s32 $0xFFFFE400  }
0x351: {  	_ =	swait.ge [sflag:s7], $0x1C00  }
0x352: {  	s0 =	rddreg [dreg:$0x18];
	[sflag:s7] =	ssyncset.done $0x0  }
0x353: {  	s26 =	simm.s32 $0x7700;
	s1 =	sld [smem:$0x7FA];
	[sflag:s7] =	ssyncadd.s32 $0xFFFFE400  }
0x354: {  	[hbm4b:s0+s2] =	stream.linear.scatter [tilespmem:s26], [sflag:$0xD], $0x1C00, $0x38;
	[tilespmem:$0x1C700] =	vst v63  }
0x355: {  	_ = 	snop  }
0x356: {  	[tilespmem:s31], [sflag:$0x5] =	stream.indirect.gather [hbm4b:s3+s13], $0x80, s1, s13, $0xb8;
	[tilespmem:$0x1C700] =	vst v63  }
0x357: {  	_ =	swait.ge [sflag:s19], $0x1C00  }
0x358: {  	[sflag:s19] =	ssyncset.done $0x0  }
0x359: {  	[sflag:s19] =	ssyncadd.s32 $0xFFFFE400  }
0x35a: {  	_ =	swait.ge [sflag:s6], $0x1C00  }
0x35b: {  	s1 =	rddreg [dreg:$0x19];
	[sflag:s6] =	ssyncset.done $0x0  }
0x35c: {  	s26 =	simm.s32 $0x9300;
	s12 =	sld [smem:$0x7FB];
	[sflag:s6] =	ssyncadd.s32 $0xFFFFE400  }
0x35d: {  	[hbm4b:s1+s2] =	stream.linear.scatter [tilespmem:s26], [sflag:$0xE], $0x1C00, $0x38;
	[tilespmem:$0x1C700] =	vst v63  }
0x35e: {  	_ = 	snop  }
0x35f: {  	[tilespmem:s30], [sflag:$0x6] =	stream.indirect.gather [hbm4b:s3+s13], $0x80, s12, s13, $0xb8;
	[tilespmem:$0x1C700] =	vst v63  }
0x360: {  	_ =	swait.ge [sflag:s16], $0x1C00  }
0x361: {  	[sflag:s16] =	ssyncset.done $0x0  }
0x362: {  	[sflag:s16] =	ssyncadd.s32 $0xFFFFE400  }
0x363: {  	_ =	swait.ge [sflag:s5], $0x1C00  }
0x364: {  	s12 =	rddreg [dreg:$0x1a];
	[sflag:s5] =	ssyncset.done $0x0  }
0x365: {  	s22 =	simm.s32 $0xAF00;
	s26 =	sld [smem:$0x7FC];
	[sflag:s5] =	ssyncadd.s32 $0xFFFFE400  }
0x366: {  	[hbm4b:s12+s2] =	stream.linear.scatter [tilespmem:s22], [sflag:$0xF], $0x1C00, $0x38;
	[tilespmem:$0x1C700] =	vst v63  }
0x367: {  	s22 =	simm.s32 $0x18F00  }
0x368: {  	[tilespmem:s22], [sflag:$0x7] =	stream.indirect.gather [hbm4b:s3+s13], $0x80, s26, s13, $0xb8;
	[tilespmem:$0x1C700] =	vst v63  }
0x369: {  	_ =	swait.ge [sflag:s14], $0x1C00  }
0x36a: {  	[sflag:s14] =	ssyncset.done $0x0  }
0x36b: {  	[sflag:s14] =	ssyncadd.s32 $0xFFFFE400  }
0x36c: {  	_ =	swait.ge [sflag:s4], $0x1C00  }
0x36d: {  	s12 =	rddreg [dreg:$0x1b];
	[sflag:s4] =	ssyncset.done $0x0  }
0x36e: {  	s20 =	simm.s32 $0xCB00;
	s26 =	sld [smem:$0x7FD];
	[sflag:s4] =	ssyncadd.s32 $0xFFFFE400  }
0x36f: {  	[hbm4b:s12+s2] =	stream.linear.scatter [tilespmem:s20], [sflag:$0x10], $0x1C00, $0x38;
	[tilespmem:$0x1C700] =	vst v63  }
0x370: {  	s12 =	simm.s32 $0x1AB00  }
0x371: {  	[tilespmem:s12], [sflag:$0x8] =	stream.indirect.gather [hbm4b:s3+s13], $0x80, s26, s13, $0xb8;
	[tilespmem:$0x1C700] =	vst v63  }
0x372: {  	_ =	swait.ge [sflag:s29], $0x1C00  }
0x373: {  	[sflag:s29] =	ssyncset.done $0x0  }
0x374: {  	[sflag:s29] =	ssyncadd.s32 $0xFFFFE400  }
0x375: {  	_ =	swait.ge [sflag:s11], $0x1C00  }
0x376: {  	[sflag:s11] =	ssyncset.done $0x0  }
0x377: {  	s18 =	simm.s32 $0xE700;
	s13 =	rddreg [dreg:$0x1c];
	[sflag:s11] =	ssyncadd.s32 $0xFFFFE400  }
0x378: {  	[hbm4b:s13+s2] =	stream.linear.scatter [tilespmem:s18], [sflag:$0x9], $0x1C00, $0x38;
	[tilespmem:$0x1C700] =	vst v63  }
0x379: {  	_ =	swait.ge [sflag:s28], $0x1C00  }
0x37a: {  	[sflag:s28] =	ssyncset.done $0x0  }
0x37b: {  	[sflag:s28] =	ssyncadd.s32 $0xFFFFE400  }
0x37c: {  	_ =	swait.ge [sflag:s10], $0x1C00  }
0x37d: {  	[sflag:s10] =	ssyncset.done $0x0  }
0x37e: {  	s17 =	simm.s32 $0x10300;
	s18 =	rddreg [dreg:$0x1d];
	[sflag:s10] =	ssyncadd.s32 $0xFFFFE400  }
0x37f: {  	[hbm4b:s18+s2] =	stream.linear.scatter [tilespmem:s17], [sflag:$0xA], $0x1C00, $0x38;
	[tilespmem:$0x1C700] =	vst v63  }
0x380: {  	_ =	swait.ge [sflag:s25], $0x1C00  }
0x381: {  	[sflag:s25] =	ssyncset.done $0x0  }
0x382: {  	[sflag:s25] =	ssyncadd.s32 $0xFFFFE400  }
0x383: {  	_ =	swait.ge [sflag:s9], $0x1C00  }
0x384: {  	[sflag:s9] =	ssyncset.done $0x0  }
0x385: {  	s15 =	simm.s32 $0x11F00;
	s20 =	rddreg [dreg:$0x1e];
	[sflag:s9] =	ssyncadd.s32 $0xFFFFE400  }
0x386: {  	[hbm4b:s20+s2] =	stream.linear.scatter [tilespmem:s15], [sflag:$0xB], $0x1C00, $0x38;
	[tilespmem:$0x1C700] =	vst v63  }
0x387: {  	_ =	swait.ge [sflag:s23], $0x1C00  }
0x388: {  	[sflag:s23] =	ssyncset.done $0x0  }
0x389: {  	[sflag:s23] =	ssyncadd.s32 $0xFFFFE400  }
0x38a: {  	_ =	swait.ge [sflag:s8], $0x1C00  }
0x38b: {  	[sflag:s8] =	ssyncset.done $0x0  }
0x38c: {  	s24 =	simm.s32 $0x13B00;
	s25 =	rddreg [dreg:$0x1f];
	[sflag:s8] =	ssyncadd.s32 $0xFFFFE400  }
0x38d: {  	[hbm4b:s25+s2] =	stream.linear.scatter [tilespmem:s24], [sflag:$0xC], $0x1C00, $0x38;
	[tilespmem:$0x1C700] =	vst v63  }
0x38e: {  	_ =	swait.ge [sflag:s21], $0x1C00  }
0x38f: {  	[sflag:s21] =	ssyncset.done $0x0  }
0x390: {  	[sflag:s21] =	ssyncadd.s32 $0xFFFFE400  }
0x391: {  	_ =	swait.ge [sflag:s7], $0x1C00  }
0x392: {  	s26 =	sld [smem:$0x7DC]  }
0x393: {  	[sflag:s7] =	ssyncset.done $0x0  }
0x394: {  	[sflag:s7] =	ssyncadd.s32 $0xFFFFE400  }
0x395: {  	[hbm4b:s26+s2] =	stream.linear.scatter [tilespmem:s31], [sflag:$0xD], $0x1C00, $0x38;
	[tilespmem:$0x1C700] =	vst v63  }
0x396: {  	_ =	swait.ge [sflag:s19], $0x1C00  }
0x397: {  	[sflag:s19] =	ssyncset.done $0x0  }
0x398: {  	[sflag:s19] =	ssyncadd.s32 $0xFFFFE400  }
0x399: {  	_ =	swait.ge [sflag:s6], $0x1C00  }
0x39a: {  	s28 =	sld [smem:$0x7DD]  }
0x39b: {  	[sflag:s6] =	ssyncset.done $0x0  }
0x39c: {  	[sflag:s6] =	ssyncadd.s32 $0xFFFFE400  }
0x39d: {  	[hbm4b:s28+s2] =	stream.linear.scatter [tilespmem:s30], [sflag:$0xE], $0x1C00, $0x38;
	[tilespmem:$0x1C700] =	vst v63  }
0x39e: {  	_ =	swait.ge [sflag:s16], $0x1C00  }
0x39f: {  	[sflag:s16] =	ssyncset.done $0x0  }
0x3a0: {  	[sflag:s16] =	ssyncadd.s32 $0xFFFFE400  }
0x3a1: {  	_ =	swait.ge [sflag:s5], $0x1C00  }
0x3a2: {  	s29 =	sld [smem:$0x7DE]  }
0x3a3: {  	[sflag:s5] =	ssyncset.done $0x0  }
0x3a4: {  	[sflag:s5] =	ssyncadd.s32 $0xFFFFE400  }
0x3a5: {  	[hbm4b:s29+s2] =	stream.linear.scatter [tilespmem:s22], [sflag:$0xF], $0x1C00, $0x38;
	[tilespmem:$0x1C700] =	vst v63  }
0x3a6: {  	_ =	swait.ge [sflag:s14], $0x1C00  }
0x3a7: {  	[sflag:s14] =	ssyncset.done $0x0  }
0x3a8: {  	[sflag:s14] =	ssyncadd.s32 $0xFFFFE400  }
0x3a9: {  	_ =	swait.ge [sflag:s4], $0x1C00  }
0x3aa: {  	s30 =	sld [smem:$0x7DF]  }
0x3ab: {  	[sflag:s4] =	ssyncset.done $0x0  }
0x3ac: {  	[sflag:s4] =	ssyncadd.s32 $0xFFFFE400  }
0x3ad: {  	[hbm4b:s30+s2] =	stream.linear.scatter [tilespmem:s12], [sflag:$0x10], $0x1C00, $0x38;
	[tilespmem:$0x1C700] =	vst v63  }
0x3ae: {  	_ =	swait.ge [sflag:s11], $0x1C00  }
0x3af: {  	[sflag:s11] =	ssyncset.done $0x0  }
0x3b0: {  	[sflag:s11] =	ssyncadd.s32 $0xFFFFE400  }
0x3b1: {  	_ =	swait.ge [sflag:s10], $0x1C00  }
0x3b2: {  	[sflag:s10] =	ssyncset.done $0x0  }
0x3b3: {  	[sflag:s10] =	ssyncadd.s32 $0xFFFFE400  }
0x3b4: {  	_ =	swait.ge [sflag:s9], $0x1C00  }
0x3b5: {  	[sflag:s9] =	ssyncset.done $0x0  }
0x3b6: {  	[sflag:s9] =	ssyncadd.s32 $0xFFFFE400  }
0x3b7: {  	_ =	swait.ge [sflag:s8], $0x1C00  }
0x3b8: {  	[sflag:s8] =	ssyncset.done $0x0  }
0x3b9: {  	[sflag:s8] =	ssyncadd.s32 $0xFFFFE400  }
0x3ba: {  	_ =	swait.ge [sflag:s7], $0x1C00  }
0x3bb: {  	[sflag:s7] =	ssyncset.done $0x0  }
0x3bc: {  	[sflag:s7] =	ssyncadd.s32 $0xFFFFE400  }
0x3bd: {  	_ =	swait.ge [sflag:s6], $0x1C00  }
0x3be: {  	[sflag:s6] =	ssyncset.done $0x0  }
0x3bf: {  	[sflag:s6] =	ssyncadd.s32 $0xFFFFE400  }
0x3c0: {  	_ =	swait.ge [sflag:s5], $0x1C00  }
0x3c1: {  	[sflag:s5] =	ssyncset.done $0x0  }
0x3c2: {  	[sflag:s5] =	ssyncadd.s32 $0xFFFFE400  }
0x3c3: {  	_ =	swait.ge [sflag:s4], $0x1C00  }
0x3c4: {  	[sflag:s4] =	ssyncset.done $0x0  }
0x3c5: {  	[sflag:s4] =	ssyncadd.s32 $0xFFFFE400  }
0x3c6: {  	_ =	sfence.sel $0x180000  }
0x3c7: {  	[bflag:$0x0] =	sbarrier.arrive $0xFFFF  }
0x3c8: {  	_ =	strace $0x90000047  }
0x3c9: {  	s31 =	stileid.u32;
	[bflag:$0x2] =	sbarrier.arrive $0xFFFF  }
0x3ca: {  	p0 =	sne.s32 s31, $0x0;
	s0 =	rddreg [dreg:$0x3]  }
0x3cb: {  	s0 =	sadd.s32 @!p0 $0x100000, s0  }
0x3cc: {  	[sflag:s0] =	ssyncadd.tile.s32 @!p0 $0x1;
	_ =	shalt  }
.Lfunc_end2:
_tile_overlayer_lowered:
.L_overlay_start_2:
0x3cd: {  	(tag) =	ssettag $0x2  }
0x3ce: {  	s0 =	rddreg [dreg:$0x0];
	s2 =	stileid.u32  }
0x3cf: {  	s1 =	rddreg [dreg:$0x1];
	p0 =	sne.s32 s2, $0x0  }
0x3d0: {  	s3 =	rddreg [dreg:$0x2];
	[bflag:$0x3] =	sbarrier.arrive $0xFFFF;
	s2 =	simm.s32 @!p0 $0x1C11  }
0x3d1: {  	[timem:s3], [sflag:s2] =	dma.local @!p0 [hbm:s0], s1  }
0x3d2: {  	s0 =	simm.s32 @!p0 $0x11  }
0x3d3: {  	_ =	swait.ge @!p0 [sflag:s0], s1  }
0x3d4: {  	s1 =	ssub.s32 @!p0 $0x0, s1;
	[sflag:s0] =	ssyncset.done @!p0 $0x0  }
0x3d5: {  	[sflag:s0] =	ssyncadd.s32 @!p0 s1  }
0x3d6: {  	[bflag:$0x3] =	sbarrier.arrive $0xFFFF  }
0x3d7: {  	_ =	shalt  }

</sc_bundles>
